<compile_context>
chip_gen: v7x
topology: tpu7x:2x2x1
jax: 0.10.2.dev20260603
libtpu: 0.0.44.dev20260713+nightly
codegen_flags: <defaults>
</compile_context>

<pallas_src>
import functools

import jax
import jax.numpy as jnp
from jax import lax
from jax.experimental import pallas as pl
from jax.experimental.pallas import tpu as pltpu
from jax.experimental.pallas import tpu_sc as plsc

B = 1024
N = 100000
K = 200
NC = 2
NS = 16
NW = NC * NS
ROWS_PER_W = B // NW
GROUPS_PER_W = ROWS_PER_W // 8

W = 13824
NFULL = N // W
TAILC = NFULL * W
TAILW = 3200
SIDEC = TAILC + TAILW
SIDEW = N - SIDEC
TAILX = TAILW + SIDEW
TBATCH = 36
NCHUNK = -(-K // 16)
LASTO = K - 16


def _extract(buf_v, idx_v, out_v, r0, cb, w):
    lanes = lax.iota(jnp.int32, 16)
    cb_vec = jnp.full((16,), cb, jnp.int32)
    w_vec = jnp.full((16,), w, jnp.uint32)

    def row_body(s, _):
        r = r0 + s
        row_s = jnp.full((16,), s, jnp.int32)
        row_r = jnp.full((16,), r, jnp.int32)
        for c in range(NCHUNK):
            o = c * 16 if c < NCHUNK - 1 else LASTO
            rel = idx_v[r, pl.ds(o, 16)] - cb_vec
            m = plsc.bitcast(rel, jnp.uint32) < w_vec
            v = plsc.load_gather(buf_v, [row_s, rel], mask=m)
            ovec = jnp.full((16,), o, jnp.int32) + lanes
            plsc.store_scatter(out_v, [row_r, ovec], v, mask=m)
        return 0

    lax.fori_loop(0, 8, row_body, 0)


def _gather_body(inp_hbm, side_hbm, idx_hbm, out_hbm,
                 idx_v, buf_v, side_v, out_v, sem):
    wid = lax.axis_index("s") * NC + lax.axis_index("c")
    r_base = wid * ROWS_PER_W

    pltpu.sync_copy(idx_hbm.at[pl.ds(r_base, ROWS_PER_W)], idx_v)
    pltpu.sync_copy(side_hbm.at[pl.ds(r_base, ROWS_PER_W)], side_v)

    def group_body(g, _):
        rg = r_base + g * 8
        r0 = g * 8

        def tile_dma(cb, t):
            return pltpu.make_async_copy(
                inp_hbm.at[pl.ds(rg, 8), pl.ds(cb + t * 128, 128)],
                buf_v.at[:, pl.ds(t * 128, 128)], sem)

        def stage(cb, nbatch):
            def batch_body(q, _):
                for u in range(TBATCH):
                    tile_dma(cb, q * TBATCH + u).start()
                for u in range(TBATCH):
                    tile_dma(cb, q * TBATCH + u).wait()
                return 0

            lax.fori_loop(0, nbatch, batch_body, 0)

        def block_body(b, _):
            cb = b * W
            stage(cb, W // 128 // TBATCH)
            _extract(buf_v, idx_v, out_v, r0, cb, W)
            return 0

        lax.fori_loop(0, NFULL, block_body, 0)

        pltpu.sync_copy(
            inp_hbm.at[pl.ds(rg, 8), pl.ds(TAILC, TAILW)],
            buf_v.at[:, pl.ds(0, TAILW)])

        def fill_body(s, _):
            for c2 in range(SIDEW // 16):
                buf_v[s, pl.ds(TAILW + c2 * 16, 16)] = (
                    side_v[r0 + s, pl.ds(c2 * 16, 16)])
            return 0

        lax.fori_loop(0, 8, fill_body, 0)
        _extract(buf_v, idx_v, out_v, r0, TAILC, TAILX)
        return 0

    lax.fori_loop(0, GROUPS_PER_W, group_body, 0)

    pltpu.sync_copy(out_v, out_hbm.at[pl.ds(r_base, ROWS_PER_W)])


@jax.jit
def _gather(inp, side, idx):
    mesh = plsc.VectorSubcoreMesh(core_axis_name="c", subcore_axis_name="s")
    k = functools.partial(
        pl.kernel,
        mesh=mesh,
        out_type=jax.ShapeDtypeStruct((B, K), jnp.float32),
        scratch_types=[
            pltpu.VMEM((ROWS_PER_W, K), jnp.int32),
            pltpu.VMEM((8, W), jnp.float32),
            pltpu.VMEM((ROWS_PER_W, SIDEW), jnp.float32),
            pltpu.VMEM((ROWS_PER_W, K), jnp.float32),
            pltpu.SemaphoreType.DMA,
        ],
        compiler_params=pltpu.CompilerParams(
            disable_bounds_checks=True, needs_layout_passes=False,
            skip_device_barrier=True),
    )(_gather_body)
    return k(inp, side, idx)


def kernel(input, index):
    side = lax.slice(input, (0, SIDEC), (B, N))
    return _gather(input, side, index.astype(jnp.int32))

# --- scband reference (transcript-rebuilt; emitter-appended) ---
"""Pipeline reference for scband-simple-gather-3375844294880 (READ-ONLY COPY).

The authoritative reference and input builder live on the scoring server;
editing this copy changes nothing except your own understanding.
"""

import jax, jax.numpy as jnp
import numpy as np


def setup_inputs(seed: int = 0) -> dict:
    key = jax.random.key(seed)
    k1, k2 = jax.random.split(key)
    input = jax.random.normal(k1, (1024, 100000), dtype=jnp.float32)
    index = jax.random.randint(k2, (1024, 200), 0, 100000, dtype=jnp.int64 if jax.config.jax_enable_x64 else jnp.int32)
    return {"input": input, "index": index}


def reference(input, index):
    # torch.gather(input, dim=1, index) == take_along_axis on axis 1
    return jnp.take_along_axis(input, index, axis=1)

if __name__ == "__main__":
    import jax
    _d = setup_inputs()
    print(jax.jit(kernel)(*tuple(_d.values())))

</pallas_src>

<mosaic_0001>
#map = affine_map<(d0, d1) -> (0, 0)>
module attributes {stable_mosaic.version = 14 : i64} {
  func.func @_gather_body(%arg0: i32, %arg1: i32, %arg2: memref<1024x100000xf32, #tpu.memory_space<hbm>>, %arg3: memref<1024x32xf32, #tpu.memory_space<hbm>>, %arg4: memref<1024x200xi32, #tpu.memory_space<hbm>>, %arg5: memref<1024x200xf32, #tpu.memory_space<hbm>>, %arg6: memref<32x200xi32, #tpu.memory_space<vmem>>, %arg7: memref<8x13824xf32, #tpu.memory_space<vmem>>, %arg8: memref<32x32xf32, #tpu.memory_space<vmem>>, %arg9: memref<32x200xf32, #tpu.memory_space<vmem>>, %arg10: memref<!tpu.dma_semaphore, #tpu.memory_space<semaphore_mem>>) attributes {dimension_semantics = [#tpu.dimension_semantics<core_parallel>, #tpu.dimension_semantics<subcore_parallel>], iteration_bounds = array<i64: 2, 16>, scalar_prefetch = 0 : i64, scratch_operands = 5 : i64, tpu.core_type = #tpu.core_type<sc_vector_subcore>, window_params = [{transform_indices = #map}, {transform_indices = #map}, {transform_indices = #map}, {transform_indices = #map}]} {
    %mul3A = arith.constant 2 : i32
    %mul3A_0 = arith.muli %arg1, %mul3A : i32
    %add3A = arith.addi %mul3A_0, %arg0 : i32
    %mul3A_1 = arith.constant 32 : i32
    %mul3A_2 = arith.muli %add3A, %mul3A_1 : i32
    "tpu.region"() ({
      %run_scoped3A = tpu.sem_alloc : memref<!tpu.dma_semaphore, #tpu.memory_space<semaphore_mem>>
      %dma_start3A = arith.constant 0 : i32
      %dma_start3A_9 = tpu.memref_slice %arg4[%mul3A_2, %dma_start3A] : memref<1024x200xi32, #tpu.memory_space<hbm>> -> memref<32x200xi32, #tpu.memory_space<hbm>>
      %dma_start3A_10 = arith.constant 0 : i32
      %dma_start3A_11 = tpu.memref_slice %arg4[%mul3A_2, %dma_start3A_10] : memref<1024x200xi32, #tpu.memory_space<hbm>> -> memref<32x200xi32, #tpu.memory_space<hbm>>
      tpu.enqueue_dma source(%dma_start3A_11 : memref<32x200xi32, #tpu.memory_space<hbm>>) target(%arg6 : memref<32x200xi32, #tpu.memory_space<vmem>>) target_semaphore(%run_scoped3A : memref<!tpu.dma_semaphore, #tpu.memory_space<semaphore_mem>>)
      %dma_wait3A = arith.constant 0 : i32
      %dma_wait3A_12 = tpu.memref_slice %arg4[%mul3A_2, %dma_wait3A] : memref<1024x200xi32, #tpu.memory_space<hbm>> -> memref<32x200xi32, #tpu.memory_space<hbm>>
      %dma_wait3A_13 = arith.constant 0 : i32
      %dma_wait3A_14 = tpu.memref_slice %arg4[%mul3A_2, %dma_wait3A_13] : memref<1024x200xi32, #tpu.memory_space<hbm>> -> memref<32x200xi32, #tpu.memory_space<hbm>>
      tpu.wait_dma2 semaphore(%run_scoped3A : memref<!tpu.dma_semaphore, #tpu.memory_space<semaphore_mem>>) src(%dma_wait3A_14 : memref<32x200xi32, #tpu.memory_space<hbm>>) dst(%arg6 : memref<32x200xi32, #tpu.memory_space<vmem>>)
      tpu.yield
    }) : () -> ()
    "tpu.region"() ({
      %run_scoped3A = tpu.sem_alloc : memref<!tpu.dma_semaphore, #tpu.memory_space<semaphore_mem>>
      %dma_start3A = arith.constant 0 : i32
      %dma_start3A_9 = tpu.memref_slice %arg3[%mul3A_2, %dma_start3A] : memref<1024x32xf32, #tpu.memory_space<hbm>> -> memref<32x32xf32, #tpu.memory_space<hbm>>
      %dma_start3A_10 = arith.constant 0 : i32
      %dma_start3A_11 = tpu.memref_slice %arg3[%mul3A_2, %dma_start3A_10] : memref<1024x32xf32, #tpu.memory_space<hbm>> -> memref<32x32xf32, #tpu.memory_space<hbm>>
      tpu.enqueue_dma source(%dma_start3A_11 : memref<32x32xf32, #tpu.memory_space<hbm>>) target(%arg8 : memref<32x32xf32, #tpu.memory_space<vmem>>) target_semaphore(%run_scoped3A : memref<!tpu.dma_semaphore, #tpu.memory_space<semaphore_mem>>)
      %dma_wait3A = arith.constant 0 : i32
      %dma_wait3A_12 = tpu.memref_slice %arg3[%mul3A_2, %dma_wait3A] : memref<1024x32xf32, #tpu.memory_space<hbm>> -> memref<32x32xf32, #tpu.memory_space<hbm>>
      %dma_wait3A_13 = arith.constant 0 : i32
      %dma_wait3A_14 = tpu.memref_slice %arg3[%mul3A_2, %dma_wait3A_13] : memref<1024x32xf32, #tpu.memory_space<hbm>> -> memref<32x32xf32, #tpu.memory_space<hbm>>
      tpu.wait_dma2 semaphore(%run_scoped3A : memref<!tpu.dma_semaphore, #tpu.memory_space<semaphore_mem>>) src(%dma_wait3A_14 : memref<32x32xf32, #tpu.memory_space<hbm>>) dst(%arg8 : memref<32x32xf32, #tpu.memory_space<vmem>>)
      tpu.yield
    }) : () -> ()
    %scan3A = arith.constant 0 : i32
    %scan3A_3 = arith.constant 0 : i32
    %scan3A_4 = arith.constant 4 : i32
    %scan3A_5 = arith.addi %scan3A_3, %scan3A_4 : i32
    %scan3A_6 = arith.constant 1 : i32
    %scan3A_7 = scf.for %scan3A_9 = %scan3A_3 to %scan3A_5 step %scan3A_6 iter_args(%scan3A_10 = %scan3A) -> (i32)  : i32 {
      %mul3A_11 = arith.constant 8 : i32
      %mul3A_12 = arith.muli %scan3A_9, %mul3A_11 : i32
      %add3A_13 = arith.addi %mul3A_2, %mul3A_12 : i32
      %mul3A_14 = arith.constant 8 : i32
      %mul3A_15 = arith.muli %scan3A_9, %mul3A_14 : i32
      %scan3A_16 = arith.constant 0 : i32
      %scan3A_17 = arith.constant 0 : i32
      %scan3A_18 = arith.constant 7 : i32
      %scan3A_19 = arith.addi %scan3A_17, %scan3A_18 : i32
      %scan3A_20 = arith.constant 1 : i32
      %scan3A_21 = scf.for %scan3A_41 = %scan3A_17 to %scan3A_19 step %scan3A_20 iter_args(%scan3A_42 = %scan3A_16) -> (i32)  : i32 {
        %mul3A_43 = arith.constant 13824 : i32
        %mul3A_44 = arith.muli %scan3A_41, %mul3A_43 : i32
        %scan3A_45 = arith.constant 0 : i32
        %scan3A_46 = arith.constant 0 : i32
        %scan3A_47 = arith.constant 3 : i32
        %scan3A_48 = arith.addi %scan3A_46, %scan3A_47 : i32
        %scan3A_49 = arith.constant 1 : i32
        %scan3A_50 = scf.for %scan3A_64 = %scan3A_46 to %scan3A_48 step %scan3A_49 iter_args(%scan3A_65 = %scan3A_45) -> (i32)  : i32 {
          %mul3A_66 = arith.constant 36 : i32
          %mul3A_67 = arith.muli %scan3A_64, %mul3A_66 : i32
          %add3A_68 = arith.constant 0 : i32
          %add3A_69 = arith.addi %mul3A_67, %add3A_68 : i32
          %mul3A_70 = arith.constant 128 : i32
          %mul3A_71 = arith.muli %add3A_69, %mul3A_70 : i32
          %add3A_72 = arith.addi %mul3A_44, %mul3A_71 : i32
          %mul3A_73 = arith.constant 128 : i32
          %mul3A_74 = arith.muli %add3A_69, %mul3A_73 : i32
          %dma_start3A = arith.constant 0 : i32
          %dma_start3A_75 = tpu.memref_slice %arg7[%dma_start3A, %mul3A_74] : memref<8x13824xf32, #tpu.memory_space<vmem>> -> memref<8x128xf32, #tpu.memory_space<vmem>>
          %dma_start3A_76 = tpu.memref_slice %arg2[%add3A_13, %add3A_72] : memref<1024x100000xf32, #tpu.memory_space<hbm>> -> memref<8x128xf32, #tpu.memory_space<hbm>>
          %dma_start3A_77 = arith.constant 0 : i32
          %dma_start3A_78 = tpu.memref_slice %arg7[%dma_start3A_77, %mul3A_74] : memref<8x13824xf32, #tpu.memory_space<vmem>> -> memref<8x128xf32, #tpu.memory_space<vmem>>
          %dma_start3A_79 = tpu.memref_slice %arg2[%add3A_13, %add3A_72] : memref<1024x100000xf32, #tpu.memory_space<hbm>> -> memref<8x128xf32, #tpu.memory_space<hbm>>
          tpu.enqueue_dma source(%dma_start3A_79 : memref<8x128xf32, #tpu.memory_space<hbm>>) target(%dma_start3A_78 : memref<8x128xf32, #tpu.memory_space<vmem>>) target_semaphore(%arg10 : memref<!tpu.dma_semaphore, #tpu.memory_space<semaphore_mem>>)
          %mul3A_80 = arith.constant 36 : i32
          %mul3A_81 = arith.muli %scan3A_64, %mul3A_80 : i32
          %add3A_82 = arith.constant 1 : i32
          %add3A_83 = arith.addi %mul3A_81, %add3A_82 : i32
          %mul3A_84 = arith.constant 128 : i32
          %mul3A_85 = arith.muli %add3A_83, %mul3A_84 : i32
          %add3A_86 = arith.addi %mul3A_44, %mul3A_85 : i32
          %mul3A_87 = arith.constant 128 : i32
          %mul3A_88 = arith.muli %add3A_83, %mul3A_87 : i32
          %dma_start3A_89 = arith.constant 0 : i32
          %dma_start3A_90 = tpu.memref_slice %arg7[%dma_start3A_89, %mul3A_88] : memref<8x13824xf32, #tpu.memory_space<vmem>> -> memref<8x128xf32, #tpu.memory_space<vmem>>
          %dma_start3A_91 = tpu.memref_slice %arg2[%add3A_13, %add3A_86] : memref<1024x100000xf32, #tpu.memory_space<hbm>> -> memref<8x128xf32, #tpu.memory_space<hbm>>
          %dma_start3A_92 = arith.constant 0 : i32
          %dma_start3A_93 = tpu.memref_slice %arg7[%dma_start3A_92, %mul3A_88] : memref<8x13824xf32, #tpu.memory_space<vmem>> -> memref<8x128xf32, #tpu.memory_space<vmem>>
          %dma_start3A_94 = tpu.memref_slice %arg2[%add3A_13, %add3A_86] : memref<1024x100000xf32, #tpu.memory_space<hbm>> -> memref<8x128xf32, #tpu.memory_space<hbm>>
          tpu.enqueue_dma source(%dma_start3A_94 : memref<8x128xf32, #tpu.memory_space<hbm>>) target(%dma_start3A_93 : memref<8x128xf32, #tpu.memory_space<vmem>>) target_semaphore(%arg10 : memref<!tpu.dma_semaphore, #tpu.memory_space<semaphore_mem>>)
          %mul3A_95 = arith.constant 36 : i32
          %mul3A_96 = arith.muli %scan3A_64, %mul3A_95 : i32
          %add3A_97 = arith.constant 2 : i32
          %add3A_98 = arith.addi %mul3A_96, %add3A_97 : i32
          %mul3A_99 = arith.constant 128 : i32
          %mul3A_100 = arith.muli %add3A_98, %mul3A_99 : i32
          %add3A_101 = arith.addi %mul3A_44, %mul3A_100 : i32
          %mul3A_102 = arith.constant 128 : i32
          %mul3A_103 = arith.muli %add3A_98, %mul3A_102 : i32
          %dma_start3A_104 = arith.constant 0 : i32
          %dma_start3A_105 = tpu.memref_slice %arg7[%dma_start3A_104, %mul3A_103] : memref<8x13824xf32, #tpu.memory_space<vmem>> -> memref<8x128xf32, #tpu.memory_space<vmem>>
          %dma_start3A_106 = tpu.memref_slice %arg2[%add3A_13, %add3A_101] : memref<1024x100000xf32, #tpu.memory_space<hbm>> -> memref<8x128xf32, #tpu.memory_space<hbm>>
          %dma_start3A_107 = arith.constant 0 : i32
          %dma_start3A_108 = tpu.memref_slice %arg7[%dma_start3A_107, %mul3A_103] : memref<8x13824xf32, #tpu.memory_space<vmem>> -> memref<8x128xf32, #tpu.memory_space<vmem>>
          %dma_start3A_109 = tpu.memref_slice %arg2[%add3A_13, %add3A_101] : memref<1024x100000xf32, #tpu.memory_space<hbm>> -> memref<8x128xf32, #tpu.memory_space<hbm>>
          tpu.enqueue_dma source(%dma_start3A_109 : memref<8x128xf32, #tpu.memory_space<hbm>>) target(%dma_start3A_108 : memref<8x128xf32, #tpu.memory_space<vmem>>) target_semaphore(%arg10 : memref<!tpu.dma_semaphore, #tpu.memory_space<semaphore_mem>>)
          %mul3A_110 = arith.constant 36 : i32
          %mul3A_111 = arith.muli %scan3A_64, %mul3A_110 : i32
          %add3A_112 = arith.constant 3 : i32
          %add3A_113 = arith.addi %mul3A_111, %add3A_112 : i32
          %mul3A_114 = arith.constant 128 : i32
          %mul3A_115 = arith.muli %add3A_113, %mul3A_114 : i32
          %add3A_116 = arith.addi %mul3A_44, %mul3A_115 : i32
          %mul3A_117 = arith.constant 128 : i32
          %mul3A_118 = arith.muli %add3A_113, %mul3A_117 : i32
          %dma_start3A_119 = arith.constant 0 : i32
          %dma_start3A_120 = tpu.memref_slice %arg7[%dma_start3A_119, %mul3A_118] : memref<8x13824xf32, #tpu.memory_space<vmem>> -> memref<8x128xf32, #tpu.memory_space<vmem>>
          %dma_start3A_121 = tpu.memref_slice %arg2[%add3A_13, %add3A_116] : memref<1024x100000xf32, #tpu.memory_space<hbm>> -> memref<8x128xf32, #tpu.memory_space<hbm>>
          %dma_start3A_122 = arith.constant 0 : i32
          %dma_start3A_123 = tpu.memref_slice %arg7[%dma_start3A_122, %mul3A_118] : memref<8x13824xf32, #tpu.memory_space<vmem>> -> memref<8x128xf32, #tpu.memory_space<vmem>>
          %dma_start3A_124 = tpu.memref_slice %arg2[%add3A_13, %add3A_116] : memref<1024x100000xf32, #tpu.memory_space<hbm>> -> memref<8x128xf32, #tpu.memory_space<hbm>>
          tpu.enqueue_dma source(%dma_start3A_124 : memref<8x128xf32, #tpu.memory_space<hbm>>) target(%dma_start3A_123 : memref<8x128xf32, #tpu.memory_space<vmem>>) target_semaphore(%arg10 : memref<!tpu.dma_semaphore, #tpu.memory_space<semaphore_mem>>)
          %mul3A_125 = arith.constant 36 : i32
          %mul3A_126 = arith.muli %scan3A_64, %mul3A_125 : i32
          %add3A_127 = arith.constant 4 : i32
          %add3A_128 = arith.addi %mul3A_126, %add3A_127 : i32
          %mul3A_129 = arith.constant 128 : i32
          %mul3A_130 = arith.muli %add3A_128, %mul3A_129 : i32
          %add3A_131 = arith.addi %mul3A_44, %mul3A_130 : i32
          %mul3A_132 = arith.constant 128 : i32
          %mul3A_133 = arith.muli %add3A_128, %mul3A_132 : i32
          %dma_start3A_134 = arith.constant 0 : i32
          %dma_start3A_135 = tpu.memref_slice %arg7[%dma_start3A_134, %mul3A_133] : memref<8x13824xf32, #tpu.memory_space<vmem>> -> memref<8x128xf32, #tpu.memory_space<vmem>>
          %dma_start3A_136 = tpu.memref_slice %arg2[%add3A_13, %add3A_131] : memref<1024x100000xf32, #tpu.memory_space<hbm>> -> memref<8x128xf32, #tpu.memory_space<hbm>>
          %dma_start3A_137 = arith.constant 0 : i32
          %dma_start3A_138 = tpu.memref_slice %arg7[%dma_start3A_137, %mul3A_133] : memref<8x13824xf32, #tpu.memory_space<vmem>> -> memref<8x128xf32, #tpu.memory_space<vmem>>
          %dma_start3A_139 = tpu.memref_slice %arg2[%add3A_13, %add3A_131] : memref<1024x100000xf32, #tpu.memory_space<hbm>> -> memref<8x128xf32, #tpu.memory_space<hbm>>
          tpu.enqueue_dma source(%dma_start3A_139 : memref<8x128xf32, #tpu.memory_space<hbm>>) target(%dma_start3A_138 : memref<8x128xf32, #tpu.memory_space<vmem>>) target_semaphore(%arg10 : memref<!tpu.dma_semaphore, #tpu.memory_space<semaphore_mem>>)
          %mul3A_140 = arith.constant 36 : i32
          %mul3A_141 = arith.muli %scan3A_64, %mul3A_140 : i32
          %add3A_142 = arith.constant 5 : i32
          %add3A_143 = arith.addi %mul3A_141, %add3A_142 : i32
          %mul3A_144 = arith.constant 128 : i32
          %mul3A_145 = arith.muli %add3A_143, %mul3A_144 : i32
          %add3A_146 = arith.addi %mul3A_44, %mul3A_145 : i32
          %mul3A_147 = arith.constant 128 : i32
          %mul3A_148 = arith.muli %add3A_143, %mul3A_147 : i32
          %dma_start3A_149 = arith.constant 0 : i32
          %dma_start3A_150 = tpu.memref_slice %arg7[%dma_start3A_149, %mul3A_148] : memref<8x13824xf32, #tpu.memory_space<vmem>> -> memref<8x128xf32, #tpu.memory_space<vmem>>
          %dma_start3A_151 = tpu.memref_slice %arg2[%add3A_13, %add3A_146] : memref<1024x100000xf32, #tpu.memory_space<hbm>> -> memref<8x128xf32, #tpu.memory_space<hbm>>
          %dma_start3A_152 = arith.constant 0 : i32
          %dma_start3A_153 = tpu.memref_slice %arg7[%dma_start3A_152, %mul3A_148] : memref<8x13824xf32, #tpu.memory_space<vmem>> -> memref<8x128xf32, #tpu.memory_space<vmem>>
          %dma_start3A_154 = tpu.memref_slice %arg2[%add3A_13, %add3A_146] : memref<1024x100000xf32, #tpu.memory_space<hbm>> -> memref<8x128xf32, #tpu.memory_space<hbm>>
          tpu.enqueue_dma source(%dma_start3A_154 : memref<8x128xf32, #tpu.memory_space<hbm>>) target(%dma_start3A_153 : memref<8x128xf32, #tpu.memory_space<vmem>>) target_semaphore(%arg10 : memref<!tpu.dma_semaphore, #tpu.memory_space<semaphore_mem>>)
          %mul3A_155 = arith.constant 36 : i32
          %mul3A_156 = arith.muli %scan3A_64, %mul3A_155 : i32
          %add3A_157 = arith.constant 6 : i32
          %add3A_158 = arith.addi %mul3A_156, %add3A_157 : i32
          %mul3A_159 = arith.constant 128 : i32
          %mul3A_160 = arith.muli %add3A_158, %mul3A_159 : i32
          %add3A_161 = arith.addi %mul3A_44, %mul3A_160 : i32
          %mul3A_162 = arith.constant 128 : i32
          %mul3A_163 = arith.muli %add3A_158, %mul3A_162 : i32
          %dma_start3A_164 = arith.constant 0 : i32
          %dma_start3A_165 = tpu.memref_slice %arg7[%dma_start3A_164, %mul3A_163] : memref<8x13824xf32, #tpu.memory_space<vmem>> -> memref<8x128xf32, #tpu.memory_space<vmem>>
          %dma_start3A_166 = tpu.memref_slice %arg2[%add3A_13, %add3A_161] : memref<1024x100000xf32, #tpu.memory_space<hbm>> -> memref<8x128xf32, #tpu.memory_space<hbm>>
          %dma_start3A_167 = arith.constant 0 : i32
          %dma_start3A_168 = tpu.memref_slice %arg7[%dma_start3A_167, %mul3A_163] : memref<8x13824xf32, #tpu.memory_space<vmem>> -> memref<8x128xf32, #tpu.memory_space<vmem>>
          %dma_start3A_169 = tpu.memref_slice %arg2[%add3A_13, %add3A_161] : memref<1024x100000xf32, #tpu.memory_space<hbm>> -> memref<8x128xf32, #tpu.memory_space<hbm>>
          tpu.enqueue_dma source(%dma_start3A_169 : memref<8x128xf32, #tpu.memory_space<hbm>>) target(%dma_start3A_168 : memref<8x128xf32, #tpu.memory_space<vmem>>) target_semaphore(%arg10 : memref<!tpu.dma_semaphore, #tpu.memory_space<semaphore_mem>>)
          %mul3A_170 = arith.constant 36 : i32
          %mul3A_171 = arith.muli %scan3A_64, %mul3A_170 : i32
          %add3A_172 = arith.constant 7 : i32
          %add3A_173 = arith.addi %mul3A_171, %add3A_172 : i32
          %mul3A_174 = arith.constant 128 : i32
          %mul3A_175 = arith.muli %add3A_173, %mul3A_174 : i32
          %add3A_176 = arith.addi %mul3A_44, %mul3A_175 : i32
          %mul3A_177 = arith.constant 128 : i32
          %mul3A_178 = arith.muli %add3A_173, %mul3A_177 : i32
          %dma_start3A_179 = arith.constant 0 : i32
          %dma_start3A_180 = tpu.memref_slice %arg7[%dma_start3A_179, %mul3A_178] : memref<8x13824xf32, #tpu.memory_space<vmem>> -> memref<8x128xf32, #tpu.memory_space<vmem>>
          %dma_start3A_181 = tpu.memref_slice %arg2[%add3A_13, %add3A_176] : memref<1024x100000xf32, #tpu.memory_space<hbm>> -> memref<8x128xf32, #tpu.memory_space<hbm>>
          %dma_start3A_182 = arith.constant 0 : i32
          %dma_start3A_183 = tpu.memref_slice %arg7[%dma_start3A_182, %mul3A_178] : memref<8x13824xf32, #tpu.memory_space<vmem>> -> memref<8x128xf32, #tpu.memory_space<vmem>>
          %dma_start3A_184 = tpu.memref_slice %arg2[%add3A_13, %add3A_176] : memref<1024x100000xf32, #tpu.memory_space<hbm>> -> memref<8x128xf32, #tpu.memory_space<hbm>>
          tpu.enqueue_dma source(%dma_start3A_184 : memref<8x128xf32, #tpu.memory_space<hbm>>) target(%dma_start3A_183 : memref<8x128xf32, #tpu.memory_space<vmem>>) target_semaphore(%arg10 : memref<!tpu.dma_semaphore, #tpu.memory_space<semaphore_mem>>)
          %mul3A_185 = arith.constant 36 : i32
          %mul3A_186 = arith.muli %scan3A_64, %mul3A_185 : i32
          %add3A_187 = arith.constant 8 : i32
          %add3A_188 = arith.addi %mul3A_186, %add3A_187 : i32
          %mul3A_189 = arith.constant 128 : i32
          %mul3A_190 = arith.muli %add3A_188, %mul3A_189 : i32
          %add3A_191 = arith.addi %mul3A_44, %mul3A_190 : i32
          %mul3A_192 = arith.constant 128 : i32
          %mul3A_193 = arith.muli %add3A_188, %mul3A_192 : i32
          %dma_start3A_194 = arith.constant 0 : i32
          %dma_start3A_195 = tpu.memref_slice %arg7[%dma_start3A_194, %mul3A_193] : memref<8x13824xf32, #tpu.memory_space<vmem>> -> memref<8x128xf32, #tpu.memory_space<vmem>>
          %dma_start3A_196 = tpu.memref_slice %arg2[%add3A_13, %add3A_191] : memref<1024x100000xf32, #tpu.memory_space<hbm>> -> memref<8x128xf32, #tpu.memory_space<hbm>>
          %dma_start3A_197 = arith.constant 0 : i32
          %dma_start3A_198 = tpu.memref_slice %arg7[%dma_start3A_197, %mul3A_193] : memref<8x13824xf32, #tpu.memory_space<vmem>> -> memref<8x128xf32, #tpu.memory_space<vmem>>
          %dma_start3A_199 = tpu.memref_slice %arg2[%add3A_13, %add3A_191] : memref<1024x100000xf32, #tpu.memory_space<hbm>> -> memref<8x128xf32, #tpu.memory_space<hbm>>
          tpu.enqueue_dma source(%dma_start3A_199 : memref<8x128xf32, #tpu.memory_space<hbm>>) target(%dma_start3A_198 : memref<8x128xf32, #tpu.memory_space<vmem>>) target_semaphore(%arg10 : memref<!tpu.dma_semaphore, #tpu.memory_space<semaphore_mem>>)
          %mul3A_200 = arith.constant 36 : i32
          %mul3A_201 = arith.muli %scan3A_64, %mul3A_200 : i32
          %add3A_202 = arith.constant 9 : i32
          %add3A_203 = arith.addi %mul3A_201, %add3A_202 : i32
          %mul3A_204 = arith.constant 128 : i32
          %mul3A_205 = arith.muli %add3A_203, %mul3A_204 : i32
          %add3A_206 = arith.addi %mul3A_44, %mul3A_205 : i32
          %mul3A_207 = arith.constant 128 : i32
          %mul3A_208 = arith.muli %add3A_203, %mul3A_207 : i32
          %dma_start3A_209 = arith.constant 0 : i32
          %dma_start3A_210 = tpu.memref_slice %arg7[%dma_start3A_209, %mul3A_208] : memref<8x13824xf32, #tpu.memory_space<vmem>> -> memref<8x128xf32, #tpu.memory_space<vmem>>
          %dma_start3A_211 = tpu.memref_slice %arg2[%add3A_13, %add3A_206] : memref<1024x100000xf32, #tpu.memory_space<hbm>> -> memref<8x128xf32, #tpu.memory_space<hbm>>
          %dma_start3A_212 = arith.constant 0 : i32
          %dma_start3A_213 = tpu.memref_slice %arg7[%dma_start3A_212, %mul3A_208] : memref<8x13824xf32, #tpu.memory_space<vmem>> -> memref<8x128xf32, #tpu.memory_space<vmem>>
          %dma_start3A_214 = tpu.memref_slice %arg2[%add3A_13, %add3A_206] : memref<1024x100000xf32, #tpu.memory_space<hbm>> -> memref<8x128xf32, #tpu.memory_space<hbm>>
          tpu.enqueue_dma source(%dma_start3A_214 : memref<8x128xf32, #tpu.memory_space<hbm>>) target(%dma_start3A_213 : memref<8x128xf32, #tpu.memory_space<vmem>>) target_semaphore(%arg10 : memref<!tpu.dma_semaphore, #tpu.memory_space<semaphore_mem>>)
          %mul3A_215 = arith.constant 36 : i32
          %mul3A_216 = arith.muli %scan3A_64, %mul3A_215 : i32
          %add3A_217 = arith.constant 10 : i32
          %add3A_218 = arith.addi %mul3A_216, %add3A_217 : i32
          %mul3A_219 = arith.constant 128 : i32
          %mul3A_220 = arith.muli %add3A_218, %mul3A_219 : i32
          %add3A_221 = arith.addi %mul3A_44, %mul3A_220 : i32
          %mul3A_222 = arith.constant 128 : i32
          %mul3A_223 = arith.muli %add3A_218, %mul3A_222 : i32
          %dma_start3A_224 = arith.constant 0 : i32
          %dma_start3A_225 = tpu.memref_slice %arg7[%dma_start3A_224, %mul3A_223] : memref<8x13824xf32, #tpu.memory_space<vmem>> -> memref<8x128xf32, #tpu.memory_space<vmem>>
          %dma_start3A_226 = tpu.memref_slice %arg2[%add3A_13, %add3A_221] : memref<1024x100000xf32, #tpu.memory_space<hbm>> -> memref<8x128xf32, #tpu.memory_space<hbm>>
          %dma_start3A_227 = arith.constant 0 : i32
          %dma_start3A_228 = tpu.memref_slice %arg7[%dma_start3A_227, %mul3A_223] : memref<8x13824xf32, #tpu.memory_space<vmem>> -> memref<8x128xf32, #tpu.memory_space<vmem>>
          %dma_start3A_229 = tpu.memref_slice %arg2[%add3A_13, %add3A_221] : memref<1024x100000xf32, #tpu.memory_space<hbm>> -> memref<8x128xf32, #tpu.memory_space<hbm>>
          tpu.enqueue_dma source(%dma_start3A_229 : memref<8x128xf32, #tpu.memory_space<hbm>>) target(%dma_start3A_228 : memref<8x128xf32, #tpu.memory_space<vmem>>) target_semaphore(%arg10 : memref<!tpu.dma_semaphore, #tpu.memory_space<semaphore_mem>>)
          %mul3A_230 = arith.constant 36 : i32
          %mul3A_231 = arith.muli %scan3A_64, %mul3A_230 : i32
          %add3A_232 = arith.constant 11 : i32
          %add3A_233 = arith.addi %mul3A_231, %add3A_232 : i32
          %mul3A_234 = arith.constant 128 : i32
          %mul3A_235 = arith.muli %add3A_233, %mul3A_234 : i32
          %add3A_236 = arith.addi %mul3A_44, %mul3A_235 : i32
          %mul3A_237 = arith.constant 128 : i32
          %mul3A_238 = arith.muli %add3A_233, %mul3A_237 : i32
          %dma_start3A_239 = arith.constant 0 : i32
          %dma_start3A_240 = tpu.memref_slice %arg7[%dma_start3A_239, %mul3A_238] : memref<8x13824xf32, #tpu.memory_space<vmem>> -> memref<8x128xf32, #tpu.memory_space<vmem>>
          %dma_start3A_241 = tpu.memref_slice %arg2[%add3A_13, %add3A_236] : memref<1024x100000xf32, #tpu.memory_space<hbm>> -> memref<8x128xf32, #tpu.memory_space<hbm>>
          %dma_start3A_242 = arith.constant 0 : i32
          %dma_start3A_243 = tpu.memref_slice %arg7[%dma_start3A_242, %mul3A_238] : memref<8x13824xf32, #tpu.memory_space<vmem>> -> memref<8x128xf32, #tpu.memory_space<vmem>>
          %dma_start3A_244 = tpu.memref_slice %arg2[%add3A_13, %add3A_236] : memref<1024x100000xf32, #tpu.memory_space<hbm>> -> memref<8x128xf32, #tpu.memory_space<hbm>>
          tpu.enqueue_dma source(%dma_start3A_244 : memref<8x128xf32, #tpu.memory_space<hbm>>) target(%dma_start3A_243 : memref<8x128xf32, #tpu.memory_space<vmem>>) target_semaphore(%arg10 : memref<!tpu.dma_semaphore, #tpu.memory_space<semaphore_mem>>)
          %mul3A_245 = arith.constant 36 : i32
          %mul3A_246 = arith.muli %scan3A_64, %mul3A_245 : i32
          %add3A_247 = arith.constant 12 : i32
          %add3A_248 = arith.addi %mul3A_246, %add3A_247 : i32
          %mul3A_249 = arith.constant 128 : i32
          %mul3A_250 = arith.muli %add3A_248, %mul3A_249 : i32
          %add3A_251 = arith.addi %mul3A_44, %mul3A_250 : i32
          %mul3A_252 = arith.constant 128 : i32
          %mul3A_253 = arith.muli %add3A_248, %mul3A_252 : i32
          %dma_start3A_254 = arith.constant 0 : i32
          %dma_start3A_255 = tpu.memref_slice %arg7[%dma_start3A_254, %mul3A_253] : memref<8x13824xf32, #tpu.memory_space<vmem>> -> memref<8x128xf32, #tpu.memory_space<vmem>>
          %dma_start3A_256 = tpu.memref_slice %arg2[%add3A_13, %add3A_251] : memref<1024x100000xf32, #tpu.memory_space<hbm>> -> memref<8x128xf32, #tpu.memory_space<hbm>>
          %dma_start3A_257 = arith.constant 0 : i32
          %dma_start3A_258 = tpu.memref_slice %arg7[%dma_start3A_257, %mul3A_253] : memref<8x13824xf32, #tpu.memory_space<vmem>> -> memref<8x128xf32, #tpu.memory_space<vmem>>
          %dma_start3A_259 = tpu.memref_slice %arg2[%add3A_13, %add3A_251] : memref<1024x100000xf32, #tpu.memory_space<hbm>> -> memref<8x128xf32, #tpu.memory_space<hbm>>
          tpu.enqueue_dma source(%dma_start3A_259 : memref<8x128xf32, #tpu.memory_space<hbm>>) target(%dma_start3A_258 : memref<8x128xf32, #tpu.memory_space<vmem>>) target_semaphore(%arg10 : memref<!tpu.dma_semaphore, #tpu.memory_space<semaphore_mem>>)
          %mul3A_260 = arith.constant 36 : i32
          %mul3A_261 = arith.muli %scan3A_64, %mul3A_260 : i32
          %add3A_262 = arith.constant 13 : i32
          %add3A_263 = arith.addi %mul3A_261, %add3A_262 : i32
          %mul3A_264 = arith.constant 128 : i32
          %mul3A_265 = arith.muli %add3A_263, %mul3A_264 : i32
          %add3A_266 = arith.addi %mul3A_44, %mul3A_265 : i32
          %mul3A_267 = arith.constant 128 : i32
          %mul3A_268 = arith.muli %add3A_263, %mul3A_267 : i32
          %dma_start3A_269 = arith.constant 0 : i32
          %dma_start3A_270 = tpu.memref_slice %arg7[%dma_start3A_269, %mul3A_268] : memref<8x13824xf32, #tpu.memory_space<vmem>> -> memref<8x128xf32, #tpu.memory_space<vmem>>
          %dma_start3A_271 = tpu.memref_slice %arg2[%add3A_13, %add3A_266] : memref<1024x100000xf32, #tpu.memory_space<hbm>> -> memref<8x128xf32, #tpu.memory_space<hbm>>
          %dma_start3A_272 = arith.constant 0 : i32
          %dma_start3A_273 = tpu.memref_slice %arg7[%dma_start3A_272, %mul3A_268] : memref<8x13824xf32, #tpu.memory_space<vmem>> -> memref<8x128xf32, #tpu.memory_space<vmem>>
          %dma_start3A_274 = tpu.memref_slice %arg2[%add3A_13, %add3A_266] : memref<1024x100000xf32, #tpu.memory_space<hbm>> -> memref<8x128xf32, #tpu.memory_space<hbm>>
          tpu.enqueue_dma source(%dma_start3A_274 : memref<8x128xf32, #tpu.memory_space<hbm>>) target(%dma_start3A_273 : memref<8x128xf32, #tpu.memory_space<vmem>>) target_semaphore(%arg10 : memref<!tpu.dma_semaphore, #tpu.memory_space<semaphore_mem>>)
          %mul3A_275 = arith.constant 36 : i32
          %mul3A_276 = arith.muli %scan3A_64, %mul3A_275 : i32
          %add3A_277 = arith.constant 14 : i32
          %add3A_278 = arith.addi %mul3A_276, %add3A_277 : i32
          %mul3A_279 = arith.constant 128 : i32
          %mul3A_280 = arith.muli %add3A_278, %mul3A_279 : i32
          %add3A_281 = arith.addi %mul3A_44, %mul3A_280 : i32
          %mul3A_282 = arith.constant 128 : i32
          %mul3A_283 = arith.muli %add3A_278, %mul3A_282 : i32
          %dma_start3A_284 = arith.constant 0 : i32
          %dma_start3A_285 = tpu.memref_slice %arg7[%dma_start3A_284, %mul3A_283] : memref<8x13824xf32, #tpu.memory_space<vmem>> -> memref<8x128xf32, #tpu.memory_space<vmem>>
          %dma_start3A_286 = tpu.memref_slice %arg2[%add3A_13, %add3A_281] : memref<1024x100000xf32, #tpu.memory_space<hbm>> -> memref<8x128xf32, #tpu.memory_space<hbm>>
          %dma_start3A_287 = arith.constant 0 : i32
          %dma_start3A_288 = tpu.memref_slice %arg7[%dma_start3A_287, %mul3A_283] : memref<8x13824xf32, #tpu.memory_space<vmem>> -> memref<8x128xf32, #tpu.memory_space<vmem>>
          %dma_start3A_289 = tpu.memref_slice %arg2[%add3A_13, %add3A_281] : memref<1024x100000xf32, #tpu.memory_space<hbm>> -> memref<8x128xf32, #tpu.memory_space<hbm>>
          tpu.enqueue_dma source(%dma_start3A_289 : memref<8x128xf32, #tpu.memory_space<hbm>>) target(%dma_start3A_288 : memref<8x128xf32, #tpu.memory_space<vmem>>) target_semaphore(%arg10 : memref<!tpu.dma_semaphore, #tpu.memory_space<semaphore_mem>>)
          %mul3A_290 = arith.constant 36 : i32
          %mul3A_291 = arith.muli %scan3A_64, %mul3A_290 : i32
          %add3A_292 = arith.constant 15 : i32
          %add3A_293 = arith.addi %mul3A_291, %add3A_292 : i32
          %mul3A_294 = arith.constant 128 : i32
          %mul3A_295 = arith.muli %add3A_293, %mul3A_294 : i32
          %add3A_296 = arith.addi %mul3A_44, %mul3A_295 : i32
          %mul3A_297 = arith.constant 128 : i32
          %mul3A_298 = arith.muli %add3A_293, %mul3A_297 : i32
          %dma_start3A_299 = arith.constant 0 : i32
          %dma_start3A_300 = tpu.memref_slice %arg7[%dma_start3A_299, %mul3A_298] : memref<8x13824xf32, #tpu.memory_space<vmem>> -> memref<8x128xf32, #tpu.memory_space<vmem>>
          %dma_start3A_301 = tpu.memref_slice %arg2[%add3A_13, %add3A_296] : memref<1024x100000xf32, #tpu.memory_space<hbm>> -> memref<8x128xf32, #tpu.memory_space<hbm>>
          %dma_start3A_302 = arith.constant 0 : i32
          %dma_start3A_303 = tpu.memref_slice %arg7[%dma_start3A_302, %mul3A_298] : memref<8x13824xf32, #tpu.memory_space<vmem>> -> memref<8x128xf32, #tpu.memory_space<vmem>>
          %dma_start3A_304 = tpu.memref_slice %arg2[%add3A_13, %add3A_296] : memref<1024x100000xf32, #tpu.memory_space<hbm>> -> memref<8x128xf32, #tpu.memory_space<hbm>>
          tpu.enqueue_dma source(%dma_start3A_304 : memref<8x128xf32, #tpu.memory_space<hbm>>) target(%dma_start3A_303 : memref<8x128xf32, #tpu.memory_space<vmem>>) target_semaphore(%arg10 : memref<!tpu.dma_semaphore, #tpu.memory_space<semaphore_mem>>)
          %mul3A_305 = arith.constant 36 : i32
          %mul3A_306 = arith.muli %scan3A_64, %mul3A_305 : i32
          %add3A_307 = arith.constant 16 : i32
          %add3A_308 = arith.addi %mul3A_306, %add3A_307 : i32
          %mul3A_309 = arith.constant 128 : i32
          %mul3A_310 = arith.muli %add3A_308, %mul3A_309 : i32
          %add3A_311 = arith.addi %mul3A_44, %mul3A_310 : i32
          %mul3A_312 = arith.constant 128 : i32
          %mul3A_313 = arith.muli %add3A_308, %mul3A_312 : i32
          %dma_start3A_314 = arith.constant 0 : i32
          %dma_start3A_315 = tpu.memref_slice %arg7[%dma_start3A_314, %mul3A_313] : memref<8x13824xf32, #tpu.memory_space<vmem>> -> memref<8x128xf32, #tpu.memory_space<vmem>>
          %dma_start3A_316 = tpu.memref_slice %arg2[%add3A_13, %add3A_311] : memref<1024x100000xf32, #tpu.memory_space<hbm>> -> memref<8x128xf32, #tpu.memory_space<hbm>>
          %dma_start3A_317 = arith.constant 0 : i32
          %dma_start3A_318 = tpu.memref_slice %arg7[%dma_start3A_317, %mul3A_313] : memref<8x13824xf32, #tpu.memory_space<vmem>> -> memref<8x128xf32, #tpu.memory_space<vmem>>
          %dma_start3A_319 = tpu.memref_slice %arg2[%add3A_13, %add3A_311] : memref<1024x100000xf32, #tpu.memory_space<hbm>> -> memref<8x128xf32, #tpu.memory_space<hbm>>
          tpu.enqueue_dma source(%dma_start3A_319 : memref<8x128xf32, #tpu.memory_space<hbm>>) target(%dma_start3A_318 : memref<8x128xf32, #tpu.memory_space<vmem>>) target_semaphore(%arg10 : memref<!tpu.dma_semaphore, #tpu.memory_space<semaphore_mem>>)
          %mul3A_320 = arith.constant 36 : i32
          %mul3A_321 = arith.muli %scan3A_64, %mul3A_320 : i32
          %add3A_322 = arith.constant 17 : i32
          %add3A_323 = arith.addi %mul3A_321, %add3A_322 : i32
          %mul3A_324 = arith.constant 128 : i32
          %mul3A_325 = arith.muli %add3A_323, %mul3A_324 : i32
          %add3A_326 = arith.addi %mul3A_44, %mul3A_325 : i32
          %mul3A_327 = arith.constant 128 : i32
          %mul3A_328 = arith.muli %add3A_323, %mul3A_327 : i32
          %dma_start3A_329 = arith.constant 0 : i32
          %dma_start3A_330 = tpu.memref_slice %arg7[%dma_start3A_329, %mul3A_328] : memref<8x13824xf32, #tpu.memory_space<vmem>> -> memref<8x128xf32, #tpu.memory_space<vmem>>
          %dma_start3A_331 = tpu.memref_slice %arg2[%add3A_13, %add3A_326] : memref<1024x100000xf32, #tpu.memory_space<hbm>> -> memref<8x128xf32, #tpu.memory_space<hbm>>
          %dma_start3A_332 = arith.constant 0 : i32
          %dma_start3A_333 = tpu.memref_slice %arg7[%dma_start3A_332, %mul3A_328] : memref<8x13824xf32, #tpu.memory_space<vmem>> -> memref<8x128xf32, #tpu.memory_space<vmem>>
          %dma_start3A_334 = tpu.memref_slice %arg2[%add3A_13, %add3A_326] : memref<1024x100000xf32, #tpu.memory_space<hbm>> -> memref<8x128xf32, #tpu.memory_space<hbm>>
          tpu.enqueue_dma source(%dma_start3A_334 : memref<8x128xf32, #tpu.memory_space<hbm>>) target(%dma_start3A_333 : memref<8x128xf32, #tpu.memory_space<vmem>>) target_semaphore(%arg10 : memref<!tpu.dma_semaphore, #tpu.memory_space<semaphore_mem>>)
          %mul3A_335 = arith.constant 36 : i32
          %mul3A_336 = arith.muli %scan3A_64, %mul3A_335 : i32
          %add3A_337 = arith.constant 18 : i32
          %add3A_338 = arith.addi %mul3A_336, %add3A_337 : i32
          %mul3A_339 = arith.constant 128 : i32
          %mul3A_340 = arith.muli %add3A_338, %mul3A_339 : i32
          %add3A_341 = arith.addi %mul3A_44, %mul3A_340 : i32
          %mul3A_342 = arith.constant 128 : i32
          %mul3A_343 = arith.muli %add3A_338, %mul3A_342 : i32
          %dma_start3A_344 = arith.constant 0 : i32
          %dma_start3A_345 = tpu.memref_slice %arg7[%dma_start3A_344, %mul3A_343] : memref<8x13824xf32, #tpu.memory_space<vmem>> -> memref<8x128xf32, #tpu.memory_space<vmem>>
          %dma_start3A_346 = tpu.memref_slice %arg2[%add3A_13, %add3A_341] : memref<1024x100000xf32, #tpu.memory_space<hbm>> -> memref<8x128xf32, #tpu.memory_space<hbm>>
          %dma_start3A_347 = arith.constant 0 : i32
          %dma_start3A_348 = tpu.memref_slice %arg7[%dma_start3A_347, %mul3A_343] : memref<8x13824xf32, #tpu.memory_space<vmem>> -> memref<8x128xf32, #tpu.memory_space<vmem>>
          %dma_start3A_349 = tpu.memref_slice %arg2[%add3A_13, %add3A_341] : memref<1024x100000xf32, #tpu.memory_space<hbm>> -> memref<8x128xf32, #tpu.memory_space<hbm>>
          tpu.enqueue_dma source(%dma_start3A_349 : memref<8x128xf32, #tpu.memory_space<hbm>>) target(%dma_start3A_348 : memref<8x128xf32, #tpu.memory_space<vmem>>) target_semaphore(%arg10 : memref<!tpu.dma_semaphore, #tpu.memory_space<semaphore_mem>>)
          %mul3A_350 = arith.constant 36 : i32
          %mul3A_351 = arith.muli %scan3A_64, %mul3A_350 : i32
          %add3A_352 = arith.constant 19 : i32
          %add3A_353 = arith.addi %mul3A_351, %add3A_352 : i32
          %mul3A_354 = arith.constant 128 : i32
          %mul3A_355 = arith.muli %add3A_353, %mul3A_354 : i32
          %add3A_356 = arith.addi %mul3A_44, %mul3A_355 : i32
          %mul3A_357 = arith.constant 128 : i32
          %mul3A_358 = arith.muli %add3A_353, %mul3A_357 : i32
          %dma_start3A_359 = arith.constant 0 : i32
          %dma_start3A_360 = tpu.memref_slice %arg7[%dma_start3A_359, %mul3A_358] : memref<8x13824xf32, #tpu.memory_space<vmem>> -> memref<8x128xf32, #tpu.memory_space<vmem>>
          %dma_start3A_361 = tpu.memref_slice %arg2[%add3A_13, %add3A_356] : memref<1024x100000xf32, #tpu.memory_space<hbm>> -> memref<8x128xf32, #tpu.memory_space<hbm>>
          %dma_start3A_362 = arith.constant 0 : i32
          %dma_start3A_363 = tpu.memref_slice %arg7[%dma_start3A_362, %mul3A_358] : memref<8x13824xf32, #tpu.memory_space<vmem>> -> memref<8x128xf32, #tpu.memory_space<vmem>>
          %dma_start3A_364 = tpu.memref_slice %arg2[%add3A_13, %add3A_356] : memref<1024x100000xf32, #tpu.memory_space<hbm>> -> memref<8x128xf32, #tpu.memory_space<hbm>>
          tpu.enqueue_dma source(%dma_start3A_364 : memref<8x128xf32, #tpu.memory_space<hbm>>) target(%dma_start3A_363 : memref<8x128xf32, #tpu.memory_space<vmem>>) target_semaphore(%arg10 : memref<!tpu.dma_semaphore, #tpu.memory_space<semaphore_mem>>)
          %mul3A_365 = arith.constant 36 : i32
          %mul3A_366 = arith.muli %scan3A_64, %mul3A_365 : i32
          %add3A_367 = arith.constant 20 : i32
          %add3A_368 = arith.addi %mul3A_366, %add3A_367 : i32
          %mul3A_369 = arith.constant 128 : i32
          %mul3A_370 = arith.muli %add3A_368, %mul3A_369 : i32
          %add3A_371 = arith.addi %mul3A_44, %mul3A_370 : i32
          %mul3A_372 = arith.constant 128 : i32
          %mul3A_373 = arith.muli %add3A_368, %mul3A_372 : i32
          %dma_start3A_374 = arith.constant 0 : i32
          %dma_start3A_375 = tpu.memref_slice %arg7[%dma_start3A_374, %mul3A_373] : memref<8x13824xf32, #tpu.memory_space<vmem>> -> memref<8x128xf32, #tpu.memory_space<vmem>>
          %dma_start3A_376 = tpu.memref_slice %arg2[%add3A_13, %add3A_371] : memref<1024x100000xf32, #tpu.memory_space<hbm>> -> memref<8x128xf32, #tpu.memory_space<hbm>>
          %dma_start3A_377 = arith.constant 0 : i32
          %dma_start3A_378 = tpu.memref_slice %arg7[%dma_start3A_377, %mul3A_373] : memref<8x13824xf32, #tpu.memory_space<vmem>> -> memref<8x128xf32, #tpu.memory_space<vmem>>
          %dma_start3A_379 = tpu.memref_slice %arg2[%add3A_13, %add3A_371] : memref<1024x100000xf32, #tpu.memory_space<hbm>> -> memref<8x128xf32, #tpu.memory_space<hbm>>
          tpu.enqueue_dma source(%dma_start3A_379 : memref<8x128xf32, #tpu.memory_space<hbm>>) target(%dma_start3A_378 : memref<8x128xf32, #tpu.memory_space<vmem>>) target_semaphore(%arg10 : memref<!tpu.dma_semaphore, #tpu.memory_space<semaphore_mem>>)
          %mul3A_380 = arith.constant 36 : i32
          %mul3A_381 = arith.muli %scan3A_64, %mul3A_380 : i32
          %add3A_382 = arith.constant 21 : i32
          %add3A_383 = arith.addi %mul3A_381, %add3A_382 : i32
          %mul3A_384 = arith.constant 128 : i32
          %mul3A_385 = arith.muli %add3A_383, %mul3A_384 : i32
          %add3A_386 = arith.addi %mul3A_44, %mul3A_385 : i32
          %mul3A_387 = arith.constant 128 : i32
          %mul3A_388 = arith.muli %add3A_383, %mul3A_387 : i32
          %dma_start3A_389 = arith.constant 0 : i32
          %dma_start3A_390 = tpu.memref_slice %arg7[%dma_start3A_389, %mul3A_388] : memref<8x13824xf32, #tpu.memory_space<vmem>> -> memref<8x128xf32, #tpu.memory_space<vmem>>
          %dma_start3A_391 = tpu.memref_slice %arg2[%add3A_13, %add3A_386] : memref<1024x100000xf32, #tpu.memory_space<hbm>> -> memref<8x128xf32, #tpu.memory_space<hbm>>
          %dma_start3A_392 = arith.constant 0 : i32
          %dma_start3A_393 = tpu.memref_slice %arg7[%dma_start3A_392, %mul3A_388] : memref<8x13824xf32, #tpu.memory_space<vmem>> -> memref<8x128xf32, #tpu.memory_space<vmem>>
          %dma_start3A_394 = tpu.memref_slice %arg2[%add3A_13, %add3A_386] : memref<1024x100000xf32, #tpu.memory_space<hbm>> -> memref<8x128xf32, #tpu.memory_space<hbm>>
          tpu.enqueue_dma source(%dma_start3A_394 : memref<8x128xf32, #tpu.memory_space<hbm>>) target(%dma_start3A_393 : memref<8x128xf32, #tpu.memory_space<vmem>>) target_semaphore(%arg10 : memref<!tpu.dma_semaphore, #tpu.memory_space<semaphore_mem>>)
          %mul3A_395 = arith.constant 36 : i32
          %mul3A_396 = arith.muli %scan3A_64, %mul3A_395 : i32
          %add3A_397 = arith.constant 22 : i32
          %add3A_398 = arith.addi %mul3A_396, %add3A_397 : i32
          %mul3A_399 = arith.constant 128 : i32
          %mul3A_400 = arith.muli %add3A_398, %mul3A_399 : i32
          %add3A_401 = arith.addi %mul3A_44, %mul3A_400 : i32
          %mul3A_402 = arith.constant 128 : i32
          %mul3A_403 = arith.muli %add3A_398, %mul3A_402 : i32
          %dma_start3A_404 = arith.constant 0 : i32
          %dma_start3A_405 = tpu.memref_slice %arg7[%dma_start3A_404, %mul3A_403] : memref<8x13824xf32, #tpu.memory_space<vmem>> -> memref<8x128xf32, #tpu.memory_space<vmem>>
          %dma_start3A_406 = tpu.memref_slice %arg2[%add3A_13, %add3A_401] : memref<1024x100000xf32, #tpu.memory_space<hbm>> -> memref<8x128xf32, #tpu.memory_space<hbm>>
          %dma_start3A_407 = arith.constant 0 : i32
          %dma_start3A_408 = tpu.memref_slice %arg7[%dma_start3A_407, %mul3A_403] : memref<8x13824xf32, #tpu.memory_space<vmem>> -> memref<8x128xf32, #tpu.memory_space<vmem>>
          %dma_start3A_409 = tpu.memref_slice %arg2[%add3A_13, %add3A_401] : memref<1024x100000xf32, #tpu.memory_space<hbm>> -> memref<8x128xf32, #tpu.memory_space<hbm>>
          tpu.enqueue_dma source(%dma_start3A_409 : memref<8x128xf32, #tpu.memory_space<hbm>>) target(%dma_start3A_408 : memref<8x128xf32, #tpu.memory_space<vmem>>) target_semaphore(%arg10 : memref<!tpu.dma_semaphore, #tpu.memory_space<semaphore_mem>>)
          %mul3A_410 = arith.constant 36 : i32
          %mul3A_411 = arith.muli %scan3A_64, %mul3A_410 : i32
          %add3A_412 = arith.constant 23 : i32
          %add3A_413 = arith.addi %mul3A_411, %add3A_412 : i32
          %mul3A_414 = arith.constant 128 : i32
          %mul3A_415 = arith.muli %add3A_413, %mul3A_414 : i32
          %add3A_416 = arith.addi %mul3A_44, %mul3A_415 : i32
          %mul3A_417 = arith.constant 128 : i32
          %mul3A_418 = arith.muli %add3A_413, %mul3A_417 : i32
          %dma_start3A_419 = arith.constant 0 : i32
          %dma_start3A_420 = tpu.memref_slice %arg7[%dma_start3A_419, %mul3A_418] : memref<8x13824xf32, #tpu.memory_space<vmem>> -> memref<8x128xf32, #tpu.memory_space<vmem>>
          %dma_start3A_421 = tpu.memref_slice %arg2[%add3A_13, %add3A_416] : memref<1024x100000xf32, #tpu.memory_space<hbm>> -> memref<8x128xf32, #tpu.memory_space<hbm>>
          %dma_start3A_422 = arith.constant 0 : i32
          %dma_start3A_423 = tpu.memref_slice %arg7[%dma_start3A_422, %mul3A_418] : memref<8x13824xf32, #tpu.memory_space<vmem>> -> memref<8x128xf32, #tpu.memory_space<vmem>>
          %dma_start3A_424 = tpu.memref_slice %arg2[%add3A_13, %add3A_416] : memref<1024x100000xf32, #tpu.memory_space<hbm>> -> memref<8x128xf32, #tpu.memory_space<hbm>>
          tpu.enqueue_dma source(%dma_start3A_424 : memref<8x128xf32, #tpu.memory_space<hbm>>) target(%dma_start3A_423 : memref<8x128xf32, #tpu.memory_space<vmem>>) target_semaphore(%arg10 : memref<!tpu.dma_semaphore, #tpu.memory_space<semaphore_mem>>)
          %mul3A_425 = arith.constant 36 : i32
          %mul3A_426 = arith.muli %scan3A_64, %mul3A_425 : i32
          %add3A_427 = arith.constant 24 : i32
          %add3A_428 = arith.addi %mul3A_426, %add3A_427 : i32
          %mul3A_429 = arith.constant 128 : i32
          %mul3A_430 = arith.muli %add3A_428, %mul3A_429 : i32
          %add3A_431 = arith.addi %mul3A_44, %mul3A_430 : i32
          %mul3A_432 = arith.constant 128 : i32
          %mul3A_433 = arith.muli %add3A_428, %mul3A_432 : i32
          %dma_start3A_434 = arith.constant 0 : i32
          %dma_start3A_435 = tpu.memref_slice %arg7[%dma_start3A_434, %mul3A_433] : memref<8x13824xf32, #tpu.memory_space<vmem>> -> memref<8x128xf32, #tpu.memory_space<vmem>>
          %dma_start3A_436 = tpu.memref_slice %arg2[%add3A_13, %add3A_431] : memref<1024x100000xf32, #tpu.memory_space<hbm>> -> memref<8x128xf32, #tpu.memory_space<hbm>>
          %dma_start3A_437 = arith.constant 0 : i32
          %dma_start3A_438 = tpu.memref_slice %arg7[%dma_start3A_437, %mul3A_433] : memref<8x13824xf32, #tpu.memory_space<vmem>> -> memref<8x128xf32, #tpu.memory_space<vmem>>
          %dma_start3A_439 = tpu.memref_slice %arg2[%add3A_13, %add3A_431] : memref<1024x100000xf32, #tpu.memory_space<hbm>> -> memref<8x128xf32, #tpu.memory_space<hbm>>
          tpu.enqueue_dma source(%dma_start3A_439 : memref<8x128xf32, #tpu.memory_space<hbm>>) target(%dma_start3A_438 : memref<8x128xf32, #tpu.memory_space<vmem>>) target_semaphore(%arg10 : memref<!tpu.dma_semaphore, #tpu.memory_space<semaphore_mem>>)
          %mul3A_440 = arith.constant 36 : i32
          %mul3A_441 = arith.muli %scan3A_64, %mul3A_440 : i32
          %add3A_442 = arith.constant 25 : i32
          %add3A_443 = arith.addi %mul3A_441, %add3A_442 : i32
          %mul3A_444 = arith.constant 128 : i32
          %mul3A_445 = arith.muli %add3A_443, %mul3A_444 : i32
          %add3A_446 = arith.addi %mul3A_44, %mul3A_445 : i32
          %mul3A_447 = arith.constant 128 : i32
          %mul3A_448 = arith.muli %add3A_443, %mul3A_447 : i32
          %dma_start3A_449 = arith.constant 0 : i32
          %dma_start3A_450 = tpu.memref_slice %arg7[%dma_start3A_449, %mul3A_448] : memref<8x13824xf32, #tpu.memory_space<vmem>> -> memref<8x128xf32, #tpu.memory_space<vmem>>
          %dma_start3A_451 = tpu.memref_slice %arg2[%add3A_13, %add3A_446] : memref<1024x100000xf32, #tpu.memory_space<hbm>> -> memref<8x128xf32, #tpu.memory_space<hbm>>
          %dma_start3A_452 = arith.constant 0 : i32
          %dma_start3A_453 = tpu.memref_slice %arg7[%dma_start3A_452, %mul3A_448] : memref<8x13824xf32, #tpu.memory_space<vmem>> -> memref<8x128xf32, #tpu.memory_space<vmem>>
          %dma_start3A_454 = tpu.memref_slice %arg2[%add3A_13, %add3A_446] : memref<1024x100000xf32, #tpu.memory_space<hbm>> -> memref<8x128xf32, #tpu.memory_space<hbm>>
          tpu.enqueue_dma source(%dma_start3A_454 : memref<8x128xf32, #tpu.memory_space<hbm>>) target(%dma_start3A_453 : memref<8x128xf32, #tpu.memory_space<vmem>>) target_semaphore(%arg10 : memref<!tpu.dma_semaphore, #tpu.memory_space<semaphore_mem>>)
          %mul3A_455 = arith.constant 36 : i32
          %mul3A_456 = arith.muli %scan3A_64, %mul3A_455 : i32
          %add3A_457 = arith.constant 26 : i32
          %add3A_458 = arith.addi %mul3A_456, %add3A_457 : i32
          %mul3A_459 = arith.constant 128 : i32
          %mul3A_460 = arith.muli %add3A_458, %mul3A_459 : i32
          %add3A_461 = arith.addi %mul3A_44, %mul3A_460 : i32
          %mul3A_462 = arith.constant 128 : i32
          %mul3A_463 = arith.muli %add3A_458, %mul3A_462 : i32
          %dma_start3A_464 = arith.constant 0 : i32
          %dma_start3A_465 = tpu.memref_slice %arg7[%dma_start3A_464, %mul3A_463] : memref<8x13824xf32, #tpu.memory_space<vmem>> -> memref<8x128xf32, #tpu.memory_space<vmem>>
          %dma_start3A_466 = tpu.memref_slice %arg2[%add3A_13, %add3A_461] : memref<1024x100000xf32, #tpu.memory_space<hbm>> -> memref<8x128xf32, #tpu.memory_space<hbm>>
          %dma_start3A_467 = arith.constant 0 : i32
          %dma_start3A_468 = tpu.memref_slice %arg7[%dma_start3A_467, %mul3A_463] : memref<8x13824xf32, #tpu.memory_space<vmem>> -> memref<8x128xf32, #tpu.memory_space<vmem>>
          %dma_start3A_469 = tpu.memref_slice %arg2[%add3A_13, %add3A_461] : memref<1024x100000xf32, #tpu.memory_space<hbm>> -> memref<8x128xf32, #tpu.memory_space<hbm>>
          tpu.enqueue_dma source(%dma_start3A_469 : memref<8x128xf32, #tpu.memory_space<hbm>>) target(%dma_start3A_468 : memref<8x128xf32, #tpu.memory_space<vmem>>) target_semaphore(%arg10 : memref<!tpu.dma_semaphore, #tpu.memory_space<semaphore_mem>>)
          %mul3A_470 = arith.constant 36 : i32
          %mul3A_471 = arith.muli %scan3A_64, %mul3A_470 : i32
          %add3A_472 = arith.constant 27 : i32
          %add3A_473 = arith.addi %mul3A_471, %add3A_472 : i32
          %mul3A_474 = arith.constant 128 : i32
          %mul3A_475 = arith.muli %add3A_473, %mul3A_474 : i32
          %add3A_476 = arith.addi %mul3A_44, %mul3A_475 : i32
          %mul3A_477 = arith.constant 128 : i32
          %mul3A_478 = arith.muli %add3A_473, %mul3A_477 : i32
          %dma_start3A_479 = arith.constant 0 : i32
          %dma_start3A_480 = tpu.memref_slice %arg7[%dma_start3A_479, %mul3A_478] : memref<8x13824xf32, #tpu.memory_space<vmem>> -> memref<8x128xf32, #tpu.memory_space<vmem>>
          %dma_start3A_481 = tpu.memref_slice %arg2[%add3A_13, %add3A_476] : memref<1024x100000xf32, #tpu.memory_space<hbm>> -> memref<8x128xf32, #tpu.memory_space<hbm>>
          %dma_start3A_482 = arith.constant 0 : i32
          %dma_start3A_483 = tpu.memref_slice %arg7[%dma_start3A_482, %mul3A_478] : memref<8x13824xf32, #tpu.memory_space<vmem>> -> memref<8x128xf32, #tpu.memory_space<vmem>>
          %dma_start3A_484 = tpu.memref_slice %arg2[%add3A_13, %add3A_476] : memref<1024x100000xf32, #tpu.memory_space<hbm>> -> memref<8x128xf32, #tpu.memory_space<hbm>>
          tpu.enqueue_dma source(%dma_start3A_484 : memref<8x128xf32, #tpu.memory_space<hbm>>) target(%dma_start3A_483 : memref<8x128xf32, #tpu.memory_space<vmem>>) target_semaphore(%arg10 : memref<!tpu.dma_semaphore, #tpu.memory_space<semaphore_mem>>)
          %mul3A_485 = arith.constant 36 : i32
          %mul3A_486 = arith.muli %scan3A_64, %mul3A_485 : i32
          %add3A_487 = arith.constant 28 : i32
          %add3A_488 = arith.addi %mul3A_486, %add3A_487 : i32
          %mul3A_489 = arith.constant 128 : i32
          %mul3A_490 = arith.muli %add3A_488, %mul3A_489 : i32
          %add3A_491 = arith.addi %mul3A_44, %mul3A_490 : i32
          %mul3A_492 = arith.constant 128 : i32
          %mul3A_493 = arith.muli %add3A_488, %mul3A_492 : i32
          %dma_start3A_494 = arith.constant 0 : i32
          %dma_start3A_495 = tpu.memref_slice %arg7[%dma_start3A_494, %mul3A_493] : memref<8x13824xf32, #tpu.memory_space<vmem>> -> memref<8x128xf32, #tpu.memory_space<vmem>>
          %dma_start3A_496 = tpu.memref_slice %arg2[%add3A_13, %add3A_491] : memref<1024x100000xf32, #tpu.memory_space<hbm>> -> memref<8x128xf32, #tpu.memory_space<hbm>>
          %dma_start3A_497 = arith.constant 0 : i32
          %dma_start3A_498 = tpu.memref_slice %arg7[%dma_start3A_497, %mul3A_493] : memref<8x13824xf32, #tpu.memory_space<vmem>> -> memref<8x128xf32, #tpu.memory_space<vmem>>
          %dma_start3A_499 = tpu.memref_slice %arg2[%add3A_13, %add3A_491] : memref<1024x100000xf32, #tpu.memory_space<hbm>> -> memref<8x128xf32, #tpu.memory_space<hbm>>
          tpu.enqueue_dma source(%dma_start3A_499 : memref<8x128xf32, #tpu.memory_space<hbm>>) target(%dma_start3A_498 : memref<8x128xf32, #tpu.memory_space<vmem>>) target_semaphore(%arg10 : memref<!tpu.dma_semaphore, #tpu.memory_space<semaphore_mem>>)
          %mul3A_500 = arith.constant 36 : i32
          %mul3A_501 = arith.muli %scan3A_64, %mul3A_500 : i32
          %add3A_502 = arith.constant 29 : i32
          %add3A_503 = arith.addi %mul3A_501, %add3A_502 : i32
          %mul3A_504 = arith.constant 128 : i32
          %mul3A_505 = arith.muli %add3A_503, %mul3A_504 : i32
          %add3A_506 = arith.addi %mul3A_44, %mul3A_505 : i32
          %mul3A_507 = arith.constant 128 : i32
          %mul3A_508 = arith.muli %add3A_503, %mul3A_507 : i32
          %dma_start3A_509 = arith.constant 0 : i32
          %dma_start3A_510 = tpu.memref_slice %arg7[%dma_start3A_509, %mul3A_508] : memref<8x13824xf32, #tpu.memory_space<vmem>> -> memref<8x128xf32, #tpu.memory_space<vmem>>
          %dma_start3A_511 = tpu.memref_slice %arg2[%add3A_13, %add3A_506] : memref<1024x100000xf32, #tpu.memory_space<hbm>> -> memref<8x128xf32, #tpu.memory_space<hbm>>
          %dma_start3A_512 = arith.constant 0 : i32
          %dma_start3A_513 = tpu.memref_slice %arg7[%dma_start3A_512, %mul3A_508] : memref<8x13824xf32, #tpu.memory_space<vmem>> -> memref<8x128xf32, #tpu.memory_space<vmem>>
          %dma_start3A_514 = tpu.memref_slice %arg2[%add3A_13, %add3A_506] : memref<1024x100000xf32, #tpu.memory_space<hbm>> -> memref<8x128xf32, #tpu.memory_space<hbm>>
          tpu.enqueue_dma source(%dma_start3A_514 : memref<8x128xf32, #tpu.memory_space<hbm>>) target(%dma_start3A_513 : memref<8x128xf32, #tpu.memory_space<vmem>>) target_semaphore(%arg10 : memref<!tpu.dma_semaphore, #tpu.memory_space<semaphore_mem>>)
          %mul3A_515 = arith.constant 36 : i32
          %mul3A_516 = arith.muli %scan3A_64, %mul3A_515 : i32
          %add3A_517 = arith.constant 30 : i32
          %add3A_518 = arith.addi %mul3A_516, %add3A_517 : i32
          %mul3A_519 = arith.constant 128 : i32
          %mul3A_520 = arith.muli %add3A_518, %mul3A_519 : i32
          %add3A_521 = arith.addi %mul3A_44, %mul3A_520 : i32
          %mul3A_522 = arith.constant 128 : i32
          %mul3A_523 = arith.muli %add3A_518, %mul3A_522 : i32
          %dma_start3A_524 = arith.constant 0 : i32
          %dma_start3A_525 = tpu.memref_slice %arg7[%dma_start3A_524, %mul3A_523] : memref<8x13824xf32, #tpu.memory_space<vmem>> -> memref<8x128xf32, #tpu.memory_space<vmem>>
          %dma_start3A_526 = tpu.memref_slice %arg2[%add3A_13, %add3A_521] : memref<1024x100000xf32, #tpu.memory_space<hbm>> -> memref<8x128xf32, #tpu.memory_space<hbm>>
          %dma_start3A_527 = arith.constant 0 : i32
          %dma_start3A_528 = tpu.memref_slice %arg7[%dma_start3A_527, %mul3A_523] : memref<8x13824xf32, #tpu.memory_space<vmem>> -> memref<8x128xf32, #tpu.memory_space<vmem>>
          %dma_start3A_529 = tpu.memref_slice %arg2[%add3A_13, %add3A_521] : memref<1024x100000xf32, #tpu.memory_space<hbm>> -> memref<8x128xf32, #tpu.memory_space<hbm>>
          tpu.enqueue_dma source(%dma_start3A_529 : memref<8x128xf32, #tpu.memory_space<hbm>>) target(%dma_start3A_528 : memref<8x128xf32, #tpu.memory_space<vmem>>) target_semaphore(%arg10 : memref<!tpu.dma_semaphore, #tpu.memory_space<semaphore_mem>>)
          %mul3A_530 = arith.constant 36 : i32
          %mul3A_531 = arith.muli %scan3A_64, %mul3A_530 : i32
          %add3A_532 = arith.constant 31 : i32
          %add3A_533 = arith.addi %mul3A_531, %add3A_532 : i32
          %mul3A_534 = arith.constant 128 : i32
          %mul3A_535 = arith.muli %add3A_533, %mul3A_534 : i32
          %add3A_536 = arith.addi %mul3A_44, %mul3A_535 : i32
          %mul3A_537 = arith.constant 128 : i32
          %mul3A_538 = arith.muli %add3A_533, %mul3A_537 : i32
          %dma_start3A_539 = arith.constant 0 : i32
          %dma_start3A_540 = tpu.memref_slice %arg7[%dma_start3A_539, %mul3A_538] : memref<8x13824xf32, #tpu.memory_space<vmem>> -> memref<8x128xf32, #tpu.memory_space<vmem>>
          %dma_start3A_541 = tpu.memref_slice %arg2[%add3A_13, %add3A_536] : memref<1024x100000xf32, #tpu.memory_space<hbm>> -> memref<8x128xf32, #tpu.memory_space<hbm>>
          %dma_start3A_542 = arith.constant 0 : i32
          %dma_start3A_543 = tpu.memref_slice %arg7[%dma_start3A_542, %mul3A_538] : memref<8x13824xf32, #tpu.memory_space<vmem>> -> memref<8x128xf32, #tpu.memory_space<vmem>>
          %dma_start3A_544 = tpu.memref_slice %arg2[%add3A_13, %add3A_536] : memref<1024x100000xf32, #tpu.memory_space<hbm>> -> memref<8x128xf32, #tpu.memory_space<hbm>>
          tpu.enqueue_dma source(%dma_start3A_544 : memref<8x128xf32, #tpu.memory_space<hbm>>) target(%dma_start3A_543 : memref<8x128xf32, #tpu.memory_space<vmem>>) target_semaphore(%arg10 : memref<!tpu.dma_semaphore, #tpu.memory_space<semaphore_mem>>)
          %mul3A_545 = arith.constant 36 : i32
          %mul3A_546 = arith.muli %scan3A_64, %mul3A_545 : i32
          %add3A_547 = arith.constant 32 : i32
          %add3A_548 = arith.addi %mul3A_546, %add3A_547 : i32
          %mul3A_549 = arith.constant 128 : i32
          %mul3A_550 = arith.muli %add3A_548, %mul3A_549 : i32
          %add3A_551 = arith.addi %mul3A_44, %mul3A_550 : i32
          %mul3A_552 = arith.constant 128 : i32
          %mul3A_553 = arith.muli %add3A_548, %mul3A_552 : i32
          %dma_start3A_554 = arith.constant 0 : i32
          %dma_start3A_555 = tpu.memref_slice %arg7[%dma_start3A_554, %mul3A_553] : memref<8x13824xf32, #tpu.memory_space<vmem>> -> memref<8x128xf32, #tpu.memory_space<vmem>>
          %dma_start3A_556 = tpu.memref_slice %arg2[%add3A_13, %add3A_551] : memref<1024x100000xf32, #tpu.memory_space<hbm>> -> memref<8x128xf32, #tpu.memory_space<hbm>>
          %dma_start3A_557 = arith.constant 0 : i32
          %dma_start3A_558 = tpu.memref_slice %arg7[%dma_start3A_557, %mul3A_553] : memref<8x13824xf32, #tpu.memory_space<vmem>> -> memref<8x128xf32, #tpu.memory_space<vmem>>
          %dma_start3A_559 = tpu.memref_slice %arg2[%add3A_13, %add3A_551] : memref<1024x100000xf32, #tpu.memory_space<hbm>> -> memref<8x128xf32, #tpu.memory_space<hbm>>
          tpu.enqueue_dma source(%dma_start3A_559 : memref<8x128xf32, #tpu.memory_space<hbm>>) target(%dma_start3A_558 : memref<8x128xf32, #tpu.memory_space<vmem>>) target_semaphore(%arg10 : memref<!tpu.dma_semaphore, #tpu.memory_space<semaphore_mem>>)
          %mul3A_560 = arith.constant 36 : i32
          %mul3A_561 = arith.muli %scan3A_64, %mul3A_560 : i32
          %add3A_562 = arith.constant 33 : i32
          %add3A_563 = arith.addi %mul3A_561, %add3A_562 : i32
          %mul3A_564 = arith.constant 128 : i32
          %mul3A_565 = arith.muli %add3A_563, %mul3A_564 : i32
          %add3A_566 = arith.addi %mul3A_44, %mul3A_565 : i32
          %mul3A_567 = arith.constant 128 : i32
          %mul3A_568 = arith.muli %add3A_563, %mul3A_567 : i32
          %dma_start3A_569 = arith.constant 0 : i32
          %dma_start3A_570 = tpu.memref_slice %arg7[%dma_start3A_569, %mul3A_568] : memref<8x13824xf32, #tpu.memory_space<vmem>> -> memref<8x128xf32, #tpu.memory_space<vmem>>
          %dma_start3A_571 = tpu.memref_slice %arg2[%add3A_13, %add3A_566] : memref<1024x100000xf32, #tpu.memory_space<hbm>> -> memref<8x128xf32, #tpu.memory_space<hbm>>
          %dma_start3A_572 = arith.constant 0 : i32
          %dma_start3A_573 = tpu.memref_slice %arg7[%dma_start3A_572, %mul3A_568] : memref<8x13824xf32, #tpu.memory_space<vmem>> -> memref<8x128xf32, #tpu.memory_space<vmem>>
          %dma_start3A_574 = tpu.memref_slice %arg2[%add3A_13, %add3A_566] : memref<1024x100000xf32, #tpu.memory_space<hbm>> -> memref<8x128xf32, #tpu.memory_space<hbm>>
          tpu.enqueue_dma source(%dma_start3A_574 : memref<8x128xf32, #tpu.memory_space<hbm>>) target(%dma_start3A_573 : memref<8x128xf32, #tpu.memory_space<vmem>>) target_semaphore(%arg10 : memref<!tpu.dma_semaphore, #tpu.memory_space<semaphore_mem>>)
          %mul3A_575 = arith.constant 36 : i32
          %mul3A_576 = arith.muli %scan3A_64, %mul3A_575 : i32
          %add3A_577 = arith.constant 34 : i32
          %add3A_578 = arith.addi %mul3A_576, %add3A_577 : i32
          %mul3A_579 = arith.constant 128 : i32
          %mul3A_580 = arith.muli %add3A_578, %mul3A_579 : i32
          %add3A_581 = arith.addi %mul3A_44, %mul3A_580 : i32
          %mul3A_582 = arith.constant 128 : i32
          %mul3A_583 = arith.muli %add3A_578, %mul3A_582 : i32
          %dma_start3A_584 = arith.constant 0 : i32
          %dma_start3A_585 = tpu.memref_slice %arg7[%dma_start3A_584, %mul3A_583] : memref<8x13824xf32, #tpu.memory_space<vmem>> -> memref<8x128xf32, #tpu.memory_space<vmem>>
          %dma_start3A_586 = tpu.memref_slice %arg2[%add3A_13, %add3A_581] : memref<1024x100000xf32, #tpu.memory_space<hbm>> -> memref<8x128xf32, #tpu.memory_space<hbm>>
          %dma_start3A_587 = arith.constant 0 : i32
          %dma_start3A_588 = tpu.memref_slice %arg7[%dma_start3A_587, %mul3A_583] : memref<8x13824xf32, #tpu.memory_space<vmem>> -> memref<8x128xf32, #tpu.memory_space<vmem>>
          %dma_start3A_589 = tpu.memref_slice %arg2[%add3A_13, %add3A_581] : memref<1024x100000xf32, #tpu.memory_space<hbm>> -> memref<8x128xf32, #tpu.memory_space<hbm>>
          tpu.enqueue_dma source(%dma_start3A_589 : memref<8x128xf32, #tpu.memory_space<hbm>>) target(%dma_start3A_588 : memref<8x128xf32, #tpu.memory_space<vmem>>) target_semaphore(%arg10 : memref<!tpu.dma_semaphore, #tpu.memory_space<semaphore_mem>>)
          %mul3A_590 = arith.constant 36 : i32
          %mul3A_591 = arith.muli %scan3A_64, %mul3A_590 : i32
          %add3A_592 = arith.constant 35 : i32
          %add3A_593 = arith.addi %mul3A_591, %add3A_592 : i32
          %mul3A_594 = arith.constant 128 : i32
          %mul3A_595 = arith.muli %add3A_593, %mul3A_594 : i32
          %add3A_596 = arith.addi %mul3A_44, %mul3A_595 : i32
          %mul3A_597 = arith.constant 128 : i32
          %mul3A_598 = arith.muli %add3A_593, %mul3A_597 : i32
          %dma_start3A_599 = arith.constant 0 : i32
          %dma_start3A_600 = tpu.memref_slice %arg7[%dma_start3A_599, %mul3A_598] : memref<8x13824xf32, #tpu.memory_space<vmem>> -> memref<8x128xf32, #tpu.memory_space<vmem>>
          %dma_start3A_601 = tpu.memref_slice %arg2[%add3A_13, %add3A_596] : memref<1024x100000xf32, #tpu.memory_space<hbm>> -> memref<8x128xf32, #tpu.memory_space<hbm>>
          %dma_start3A_602 = arith.constant 0 : i32
          %dma_start3A_603 = tpu.memref_slice %arg7[%dma_start3A_602, %mul3A_598] : memref<8x13824xf32, #tpu.memory_space<vmem>> -> memref<8x128xf32, #tpu.memory_space<vmem>>
          %dma_start3A_604 = tpu.memref_slice %arg2[%add3A_13, %add3A_596] : memref<1024x100000xf32, #tpu.memory_space<hbm>> -> memref<8x128xf32, #tpu.memory_space<hbm>>
          tpu.enqueue_dma source(%dma_start3A_604 : memref<8x128xf32, #tpu.memory_space<hbm>>) target(%dma_start3A_603 : memref<8x128xf32, #tpu.memory_space<vmem>>) target_semaphore(%arg10 : memref<!tpu.dma_semaphore, #tpu.memory_space<semaphore_mem>>)
          %mul3A_605 = arith.constant 36 : i32
          %mul3A_606 = arith.muli %scan3A_64, %mul3A_605 : i32
          %add3A_607 = arith.constant 0 : i32
          %add3A_608 = arith.addi %mul3A_606, %add3A_607 : i32
          %mul3A_609 = arith.constant 128 : i32
          %mul3A_610 = arith.muli %add3A_608, %mul3A_609 : i32
          %add3A_611 = arith.addi %mul3A_44, %mul3A_610 : i32
          %mul3A_612 = arith.constant 128 : i32
          %mul3A_613 = arith.muli %add3A_608, %mul3A_612 : i32
          %dma_wait3A = arith.constant 0 : i32
          %dma_wait3A_614 = tpu.memref_slice %arg7[%dma_wait3A, %mul3A_613] : memref<8x13824xf32, #tpu.memory_space<vmem>> -> memref<8x128xf32, #tpu.memory_space<vmem>>
          %dma_wait3A_615 = tpu.memref_slice %arg2[%add3A_13, %add3A_611] : memref<1024x100000xf32, #tpu.memory_space<hbm>> -> memref<8x128xf32, #tpu.memory_space<hbm>>
          %dma_wait3A_616 = arith.constant 0 : i32
          %dma_wait3A_617 = tpu.memref_slice %arg7[%dma_wait3A_616, %mul3A_613] : memref<8x13824xf32, #tpu.memory_space<vmem>> -> memref<8x128xf32, #tpu.memory_space<vmem>>
          %dma_wait3A_618 = tpu.memref_slice %arg2[%add3A_13, %add3A_611] : memref<1024x100000xf32, #tpu.memory_space<hbm>> -> memref<8x128xf32, #tpu.memory_space<hbm>>
          tpu.wait_dma2 semaphore(%arg10 : memref<!tpu.dma_semaphore, #tpu.memory_space<semaphore_mem>>) src(%dma_wait3A_618 : memref<8x128xf32, #tpu.memory_space<hbm>>) dst(%dma_wait3A_617 : memref<8x128xf32, #tpu.memory_space<vmem>>)
          %mul3A_619 = arith.constant 36 : i32
          %mul3A_620 = arith.muli %scan3A_64, %mul3A_619 : i32
          %add3A_621 = arith.constant 1 : i32
          %add3A_622 = arith.addi %mul3A_620, %add3A_621 : i32
          %mul3A_623 = arith.constant 128 : i32
          %mul3A_624 = arith.muli %add3A_622, %mul3A_623 : i32
          %add3A_625 = arith.addi %mul3A_44, %mul3A_624 : i32
          %mul3A_626 = arith.constant 128 : i32
          %mul3A_627 = arith.muli %add3A_622, %mul3A_626 : i32
          %dma_wait3A_628 = arith.constant 0 : i32
          %dma_wait3A_629 = tpu.memref_slice %arg7[%dma_wait3A_628, %mul3A_627] : memref<8x13824xf32, #tpu.memory_space<vmem>> -> memref<8x128xf32, #tpu.memory_space<vmem>>
          %dma_wait3A_630 = tpu.memref_slice %arg2[%add3A_13, %add3A_625] : memref<1024x100000xf32, #tpu.memory_space<hbm>> -> memref<8x128xf32, #tpu.memory_space<hbm>>
          %dma_wait3A_631 = arith.constant 0 : i32
          %dma_wait3A_632 = tpu.memref_slice %arg7[%dma_wait3A_631, %mul3A_627] : memref<8x13824xf32, #tpu.memory_space<vmem>> -> memref<8x128xf32, #tpu.memory_space<vmem>>
          %dma_wait3A_633 = tpu.memref_slice %arg2[%add3A_13, %add3A_625] : memref<1024x100000xf32, #tpu.memory_space<hbm>> -> memref<8x128xf32, #tpu.memory_space<hbm>>
          tpu.wait_dma2 semaphore(%arg10 : memref<!tpu.dma_semaphore, #tpu.memory_space<semaphore_mem>>) src(%dma_wait3A_633 : memref<8x128xf32, #tpu.memory_space<hbm>>) dst(%dma_wait3A_632 : memref<8x128xf32, #tpu.memory_space<vmem>>)
          %mul3A_634 = arith.constant 36 : i32
          %mul3A_635 = arith.muli %scan3A_64, %mul3A_634 : i32
          %add3A_636 = arith.constant 2 : i32
          %add3A_637 = arith.addi %mul3A_635, %add3A_636 : i32
          %mul3A_638 = arith.constant 128 : i32
          %mul3A_639 = arith.muli %add3A_637, %mul3A_638 : i32
          %add3A_640 = arith.addi %mul3A_44, %mul3A_639 : i32
          %mul3A_641 = arith.constant 128 : i32
          %mul3A_642 = arith.muli %add3A_637, %mul3A_641 : i32
          %dma_wait3A_643 = arith.constant 0 : i32
          %dma_wait3A_644 = tpu.memref_slice %arg7[%dma_wait3A_643, %mul3A_642] : memref<8x13824xf32, #tpu.memory_space<vmem>> -> memref<8x128xf32, #tpu.memory_space<vmem>>
          %dma_wait3A_645 = tpu.memref_slice %arg2[%add3A_13, %add3A_640] : memref<1024x100000xf32, #tpu.memory_space<hbm>> -> memref<8x128xf32, #tpu.memory_space<hbm>>
          %dma_wait3A_646 = arith.constant 0 : i32
          %dma_wait3A_647 = tpu.memref_slice %arg7[%dma_wait3A_646, %mul3A_642] : memref<8x13824xf32, #tpu.memory_space<vmem>> -> memref<8x128xf32, #tpu.memory_space<vmem>>
          %dma_wait3A_648 = tpu.memref_slice %arg2[%add3A_13, %add3A_640] : memref<1024x100000xf32, #tpu.memory_space<hbm>> -> memref<8x128xf32, #tpu.memory_space<hbm>>
          tpu.wait_dma2 semaphore(%arg10 : memref<!tpu.dma_semaphore, #tpu.memory_space<semaphore_mem>>) src(%dma_wait3A_648 : memref<8x128xf32, #tpu.memory_space<hbm>>) dst(%dma_wait3A_647 : memref<8x128xf32, #tpu.memory_space<vmem>>)
          %mul3A_649 = arith.constant 36 : i32
          %mul3A_650 = arith.muli %scan3A_64, %mul3A_649 : i32
          %add3A_651 = arith.constant 3 : i32
          %add3A_652 = arith.addi %mul3A_650, %add3A_651 : i32
          %mul3A_653 = arith.constant 128 : i32
          %mul3A_654 = arith.muli %add3A_652, %mul3A_653 : i32
          %add3A_655 = arith.addi %mul3A_44, %mul3A_654 : i32
          %mul3A_656 = arith.constant 128 : i32
          %mul3A_657 = arith.muli %add3A_652, %mul3A_656 : i32
          %dma_wait3A_658 = arith.constant 0 : i32
          %dma_wait3A_659 = tpu.memref_slice %arg7[%dma_wait3A_658, %mul3A_657] : memref<8x13824xf32, #tpu.memory_space<vmem>> -> memref<8x128xf32, #tpu.memory_space<vmem>>
          %dma_wait3A_660 = tpu.memref_slice %arg2[%add3A_13, %add3A_655] : memref<1024x100000xf32, #tpu.memory_space<hbm>> -> memref<8x128xf32, #tpu.memory_space<hbm>>
          %dma_wait3A_661 = arith.constant 0 : i32
          %dma_wait3A_662 = tpu.memref_slice %arg7[%dma_wait3A_661, %mul3A_657] : memref<8x13824xf32, #tpu.memory_space<vmem>> -> memref<8x128xf32, #tpu.memory_space<vmem>>
          %dma_wait3A_663 = tpu.memref_slice %arg2[%add3A_13, %add3A_655] : memref<1024x100000xf32, #tpu.memory_space<hbm>> -> memref<8x128xf32, #tpu.memory_space<hbm>>
          tpu.wait_dma2 semaphore(%arg10 : memref<!tpu.dma_semaphore, #tpu.memory_space<semaphore_mem>>) src(%dma_wait3A_663 : memref<8x128xf32, #tpu.memory_space<hbm>>) dst(%dma_wait3A_662 : memref<8x128xf32, #tpu.memory_space<vmem>>)
          %mul3A_664 = arith.constant 36 : i32
          %mul3A_665 = arith.muli %scan3A_64, %mul3A_664 : i32
          %add3A_666 = arith.constant 4 : i32
          %add3A_667 = arith.addi %mul3A_665, %add3A_666 : i32
          %mul3A_668 = arith.constant 128 : i32
          %mul3A_669 = arith.muli %add3A_667, %mul3A_668 : i32
          %add3A_670 = arith.addi %mul3A_44, %mul3A_669 : i32
          %mul3A_671 = arith.constant 128 : i32
          %mul3A_672 = arith.muli %add3A_667, %mul3A_671 : i32
          %dma_wait3A_673 = arith.constant 0 : i32
          %dma_wait3A_674 = tpu.memref_slice %arg7[%dma_wait3A_673, %mul3A_672] : memref<8x13824xf32, #tpu.memory_space<vmem>> -> memref<8x128xf32, #tpu.memory_space<vmem>>
          %dma_wait3A_675 = tpu.memref_slice %arg2[%add3A_13, %add3A_670] : memref<1024x100000xf32, #tpu.memory_space<hbm>> -> memref<8x128xf32, #tpu.memory_space<hbm>>
          %dma_wait3A_676 = arith.constant 0 : i32
          %dma_wait3A_677 = tpu.memref_slice %arg7[%dma_wait3A_676, %mul3A_672] : memref<8x13824xf32, #tpu.memory_space<vmem>> -> memref<8x128xf32, #tpu.memory_space<vmem>>
          %dma_wait3A_678 = tpu.memref_slice %arg2[%add3A_13, %add3A_670] : memref<1024x100000xf32, #tpu.memory_space<hbm>> -> memref<8x128xf32, #tpu.memory_space<hbm>>
          tpu.wait_dma2 semaphore(%arg10 : memref<!tpu.dma_semaphore, #tpu.memory_space<semaphore_mem>>) src(%dma_wait3A_678 : memref<8x128xf32, #tpu.memory_space<hbm>>) dst(%dma_wait3A_677 : memref<8x128xf32, #tpu.memory_space<vmem>>)
          %mul3A_679 = arith.constant 36 : i32
          %mul3A_680 = arith.muli %scan3A_64, %mul3A_679 : i32
          %add3A_681 = arith.constant 5 : i32
          %add3A_682 = arith.addi %mul3A_680, %add3A_681 : i32
          %mul3A_683 = arith.constant 128 : i32
          %mul3A_684 = arith.muli %add3A_682, %mul3A_683 : i32
          %add3A_685 = arith.addi %mul3A_44, %mul3A_684 : i32
          %mul3A_686 = arith.constant 128 : i32
          %mul3A_687 = arith.muli %add3A_682, %mul3A_686 : i32
          %dma_wait3A_688 = arith.constant 0 : i32
          %dma_wait3A_689 = tpu.memref_slice %arg7[%dma_wait3A_688, %mul3A_687] : memref<8x13824xf32, #tpu.memory_space<vmem>> -> memref<8x128xf32, #tpu.memory_space<vmem>>
          %dma_wait3A_690 = tpu.memref_slice %arg2[%add3A_13, %add3A_685] : memref<1024x100000xf32, #tpu.memory_space<hbm>> -> memref<8x128xf32, #tpu.memory_space<hbm>>
          %dma_wait3A_691 = arith.constant 0 : i32
          %dma_wait3A_692 = tpu.memref_slice %arg7[%dma_wait3A_691, %mul3A_687] : memref<8x13824xf32, #tpu.memory_space<vmem>> -> memref<8x128xf32, #tpu.memory_space<vmem>>
          %dma_wait3A_693 = tpu.memref_slice %arg2[%add3A_13, %add3A_685] : memref<1024x100000xf32, #tpu.memory_space<hbm>> -> memref<8x128xf32, #tpu.memory_space<hbm>>
          tpu.wait_dma2 semaphore(%arg10 : memref<!tpu.dma_semaphore, #tpu.memory_space<semaphore_mem>>) src(%dma_wait3A_693 : memref<8x128xf32, #tpu.memory_space<hbm>>) dst(%dma_wait3A_692 : memref<8x128xf32, #tpu.memory_space<vmem>>)
          %mul3A_694 = arith.constant 36 : i32
          %mul3A_695 = arith.muli %scan3A_64, %mul3A_694 : i32
          %add3A_696 = arith.constant 6 : i32
          %add3A_697 = arith.addi %mul3A_695, %add3A_696 : i32
          %mul3A_698 = arith.constant 128 : i32
          %mul3A_699 = arith.muli %add3A_697, %mul3A_698 : i32
          %add3A_700 = arith.addi %mul3A_44, %mul3A_699 : i32
          %mul3A_701 = arith.constant 128 : i32
          %mul3A_702 = arith.muli %add3A_697, %mul3A_701 : i32
          %dma_wait3A_703 = arith.constant 0 : i32
          %dma_wait3A_704 = tpu.memref_slice %arg7[%dma_wait3A_703, %mul3A_702] : memref<8x13824xf32, #tpu.memory_space<vmem>> -> memref<8x128xf32, #tpu.memory_space<vmem>>
          %dma_wait3A_705 = tpu.memref_slice %arg2[%add3A_13, %add3A_700] : memref<1024x100000xf32, #tpu.memory_space<hbm>> -> memref<8x128xf32, #tpu.memory_space<hbm>>
          %dma_wait3A_706 = arith.constant 0 : i32
          %dma_wait3A_707 = tpu.memref_slice %arg7[%dma_wait3A_706, %mul3A_702] : memref<8x13824xf32, #tpu.memory_space<vmem>> -> memref<8x128xf32, #tpu.memory_space<vmem>>
          %dma_wait3A_708 = tpu.memref_slice %arg2[%add3A_13, %add3A_700] : memref<1024x100000xf32, #tpu.memory_space<hbm>> -> memref<8x128xf32, #tpu.memory_space<hbm>>
          tpu.wait_dma2 semaphore(%arg10 : memref<!tpu.dma_semaphore, #tpu.memory_space<semaphore_mem>>) src(%dma_wait3A_708 : memref<8x128xf32, #tpu.memory_space<hbm>>) dst(%dma_wait3A_707 : memref<8x128xf32, #tpu.memory_space<vmem>>)
          %mul3A_709 = arith.constant 36 : i32
          %mul3A_710 = arith.muli %scan3A_64, %mul3A_709 : i32
          %add3A_711 = arith.constant 7 : i32
          %add3A_712 = arith.addi %mul3A_710, %add3A_711 : i32
          %mul3A_713 = arith.constant 128 : i32
          %mul3A_714 = arith.muli %add3A_712, %mul3A_713 : i32
          %add3A_715 = arith.addi %mul3A_44, %mul3A_714 : i32
          %mul3A_716 = arith.constant 128 : i32
          %mul3A_717 = arith.muli %add3A_712, %mul3A_716 : i32
          %dma_wait3A_718 = arith.constant 0 : i32
          %dma_wait3A_719 = tpu.memref_slice %arg7[%dma_wait3A_718, %mul3A_717] : memref<8x13824xf32, #tpu.memory_space<vmem>> -> memref<8x128xf32, #tpu.memory_space<vmem>>
          %dma_wait3A_720 = tpu.memref_slice %arg2[%add3A_13, %add3A_715] : memref<1024x100000xf32, #tpu.memory_space<hbm>> -> memref<8x128xf32, #tpu.memory_space<hbm>>
          %dma_wait3A_721 = arith.constant 0 : i32
          %dma_wait3A_722 = tpu.memref_slice %arg7[%dma_wait3A_721, %mul3A_717] : memref<8x13824xf32, #tpu.memory_space<vmem>> -> memref<8x128xf32, #tpu.memory_space<vmem>>
          %dma_wait3A_723 = tpu.memref_slice %arg2[%add3A_13, %add3A_715] : memref<1024x100000xf32, #tpu.memory_space<hbm>> -> memref<8x128xf32, #tpu.memory_space<hbm>>
          tpu.wait_dma2 semaphore(%arg10 : memref<!tpu.dma_semaphore, #tpu.memory_space<semaphore_mem>>) src(%dma_wait3A_723 : memref<8x128xf32, #tpu.memory_space<hbm>>) dst(%dma_wait3A_722 : memref<8x128xf32, #tpu.memory_space<vmem>>)
          %mul3A_724 = arith.constant 36 : i32
          %mul3A_725 = arith.muli %scan3A_64, %mul3A_724 : i32
          %add3A_726 = arith.constant 8 : i32
          %add3A_727 = arith.addi %mul3A_725, %add3A_726 : i32
          %mul3A_728 = arith.constant 128 : i32
          %mul3A_729 = arith.muli %add3A_727, %mul3A_728 : i32
          %add3A_730 = arith.addi %mul3A_44, %mul3A_729 : i32
          %mul3A_731 = arith.constant 128 : i32
          %mul3A_732 = arith.muli %add3A_727, %mul3A_731 : i32
          %dma_wait3A_733 = arith.constant 0 : i32
          %dma_wait3A_734 = tpu.memref_slice %arg7[%dma_wait3A_733, %mul3A_732] : memref<8x13824xf32, #tpu.memory_space<vmem>> -> memref<8x128xf32, #tpu.memory_space<vmem>>
          %dma_wait3A_735 = tpu.memref_slice %arg2[%add3A_13, %add3A_730] : memref<1024x100000xf32, #tpu.memory_space<hbm>> -> memref<8x128xf32, #tpu.memory_space<hbm>>
          %dma_wait3A_736 = arith.constant 0 : i32
          %dma_wait3A_737 = tpu.memref_slice %arg7[%dma_wait3A_736, %mul3A_732] : memref<8x13824xf32, #tpu.memory_space<vmem>> -> memref<8x128xf32, #tpu.memory_space<vmem>>
          %dma_wait3A_738 = tpu.memref_slice %arg2[%add3A_13, %add3A_730] : memref<1024x100000xf32, #tpu.memory_space<hbm>> -> memref<8x128xf32, #tpu.memory_space<hbm>>
          tpu.wait_dma2 semaphore(%arg10 : memref<!tpu.dma_semaphore, #tpu.memory_space<semaphore_mem>>) src(%dma_wait3A_738 : memref<8x128xf32, #tpu.memory_space<hbm>>) dst(%dma_wait3A_737 : memref<8x128xf32, #tpu.memory_space<vmem>>)
          %mul3A_739 = arith.constant 36 : i32
          %mul3A_740 = arith.muli %scan3A_64, %mul3A_739 : i32
          %add3A_741 = arith.constant 9 : i32
          %add3A_742 = arith.addi %mul3A_740, %add3A_741 : i32
          %mul3A_743 = arith.constant 128 : i32
          %mul3A_744 = arith.muli %add3A_742, %mul3A_743 : i32
          %add3A_745 = arith.addi %mul3A_44, %mul3A_744 : i32
          %mul3A_746 = arith.constant 128 : i32
          %mul3A_747 = arith.muli %add3A_742, %mul3A_746 : i32
          %dma_wait3A_748 = arith.constant 0 : i32
          %dma_wait3A_749 = tpu.memref_slice %arg7[%dma_wait3A_748, %mul3A_747] : memref<8x13824xf32, #tpu.memory_space<vmem>> -> memref<8x128xf32, #tpu.memory_space<vmem>>
          %dma_wait3A_750 = tpu.memref_slice %arg2[%add3A_13, %add3A_745] : memref<1024x100000xf32, #tpu.memory_space<hbm>> -> memref<8x128xf32, #tpu.memory_space<hbm>>
          %dma_wait3A_751 = arith.constant 0 : i32
          %dma_wait3A_752 = tpu.memref_slice %arg7[%dma_wait3A_751, %mul3A_747] : memref<8x13824xf32, #tpu.memory_space<vmem>> -> memref<8x128xf32, #tpu.memory_space<vmem>>
          %dma_wait3A_753 = tpu.memref_slice %arg2[%add3A_13, %add3A_745] : memref<1024x100000xf32, #tpu.memory_space<hbm>> -> memref<8x128xf32, #tpu.memory_space<hbm>>
          tpu.wait_dma2 semaphore(%arg10 : memref<!tpu.dma_semaphore, #tpu.memory_space<semaphore_mem>>) src(%dma_wait3A_753 : memref<8x128xf32, #tpu.memory_space<hbm>>) dst(%dma_wait3A_752 : memref<8x128xf32, #tpu.memory_space<vmem>>)
          %mul3A_754 = arith.constant 36 : i32
          %mul3A_755 = arith.muli %scan3A_64, %mul3A_754 : i32
          %add3A_756 = arith.constant 10 : i32
          %add3A_757 = arith.addi %mul3A_755, %add3A_756 : i32
          %mul3A_758 = arith.constant 128 : i32
          %mul3A_759 = arith.muli %add3A_757, %mul3A_758 : i32
          %add3A_760 = arith.addi %mul3A_44, %mul3A_759 : i32
          %mul3A_761 = arith.constant 128 : i32
          %mul3A_762 = arith.muli %add3A_757, %mul3A_761 : i32
          %dma_wait3A_763 = arith.constant 0 : i32
          %dma_wait3A_764 = tpu.memref_slice %arg7[%dma_wait3A_763, %mul3A_762] : memref<8x13824xf32, #tpu.memory_space<vmem>> -> memref<8x128xf32, #tpu.memory_space<vmem>>
          %dma_wait3A_765 = tpu.memref_slice %arg2[%add3A_13, %add3A_760] : memref<1024x100000xf32, #tpu.memory_space<hbm>> -> memref<8x128xf32, #tpu.memory_space<hbm>>
          %dma_wait3A_766 = arith.constant 0 : i32
          %dma_wait3A_767 = tpu.memref_slice %arg7[%dma_wait3A_766, %mul3A_762] : memref<8x13824xf32, #tpu.memory_space<vmem>> -> memref<8x128xf32, #tpu.memory_space<vmem>>
          %dma_wait3A_768 = tpu.memref_slice %arg2[%add3A_13, %add3A_760] : memref<1024x100000xf32, #tpu.memory_space<hbm>> -> memref<8x128xf32, #tpu.memory_space<hbm>>
          tpu.wait_dma2 semaphore(%arg10 : memref<!tpu.dma_semaphore, #tpu.memory_space<semaphore_mem>>) src(%dma_wait3A_768 : memref<8x128xf32, #tpu.memory_space<hbm>>) dst(%dma_wait3A_767 : memref<8x128xf32, #tpu.memory_space<vmem>>)
          %mul3A_769 = arith.constant 36 : i32
          %mul3A_770 = arith.muli %scan3A_64, %mul3A_769 : i32
          %add3A_771 = arith.constant 11 : i32
          %add3A_772 = arith.addi %mul3A_770, %add3A_771 : i32
          %mul3A_773 = arith.constant 128 : i32
          %mul3A_774 = arith.muli %add3A_772, %mul3A_773 : i32
          %add3A_775 = arith.addi %mul3A_44, %mul3A_774 : i32
          %mul3A_776 = arith.constant 128 : i32
          %mul3A_777 = arith.muli %add3A_772, %mul3A_776 : i32
          %dma_wait3A_778 = arith.constant 0 : i32
          %dma_wait3A_779 = tpu.memref_slice %arg7[%dma_wait3A_778, %mul3A_777] : memref<8x13824xf32, #tpu.memory_space<vmem>> -> memref<8x128xf32, #tpu.memory_space<vmem>>
          %dma_wait3A_780 = tpu.memref_slice %arg2[%add3A_13, %add3A_775] : memref<1024x100000xf32, #tpu.memory_space<hbm>> -> memref<8x128xf32, #tpu.memory_space<hbm>>
          %dma_wait3A_781 = arith.constant 0 : i32
          %dma_wait3A_782 = tpu.memref_slice %arg7[%dma_wait3A_781, %mul3A_777] : memref<8x13824xf32, #tpu.memory_space<vmem>> -> memref<8x128xf32, #tpu.memory_space<vmem>>
          %dma_wait3A_783 = tpu.memref_slice %arg2[%add3A_13, %add3A_775] : memref<1024x100000xf32, #tpu.memory_space<hbm>> -> memref<8x128xf32, #tpu.memory_space<hbm>>
          tpu.wait_dma2 semaphore(%arg10 : memref<!tpu.dma_semaphore, #tpu.memory_space<semaphore_mem>>) src(%dma_wait3A_783 : memref<8x128xf32, #tpu.memory_space<hbm>>) dst(%dma_wait3A_782 : memref<8x128xf32, #tpu.memory_space<vmem>>)
          %mul3A_784 = arith.constant 36 : i32
          %mul3A_785 = arith.muli %scan3A_64, %mul3A_784 : i32
          %add3A_786 = arith.constant 12 : i32
          %add3A_787 = arith.addi %mul3A_785, %add3A_786 : i32
          %mul3A_788 = arith.constant 128 : i32
          %mul3A_789 = arith.muli %add3A_787, %mul3A_788 : i32
          %add3A_790 = arith.addi %mul3A_44, %mul3A_789 : i32
          %mul3A_791 = arith.constant 128 : i32
          %mul3A_792 = arith.muli %add3A_787, %mul3A_791 : i32
          %dma_wait3A_793 = arith.constant 0 : i32
          %dma_wait3A_794 = tpu.memref_slice %arg7[%dma_wait3A_793, %mul3A_792] : memref<8x13824xf32, #tpu.memory_space<vmem>> -> memref<8x128xf32, #tpu.memory_space<vmem>>
          %dma_wait3A_795 = tpu.memref_slice %arg2[%add3A_13, %add3A_790] : memref<1024x100000xf32, #tpu.memory_space<hbm>> -> memref<8x128xf32, #tpu.memory_space<hbm>>
          %dma_wait3A_796 = arith.constant 0 : i32
          %dma_wait3A_797 = tpu.memref_slice %arg7[%dma_wait3A_796, %mul3A_792] : memref<8x13824xf32, #tpu.memory_space<vmem>> -> memref<8x128xf32, #tpu.memory_space<vmem>>
          %dma_wait3A_798 = tpu.memref_slice %arg2[%add3A_13, %add3A_790] : memref<1024x100000xf32, #tpu.memory_space<hbm>> -> memref<8x128xf32, #tpu.memory_space<hbm>>
          tpu.wait_dma2 semaphore(%arg10 : memref<!tpu.dma_semaphore, #tpu.memory_space<semaphore_mem>>) src(%dma_wait3A_798 : memref<8x128xf32, #tpu.memory_space<hbm>>) dst(%dma_wait3A_797 : memref<8x128xf32, #tpu.memory_space<vmem>>)
          %mul3A_799 = arith.constant 36 : i32
          %mul3A_800 = arith.muli %scan3A_64, %mul3A_799 : i32
          %add3A_801 = arith.constant 13 : i32
          %add3A_802 = arith.addi %mul3A_800, %add3A_801 : i32
          %mul3A_803 = arith.constant 128 : i32
          %mul3A_804 = arith.muli %add3A_802, %mul3A_803 : i32
          %add3A_805 = arith.addi %mul3A_44, %mul3A_804 : i32
          %mul3A_806 = arith.constant 128 : i32
          %mul3A_807 = arith.muli %add3A_802, %mul3A_806 : i32
          %dma_wait3A_808 = arith.constant 0 : i32
          %dma_wait3A_809 = tpu.memref_slice %arg7[%dma_wait3A_808, %mul3A_807] : memref<8x13824xf32, #tpu.memory_space<vmem>> -> memref<8x128xf32, #tpu.memory_space<vmem>>
          %dma_wait3A_810 = tpu.memref_slice %arg2[%add3A_13, %add3A_805] : memref<1024x100000xf32, #tpu.memory_space<hbm>> -> memref<8x128xf32, #tpu.memory_space<hbm>>
          %dma_wait3A_811 = arith.constant 0 : i32
          %dma_wait3A_812 = tpu.memref_slice %arg7[%dma_wait3A_811, %mul3A_807] : memref<8x13824xf32, #tpu.memory_space<vmem>> -> memref<8x128xf32, #tpu.memory_space<vmem>>
          %dma_wait3A_813 = tpu.memref_slice %arg2[%add3A_13, %add3A_805] : memref<1024x100000xf32, #tpu.memory_space<hbm>> -> memref<8x128xf32, #tpu.memory_space<hbm>>
          tpu.wait_dma2 semaphore(%arg10 : memref<!tpu.dma_semaphore, #tpu.memory_space<semaphore_mem>>) src(%dma_wait3A_813 : memref<8x128xf32, #tpu.memory_space<hbm>>) dst(%dma_wait3A_812 : memref<8x128xf32, #tpu.memory_space<vmem>>)
          %mul3A_814 = arith.constant 36 : i32
          %mul3A_815 = arith.muli %scan3A_64, %mul3A_814 : i32
          %add3A_816 = arith.constant 14 : i32
          %add3A_817 = arith.addi %mul3A_815, %add3A_816 : i32
          %mul3A_818 = arith.constant 128 : i32
          %mul3A_819 = arith.muli %add3A_817, %mul3A_818 : i32
          %add3A_820 = arith.addi %mul3A_44, %mul3A_819 : i32
          %mul3A_821 = arith.constant 128 : i32
          %mul3A_822 = arith.muli %add3A_817, %mul3A_821 : i32
          %dma_wait3A_823 = arith.constant 0 : i32
          %dma_wait3A_824 = tpu.memref_slice %arg7[%dma_wait3A_823, %mul3A_822] : memref<8x13824xf32, #tpu.memory_space<vmem>> -> memref<8x128xf32, #tpu.memory_space<vmem>>
          %dma_wait3A_825 = tpu.memref_slice %arg2[%add3A_13, %add3A_820] : memref<1024x100000xf32, #tpu.memory_space<hbm>> -> memref<8x128xf32, #tpu.memory_space<hbm>>
          %dma_wait3A_826 = arith.constant 0 : i32
          %dma_wait3A_827 = tpu.memref_slice %arg7[%dma_wait3A_826, %mul3A_822] : memref<8x13824xf32, #tpu.memory_space<vmem>> -> memref<8x128xf32, #tpu.memory_space<vmem>>
          %dma_wait3A_828 = tpu.memref_slice %arg2[%add3A_13, %add3A_820] : memref<1024x100000xf32, #tpu.memory_space<hbm>> -> memref<8x128xf32, #tpu.memory_space<hbm>>
          tpu.wait_dma2 semaphore(%arg10 : memref<!tpu.dma_semaphore, #tpu.memory_space<semaphore_mem>>) src(%dma_wait3A_828 : memref<8x128xf32, #tpu.memory_space<hbm>>) dst(%dma_wait3A_827 : memref<8x128xf32, #tpu.memory_space<vmem>>)
          %mul3A_829 = arith.constant 36 : i32
          %mul3A_830 = arith.muli %scan3A_64, %mul3A_829 : i32
          %add3A_831 = arith.constant 15 : i32
          %add3A_832 = arith.addi %mul3A_830, %add3A_831 : i32
          %mul3A_833 = arith.constant 128 : i32
          %mul3A_834 = arith.muli %add3A_832, %mul3A_833 : i32
          %add3A_835 = arith.addi %mul3A_44, %mul3A_834 : i32
          %mul3A_836 = arith.constant 128 : i32
          %mul3A_837 = arith.muli %add3A_832, %mul3A_836 : i32
          %dma_wait3A_838 = arith.constant 0 : i32
          %dma_wait3A_839 = tpu.memref_slice %arg7[%dma_wait3A_838, %mul3A_837] : memref<8x13824xf32, #tpu.memory_space<vmem>> -> memref<8x128xf32, #tpu.memory_space<vmem>>
          %dma_wait3A_840 = tpu.memref_slice %arg2[%add3A_13, %add3A_835] : memref<1024x100000xf32, #tpu.memory_space<hbm>> -> memref<8x128xf32, #tpu.memory_space<hbm>>
          %dma_wait3A_841 = arith.constant 0 : i32
          %dma_wait3A_842 = tpu.memref_slice %arg7[%dma_wait3A_841, %mul3A_837] : memref<8x13824xf32, #tpu.memory_space<vmem>> -> memref<8x128xf32, #tpu.memory_space<vmem>>
          %dma_wait3A_843 = tpu.memref_slice %arg2[%add3A_13, %add3A_835] : memref<1024x100000xf32, #tpu.memory_space<hbm>> -> memref<8x128xf32, #tpu.memory_space<hbm>>
          tpu.wait_dma2 semaphore(%arg10 : memref<!tpu.dma_semaphore, #tpu.memory_space<semaphore_mem>>) src(%dma_wait3A_843 : memref<8x128xf32, #tpu.memory_space<hbm>>) dst(%dma_wait3A_842 : memref<8x128xf32, #tpu.memory_space<vmem>>)
          %mul3A_844 = arith.constant 36 : i32
          %mul3A_845 = arith.muli %scan3A_64, %mul3A_844 : i32
          %add3A_846 = arith.constant 16 : i32
          %add3A_847 = arith.addi %mul3A_845, %add3A_846 : i32
          %mul3A_848 = arith.constant 128 : i32
          %mul3A_849 = arith.muli %add3A_847, %mul3A_848 : i32
          %add3A_850 = arith.addi %mul3A_44, %mul3A_849 : i32
          %mul3A_851 = arith.constant 128 : i32
          %mul3A_852 = arith.muli %add3A_847, %mul3A_851 : i32
          %dma_wait3A_853 = arith.constant 0 : i32
          %dma_wait3A_854 = tpu.memref_slice %arg7[%dma_wait3A_853, %mul3A_852] : memref<8x13824xf32, #tpu.memory_space<vmem>> -> memref<8x128xf32, #tpu.memory_space<vmem>>
          %dma_wait3A_855 = tpu.memref_slice %arg2[%add3A_13, %add3A_850] : memref<1024x100000xf32, #tpu.memory_space<hbm>> -> memref<8x128xf32, #tpu.memory_space<hbm>>
          %dma_wait3A_856 = arith.constant 0 : i32
          %dma_wait3A_857 = tpu.memref_slice %arg7[%dma_wait3A_856, %mul3A_852] : memref<8x13824xf32, #tpu.memory_space<vmem>> -> memref<8x128xf32, #tpu.memory_space<vmem>>
          %dma_wait3A_858 = tpu.memref_slice %arg2[%add3A_13, %add3A_850] : memref<1024x100000xf32, #tpu.memory_space<hbm>> -> memref<8x128xf32, #tpu.memory_space<hbm>>
          tpu.wait_dma2 semaphore(%arg10 : memref<!tpu.dma_semaphore, #tpu.memory_space<semaphore_mem>>) src(%dma_wait3A_858 : memref<8x128xf32, #tpu.memory_space<hbm>>) dst(%dma_wait3A_857 : memref<8x128xf32, #tpu.memory_space<vmem>>)
          %mul3A_859 = arith.constant 36 : i32
          %mul3A_860 = arith.muli %scan3A_64, %mul3A_859 : i32
          %add3A_861 = arith.constant 17 : i32
          %add3A_862 = arith.addi %mul3A_860, %add3A_861 : i32
          %mul3A_863 = arith.constant 128 : i32
          %mul3A_864 = arith.muli %add3A_862, %mul3A_863 : i32
          %add3A_865 = arith.addi %mul3A_44, %mul3A_864 : i32
          %mul3A_866 = arith.constant 128 : i32
          %mul3A_867 = arith.muli %add3A_862, %mul3A_866 : i32
          %dma_wait3A_868 = arith.constant 0 : i32
          %dma_wait3A_869 = tpu.memref_slice %arg7[%dma_wait3A_868, %mul3A_867] : memref<8x13824xf32, #tpu.memory_space<vmem>> -> memref<8x128xf32, #tpu.memory_space<vmem>>
          %dma_wait3A_870 = tpu.memref_slice %arg2[%add3A_13, %add3A_865] : memref<1024x100000xf32, #tpu.memory_space<hbm>> -> memref<8x128xf32, #tpu.memory_space<hbm>>
          %dma_wait3A_871 = arith.constant 0 : i32
          %dma_wait3A_872 = tpu.memref_slice %arg7[%dma_wait3A_871, %mul3A_867] : memref<8x13824xf32, #tpu.memory_space<vmem>> -> memref<8x128xf32, #tpu.memory_space<vmem>>
          %dma_wait3A_873 = tpu.memref_slice %arg2[%add3A_13, %add3A_865] : memref<1024x100000xf32, #tpu.memory_space<hbm>> -> memref<8x128xf32, #tpu.memory_space<hbm>>
          tpu.wait_dma2 semaphore(%arg10 : memref<!tpu.dma_semaphore, #tpu.memory_space<semaphore_mem>>) src(%dma_wait3A_873 : memref<8x128xf32, #tpu.memory_space<hbm>>) dst(%dma_wait3A_872 : memref<8x128xf32, #tpu.memory_space<vmem>>)
          %mul3A_874 = arith.constant 36 : i32
          %mul3A_875 = arith.muli %scan3A_64, %mul3A_874 : i32
          %add3A_876 = arith.constant 18 : i32
          %add3A_877 = arith.addi %mul3A_875, %add3A_876 : i32
          %mul3A_878 = arith.constant 128 : i32
          %mul3A_879 = arith.muli %add3A_877, %mul3A_878 : i32
          %add3A_880 = arith.addi %mul3A_44, %mul3A_879 : i32
          %mul3A_881 = arith.constant 128 : i32
          %mul3A_882 = arith.muli %add3A_877, %mul3A_881 : i32
          %dma_wait3A_883 = arith.constant 0 : i32
          %dma_wait3A_884 = tpu.memref_slice %arg7[%dma_wait3A_883, %mul3A_882] : memref<8x13824xf32, #tpu.memory_space<vmem>> -> memref<8x128xf32, #tpu.memory_space<vmem>>
          %dma_wait3A_885 = tpu.memref_slice %arg2[%add3A_13, %add3A_880] : memref<1024x100000xf32, #tpu.memory_space<hbm>> -> memref<8x128xf32, #tpu.memory_space<hbm>>
          %dma_wait3A_886 = arith.constant 0 : i32
          %dma_wait3A_887 = tpu.memref_slice %arg7[%dma_wait3A_886, %mul3A_882] : memref<8x13824xf32, #tpu.memory_space<vmem>> -> memref<8x128xf32, #tpu.memory_space<vmem>>
          %dma_wait3A_888 = tpu.memref_slice %arg2[%add3A_13, %add3A_880] : memref<1024x100000xf32, #tpu.memory_space<hbm>> -> memref<8x128xf32, #tpu.memory_space<hbm>>
          tpu.wait_dma2 semaphore(%arg10 : memref<!tpu.dma_semaphore, #tpu.memory_space<semaphore_mem>>) src(%dma_wait3A_888 : memref<8x128xf32, #tpu.memory_space<hbm>>) dst(%dma_wait3A_887 : memref<8x128xf32, #tpu.memory_space<vmem>>)
          %mul3A_889 = arith.constant 36 : i32
          %mul3A_890 = arith.muli %scan3A_64, %mul3A_889 : i32
          %add3A_891 = arith.constant 19 : i32
          %add3A_892 = arith.addi %mul3A_890, %add3A_891 : i32
          %mul3A_893 = arith.constant 128 : i32
          %mul3A_894 = arith.muli %add3A_892, %mul3A_893 : i32
          %add3A_895 = arith.addi %mul3A_44, %mul3A_894 : i32
          %mul3A_896 = arith.constant 128 : i32
          %mul3A_897 = arith.muli %add3A_892, %mul3A_896 : i32
          %dma_wait3A_898 = arith.constant 0 : i32
          %dma_wait3A_899 = tpu.memref_slice %arg7[%dma_wait3A_898, %mul3A_897] : memref<8x13824xf32, #tpu.memory_space<vmem>> -> memref<8x128xf32, #tpu.memory_space<vmem>>
          %dma_wait3A_900 = tpu.memref_slice %arg2[%add3A_13, %add3A_895] : memref<1024x100000xf32, #tpu.memory_space<hbm>> -> memref<8x128xf32, #tpu.memory_space<hbm>>
          %dma_wait3A_901 = arith.constant 0 : i32
          %dma_wait3A_902 = tpu.memref_slice %arg7[%dma_wait3A_901, %mul3A_897] : memref<8x13824xf32, #tpu.memory_space<vmem>> -> memref<8x128xf32, #tpu.memory_space<vmem>>
          %dma_wait3A_903 = tpu.memref_slice %arg2[%add3A_13, %add3A_895] : memref<1024x100000xf32, #tpu.memory_space<hbm>> -> memref<8x128xf32, #tpu.memory_space<hbm>>
          tpu.wait_dma2 semaphore(%arg10 : memref<!tpu.dma_semaphore, #tpu.memory_space<semaphore_mem>>) src(%dma_wait3A_903 : memref<8x128xf32, #tpu.memory_space<hbm>>) dst(%dma_wait3A_902 : memref<8x128xf32, #tpu.memory_space<vmem>>)
          %mul3A_904 = arith.constant 36 : i32
          %mul3A_905 = arith.muli %scan3A_64, %mul3A_904 : i32
          %add3A_906 = arith.constant 20 : i32
          %add3A_907 = arith.addi %mul3A_905, %add3A_906 : i32
          %mul3A_908 = arith.constant 128 : i32
          %mul3A_909 = arith.muli %add3A_907, %mul3A_908 : i32
          %add3A_910 = arith.addi %mul3A_44, %mul3A_909 : i32
          %mul3A_911 = arith.constant 128 : i32
          %mul3A_912 = arith.muli %add3A_907, %mul3A_911 : i32
          %dma_wait3A_913 = arith.constant 0 : i32
          %dma_wait3A_914 = tpu.memref_slice %arg7[%dma_wait3A_913, %mul3A_912] : memref<8x13824xf32, #tpu.memory_space<vmem>> -> memref<8x128xf32, #tpu.memory_space<vmem>>
          %dma_wait3A_915 = tpu.memref_slice %arg2[%add3A_13, %add3A_910] : memref<1024x100000xf32, #tpu.memory_space<hbm>> -> memref<8x128xf32, #tpu.memory_space<hbm>>
          %dma_wait3A_916 = arith.constant 0 : i32
          %dma_wait3A_917 = tpu.memref_slice %arg7[%dma_wait3A_916, %mul3A_912] : memref<8x13824xf32, #tpu.memory_space<vmem>> -> memref<8x128xf32, #tpu.memory_space<vmem>>
          %dma_wait3A_918 = tpu.memref_slice %arg2[%add3A_13, %add3A_910] : memref<1024x100000xf32, #tpu.memory_space<hbm>> -> memref<8x128xf32, #tpu.memory_space<hbm>>
          tpu.wait_dma2 semaphore(%arg10 : memref<!tpu.dma_semaphore, #tpu.memory_space<semaphore_mem>>) src(%dma_wait3A_918 : memref<8x128xf32, #tpu.memory_space<hbm>>) dst(%dma_wait3A_917 : memref<8x128xf32, #tpu.memory_space<vmem>>)
          %mul3A_919 = arith.constant 36 : i32
          %mul3A_920 = arith.muli %scan3A_64, %mul3A_919 : i32
          %add3A_921 = arith.constant 21 : i32
          %add3A_922 = arith.addi %mul3A_920, %add3A_921 : i32
          %mul3A_923 = arith.constant 128 : i32
          %mul3A_924 = arith.muli %add3A_922, %mul3A_923 : i32
          %add3A_925 = arith.addi %mul3A_44, %mul3A_924 : i32
          %mul3A_926 = arith.constant 128 : i32
          %mul3A_927 = arith.muli %add3A_922, %mul3A_926 : i32
          %dma_wait3A_928 = arith.constant 0 : i32
          %dma_wait3A_929 = tpu.memref_slice %arg7[%dma_wait3A_928, %mul3A_927] : memref<8x13824xf32, #tpu.memory_space<vmem>> -> memref<8x128xf32, #tpu.memory_space<vmem>>
          %dma_wait3A_930 = tpu.memref_slice %arg2[%add3A_13, %add3A_925] : memref<1024x100000xf32, #tpu.memory_space<hbm>> -> memref<8x128xf32, #tpu.memory_space<hbm>>
          %dma_wait3A_931 = arith.constant 0 : i32
          %dma_wait3A_932 = tpu.memref_slice %arg7[%dma_wait3A_931, %mul3A_927] : memref<8x13824xf32, #tpu.memory_space<vmem>> -> memref<8x128xf32, #tpu.memory_space<vmem>>
          %dma_wait3A_933 = tpu.memref_slice %arg2[%add3A_13, %add3A_925] : memref<1024x100000xf32, #tpu.memory_space<hbm>> -> memref<8x128xf32, #tpu.memory_space<hbm>>
          tpu.wait_dma2 semaphore(%arg10 : memref<!tpu.dma_semaphore, #tpu.memory_space<semaphore_mem>>) src(%dma_wait3A_933 : memref<8x128xf32, #tpu.memory_space<hbm>>) dst(%dma_wait3A_932 : memref<8x128xf32, #tpu.memory_space<vmem>>)
          %mul3A_934 = arith.constant 36 : i32
          %mul3A_935 = arith.muli %scan3A_64, %mul3A_934 : i32
          %add3A_936 = arith.constant 22 : i32
          %add3A_937 = arith.addi %mul3A_935, %add3A_936 : i32
          %mul3A_938 = arith.constant 128 : i32
          %mul3A_939 = arith.muli %add3A_937, %mul3A_938 : i32
          %add3A_940 = arith.addi %mul3A_44, %mul3A_939 : i32
          %mul3A_941 = arith.constant 128 : i32
          %mul3A_942 = arith.muli %add3A_937, %mul3A_941 : i32
          %dma_wait3A_943 = arith.constant 0 : i32
          %dma_wait3A_944 = tpu.memref_slice %arg7[%dma_wait3A_943, %mul3A_942] : memref<8x13824xf32, #tpu.memory_space<vmem>> -> memref<8x128xf32, #tpu.memory_space<vmem>>
          %dma_wait3A_945 = tpu.memref_slice %arg2[%add3A_13, %add3A_940] : memref<1024x100000xf32, #tpu.memory_space<hbm>> -> memref<8x128xf32, #tpu.memory_space<hbm>>
          %dma_wait3A_946 = arith.constant 0 : i32
          %dma_wait3A_947 = tpu.memref_slice %arg7[%dma_wait3A_946, %mul3A_942] : memref<8x13824xf32, #tpu.memory_space<vmem>> -> memref<8x128xf32, #tpu.memory_space<vmem>>
          %dma_wait3A_948 = tpu.memref_slice %arg2[%add3A_13, %add3A_940] : memref<1024x100000xf32, #tpu.memory_space<hbm>> -> memref<8x128xf32, #tpu.memory_space<hbm>>
          tpu.wait_dma2 semaphore(%arg10 : memref<!tpu.dma_semaphore, #tpu.memory_space<semaphore_mem>>) src(%dma_wait3A_948 : memref<8x128xf32, #tpu.memory_space<hbm>>) dst(%dma_wait3A_947 : memref<8x128xf32, #tpu.memory_space<vmem>>)
          %mul3A_949 = arith.constant 36 : i32
          %mul3A_950 = arith.muli %scan3A_64, %mul3A_949 : i32
          %add3A_951 = arith.constant 23 : i32
          %add3A_952 = arith.addi %mul3A_950, %add3A_951 : i32
          %mul3A_953 = arith.constant 128 : i32
          %mul3A_954 = arith.muli %add3A_952, %mul3A_953 : i32
          %add3A_955 = arith.addi %mul3A_44, %mul3A_954 : i32
          %mul3A_956 = arith.constant 128 : i32
          %mul3A_957 = arith.muli %add3A_952, %mul3A_956 : i32
          %dma_wait3A_958 = arith.constant 0 : i32
          %dma_wait3A_959 = tpu.memref_slice %arg7[%dma_wait3A_958, %mul3A_957] : memref<8x13824xf32, #tpu.memory_space<vmem>> -> memref<8x128xf32, #tpu.memory_space<vmem>>
          %dma_wait3A_960 = tpu.memref_slice %arg2[%add3A_13, %add3A_955] : memref<1024x100000xf32, #tpu.memory_space<hbm>> -> memref<8x128xf32, #tpu.memory_space<hbm>>
          %dma_wait3A_961 = arith.constant 0 : i32
          %dma_wait3A_962 = tpu.memref_slice %arg7[%dma_wait3A_961, %mul3A_957] : memref<8x13824xf32, #tpu.memory_space<vmem>> -> memref<8x128xf32, #tpu.memory_space<vmem>>
          %dma_wait3A_963 = tpu.memref_slice %arg2[%add3A_13, %add3A_955] : memref<1024x100000xf32, #tpu.memory_space<hbm>> -> memref<8x128xf32, #tpu.memory_space<hbm>>
          tpu.wait_dma2 semaphore(%arg10 : memref<!tpu.dma_semaphore, #tpu.memory_space<semaphore_mem>>) src(%dma_wait3A_963 : memref<8x128xf32, #tpu.memory_space<hbm>>) dst(%dma_wait3A_962 : memref<8x128xf32, #tpu.memory_space<vmem>>)
          %mul3A_964 = arith.constant 36 : i32
          %mul3A_965 = arith.muli %scan3A_64, %mul3A_964 : i32
          %add3A_966 = arith.constant 24 : i32
          %add3A_967 = arith.addi %mul3A_965, %add3A_966 : i32
          %mul3A_968 = arith.constant 128 : i32
          %mul3A_969 = arith.muli %add3A_967, %mul3A_968 : i32
          %add3A_970 = arith.addi %mul3A_44, %mul3A_969 : i32
          %mul3A_971 = arith.constant 128 : i32
          %mul3A_972 = arith.muli %add3A_967, %mul3A_971 : i32
          %dma_wait3A_973 = arith.constant 0 : i32
          %dma_wait3A_974 = tpu.memref_slice %arg7[%dma_wait3A_973, %mul3A_972] : memref<8x13824xf32, #tpu.memory_space<vmem>> -> memref<8x128xf32, #tpu.memory_space<vmem>>
          %dma_wait3A_975 = tpu.memref_slice %arg2[%add3A_13, %add3A_970] : memref<1024x100000xf32, #tpu.memory_space<hbm>> -> memref<8x128xf32, #tpu.memory_space<hbm>>
          %dma_wait3A_976 = arith.constant 0 : i32
          %dma_wait3A_977 = tpu.memref_slice %arg7[%dma_wait3A_976, %mul3A_972] : memref<8x13824xf32, #tpu.memory_space<vmem>> -> memref<8x128xf32, #tpu.memory_space<vmem>>
          %dma_wait3A_978 = tpu.memref_slice %arg2[%add3A_13, %add3A_970] : memref<1024x100000xf32, #tpu.memory_space<hbm>> -> memref<8x128xf32, #tpu.memory_space<hbm>>
          tpu.wait_dma2 semaphore(%arg10 : memref<!tpu.dma_semaphore, #tpu.memory_space<semaphore_mem>>) src(%dma_wait3A_978 : memref<8x128xf32, #tpu.memory_space<hbm>>) dst(%dma_wait3A_977 : memref<8x128xf32, #tpu.memory_space<vmem>>)
          %mul3A_979 = arith.constant 36 : i32
          %mul3A_980 = arith.muli %scan3A_64, %mul3A_979 : i32
          %add3A_981 = arith.constant 25 : i32
          %add3A_982 = arith.addi %mul3A_980, %add3A_981 : i32
          %mul3A_983 = arith.constant 128 : i32
          %mul3A_984 = arith.muli %add3A_982, %mul3A_983 : i32
          %add3A_985 = arith.addi %mul3A_44, %mul3A_984 : i32
          %mul3A_986 = arith.constant 128 : i32
          %mul3A_987 = arith.muli %add3A_982, %mul3A_986 : i32
          %dma_wait3A_988 = arith.constant 0 : i32
          %dma_wait3A_989 = tpu.memref_slice %arg7[%dma_wait3A_988, %mul3A_987] : memref<8x13824xf32, #tpu.memory_space<vmem>> -> memref<8x128xf32, #tpu.memory_space<vmem>>
          %dma_wait3A_990 = tpu.memref_slice %arg2[%add3A_13, %add3A_985] : memref<1024x100000xf32, #tpu.memory_space<hbm>> -> memref<8x128xf32, #tpu.memory_space<hbm>>
          %dma_wait3A_991 = arith.constant 0 : i32
          %dma_wait3A_992 = tpu.memref_slice %arg7[%dma_wait3A_991, %mul3A_987] : memref<8x13824xf32, #tpu.memory_space<vmem>> -> memref<8x128xf32, #tpu.memory_space<vmem>>
          %dma_wait3A_993 = tpu.memref_slice %arg2[%add3A_13, %add3A_985] : memref<1024x100000xf32, #tpu.memory_space<hbm>> -> memref<8x128xf32, #tpu.memory_space<hbm>>
          tpu.wait_dma2 semaphore(%arg10 : memref<!tpu.dma_semaphore, #tpu.memory_space<semaphore_mem>>) src(%dma_wait3A_993 : memref<8x128xf32, #tpu.memory_space<hbm>>) dst(%dma_wait3A_992 : memref<8x128xf32, #tpu.memory_space<vmem>>)
          %mul3A_994 = arith.constant 36 : i32
          %mul3A_995 = arith.muli %scan3A_64, %mul3A_994 : i32
          %add3A_996 = arith.constant 26 : i32
          %add3A_997 = arith.addi %mul3A_995, %add3A_996 : i32
          %mul3A_998 = arith.constant 128 : i32
          %mul3A_999 = arith.muli %add3A_997, %mul3A_998 : i32
          %add3A_1000 = arith.addi %mul3A_44, %mul3A_999 : i32
          %mul3A_1001 = arith.constant 128 : i32
          %mul3A_1002 = arith.muli %add3A_997, %mul3A_1001 : i32
          %dma_wait3A_1003 = arith.constant 0 : i32
          %dma_wait3A_1004 = tpu.memref_slice %arg7[%dma_wait3A_1003, %mul3A_1002] : memref<8x13824xf32, #tpu.memory_space<vmem>> -> memref<8x128xf32, #tpu.memory_space<vmem>>
          %dma_wait3A_1005 = tpu.memref_slice %arg2[%add3A_13, %add3A_1000] : memref<1024x100000xf32, #tpu.memory_space<hbm>> -> memref<8x128xf32, #tpu.memory_space<hbm>>
          %dma_wait3A_1006 = arith.constant 0 : i32
          %dma_wait3A_1007 = tpu.memref_slice %arg7[%dma_wait3A_1006, %mul3A_1002] : memref<8x13824xf32, #tpu.memory_space<vmem>> -> memref<8x128xf32, #tpu.memory_space<vmem>>
          %dma_wait3A_1008 = tpu.memref_slice %arg2[%add3A_13, %add3A_1000] : memref<1024x100000xf32, #tpu.memory_space<hbm>> -> memref<8x128xf32, #tpu.memory_space<hbm>>
          tpu.wait_dma2 semaphore(%arg10 : memref<!tpu.dma_semaphore, #tpu.memory_space<semaphore_mem>>) src(%dma_wait3A_1008 : memref<8x128xf32, #tpu.memory_space<hbm>>) dst(%dma_wait3A_1007 : memref<8x128xf32, #tpu.memory_space<vmem>>)
          %mul3A_1009 = arith.constant 36 : i32
          %mul3A_1010 = arith.muli %scan3A_64, %mul3A_1009 : i32
          %add3A_1011 = arith.constant 27 : i32
          %add3A_1012 = arith.addi %mul3A_1010, %add3A_1011 : i32
          %mul3A_1013 = arith.constant 128 : i32
          %mul3A_1014 = arith.muli %add3A_1012, %mul3A_1013 : i32
          %add3A_1015 = arith.addi %mul3A_44, %mul3A_1014 : i32
          %mul3A_1016 = arith.constant 128 : i32
          %mul3A_1017 = arith.muli %add3A_1012, %mul3A_1016 : i32
          %dma_wait3A_1018 = arith.constant 0 : i32
          %dma_wait3A_1019 = tpu.memref_slice %arg7[%dma_wait3A_1018, %mul3A_1017] : memref<8x13824xf32, #tpu.memory_space<vmem>> -> memref<8x128xf32, #tpu.memory_space<vmem>>
          %dma_wait3A_1020 = tpu.memref_slice %arg2[%add3A_13, %add3A_1015] : memref<1024x100000xf32, #tpu.memory_space<hbm>> -> memref<8x128xf32, #tpu.memory_space<hbm>>
          %dma_wait3A_1021 = arith.constant 0 : i32
          %dma_wait3A_1022 = tpu.memref_slice %arg7[%dma_wait3A_1021, %mul3A_1017] : memref<8x13824xf32, #tpu.memory_space<vmem>> -> memref<8x128xf32, #tpu.memory_space<vmem>>
          %dma_wait3A_1023 = tpu.memref_slice %arg2[%add3A_13, %add3A_1015] : memref<1024x100000xf32, #tpu.memory_space<hbm>> -> memref<8x128xf32, #tpu.memory_space<hbm>>
          tpu.wait_dma2 semaphore(%arg10 : memref<!tpu.dma_semaphore, #tpu.memory_space<semaphore_mem>>) src(%dma_wait3A_1023 : memref<8x128xf32, #tpu.memory_space<hbm>>) dst(%dma_wait3A_1022 : memref<8x128xf32, #tpu.memory_space<vmem>>)
          %mul3A_1024 = arith.constant 36 : i32
          %mul3A_1025 = arith.muli %scan3A_64, %mul3A_1024 : i32
          %add3A_1026 = arith.constant 28 : i32
          %add3A_1027 = arith.addi %mul3A_1025, %add3A_1026 : i32
          %mul3A_1028 = arith.constant 128 : i32
          %mul3A_1029 = arith.muli %add3A_1027, %mul3A_1028 : i32
          %add3A_1030 = arith.addi %mul3A_44, %mul3A_1029 : i32
          %mul3A_1031 = arith.constant 128 : i32
          %mul3A_1032 = arith.muli %add3A_1027, %mul3A_1031 : i32
          %dma_wait3A_1033 = arith.constant 0 : i32
          %dma_wait3A_1034 = tpu.memref_slice %arg7[%dma_wait3A_1033, %mul3A_1032] : memref<8x13824xf32, #tpu.memory_space<vmem>> -> memref<8x128xf32, #tpu.memory_space<vmem>>
          %dma_wait3A_1035 = tpu.memref_slice %arg2[%add3A_13, %add3A_1030] : memref<1024x100000xf32, #tpu.memory_space<hbm>> -> memref<8x128xf32, #tpu.memory_space<hbm>>
          %dma_wait3A_1036 = arith.constant 0 : i32
          %dma_wait3A_1037 = tpu.memref_slice %arg7[%dma_wait3A_1036, %mul3A_1032] : memref<8x13824xf32, #tpu.memory_space<vmem>> -> memref<8x128xf32, #tpu.memory_space<vmem>>
          %dma_wait3A_1038 = tpu.memref_slice %arg2[%add3A_13, %add3A_1030] : memref<1024x100000xf32, #tpu.memory_space<hbm>> -> memref<8x128xf32, #tpu.memory_space<hbm>>
          tpu.wait_dma2 semaphore(%arg10 : memref<!tpu.dma_semaphore, #tpu.memory_space<semaphore_mem>>) src(%dma_wait3A_1038 : memref<8x128xf32, #tpu.memory_space<hbm>>) dst(%dma_wait3A_1037 : memref<8x128xf32, #tpu.memory_space<vmem>>)
          %mul3A_1039 = arith.constant 36 : i32
          %mul3A_1040 = arith.muli %scan3A_64, %mul3A_1039 : i32
          %add3A_1041 = arith.constant 29 : i32
          %add3A_1042 = arith.addi %mul3A_1040, %add3A_1041 : i32
          %mul3A_1043 = arith.constant 128 : i32
          %mul3A_1044 = arith.muli %add3A_1042, %mul3A_1043 : i32
          %add3A_1045 = arith.addi %mul3A_44, %mul3A_1044 : i32
          %mul3A_1046 = arith.constant 128 : i32
          %mul3A_1047 = arith.muli %add3A_1042, %mul3A_1046 : i32
          %dma_wait3A_1048 = arith.constant 0 : i32
          %dma_wait3A_1049 = tpu.memref_slice %arg7[%dma_wait3A_1048, %mul3A_1047] : memref<8x13824xf32, #tpu.memory_space<vmem>> -> memref<8x128xf32, #tpu.memory_space<vmem>>
          %dma_wait3A_1050 = tpu.memref_slice %arg2[%add3A_13, %add3A_1045] : memref<1024x100000xf32, #tpu.memory_space<hbm>> -> memref<8x128xf32, #tpu.memory_space<hbm>>
          %dma_wait3A_1051 = arith.constant 0 : i32
          %dma_wait3A_1052 = tpu.memref_slice %arg7[%dma_wait3A_1051, %mul3A_1047] : memref<8x13824xf32, #tpu.memory_space<vmem>> -> memref<8x128xf32, #tpu.memory_space<vmem>>
          %dma_wait3A_1053 = tpu.memref_slice %arg2[%add3A_13, %add3A_1045] : memref<1024x100000xf32, #tpu.memory_space<hbm>> -> memref<8x128xf32, #tpu.memory_space<hbm>>
          tpu.wait_dma2 semaphore(%arg10 : memref<!tpu.dma_semaphore, #tpu.memory_space<semaphore_mem>>) src(%dma_wait3A_1053 : memref<8x128xf32, #tpu.memory_space<hbm>>) dst(%dma_wait3A_1052 : memref<8x128xf32, #tpu.memory_space<vmem>>)
          %mul3A_1054 = arith.constant 36 : i32
          %mul3A_1055 = arith.muli %scan3A_64, %mul3A_1054 : i32
          %add3A_1056 = arith.constant 30 : i32
          %add3A_1057 = arith.addi %mul3A_1055, %add3A_1056 : i32
          %mul3A_1058 = arith.constant 128 : i32
          %mul3A_1059 = arith.muli %add3A_1057, %mul3A_1058 : i32
          %add3A_1060 = arith.addi %mul3A_44, %mul3A_1059 : i32
          %mul3A_1061 = arith.constant 128 : i32
          %mul3A_1062 = arith.muli %add3A_1057, %mul3A_1061 : i32
          %dma_wait3A_1063 = arith.constant 0 : i32
          %dma_wait3A_1064 = tpu.memref_slice %arg7[%dma_wait3A_1063, %mul3A_1062] : memref<8x13824xf32, #tpu.memory_space<vmem>> -> memref<8x128xf32, #tpu.memory_space<vmem>>
          %dma_wait3A_1065 = tpu.memref_slice %arg2[%add3A_13, %add3A_1060] : memref<1024x100000xf32, #tpu.memory_space<hbm>> -> memref<8x128xf32, #tpu.memory_space<hbm>>
          %dma_wait3A_1066 = arith.constant 0 : i32
          %dma_wait3A_1067 = tpu.memref_slice %arg7[%dma_wait3A_1066, %mul3A_1062] : memref<8x13824xf32, #tpu.memory_space<vmem>> -> memref<8x128xf32, #tpu.memory_space<vmem>>
          %dma_wait3A_1068 = tpu.memref_slice %arg2[%add3A_13, %add3A_1060] : memref<1024x100000xf32, #tpu.memory_space<hbm>> -> memref<8x128xf32, #tpu.memory_space<hbm>>
          tpu.wait_dma2 semaphore(%arg10 : memref<!tpu.dma_semaphore, #tpu.memory_space<semaphore_mem>>) src(%dma_wait3A_1068 : memref<8x128xf32, #tpu.memory_space<hbm>>) dst(%dma_wait3A_1067 : memref<8x128xf32, #tpu.memory_space<vmem>>)
          %mul3A_1069 = arith.constant 36 : i32
          %mul3A_1070 = arith.muli %scan3A_64, %mul3A_1069 : i32
          %add3A_1071 = arith.constant 31 : i32
          %add3A_1072 = arith.addi %mul3A_1070, %add3A_1071 : i32
          %mul3A_1073 = arith.constant 128 : i32
          %mul3A_1074 = arith.muli %add3A_1072, %mul3A_1073 : i32
          %add3A_1075 = arith.addi %mul3A_44, %mul3A_1074 : i32
          %mul3A_1076 = arith.constant 128 : i32
          %mul3A_1077 = arith.muli %add3A_1072, %mul3A_1076 : i32
          %dma_wait3A_1078 = arith.constant 0 : i32
          %dma_wait3A_1079 = tpu.memref_slice %arg7[%dma_wait3A_1078, %mul3A_1077] : memref<8x13824xf32, #tpu.memory_space<vmem>> -> memref<8x128xf32, #tpu.memory_space<vmem>>
          %dma_wait3A_1080 = tpu.memref_slice %arg2[%add3A_13, %add3A_1075] : memref<1024x100000xf32, #tpu.memory_space<hbm>> -> memref<8x128xf32, #tpu.memory_space<hbm>>
          %dma_wait3A_1081 = arith.constant 0 : i32
          %dma_wait3A_1082 = tpu.memref_slice %arg7[%dma_wait3A_1081, %mul3A_1077] : memref<8x13824xf32, #tpu.memory_space<vmem>> -> memref<8x128xf32, #tpu.memory_space<vmem>>
          %dma_wait3A_1083 = tpu.memref_slice %arg2[%add3A_13, %add3A_1075] : memref<1024x100000xf32, #tpu.memory_space<hbm>> -> memref<8x128xf32, #tpu.memory_space<hbm>>
          tpu.wait_dma2 semaphore(%arg10 : memref<!tpu.dma_semaphore, #tpu.memory_space<semaphore_mem>>) src(%dma_wait3A_1083 : memref<8x128xf32, #tpu.memory_space<hbm>>) dst(%dma_wait3A_1082 : memref<8x128xf32, #tpu.memory_space<vmem>>)
          %mul3A_1084 = arith.constant 36 : i32
          %mul3A_1085 = arith.muli %scan3A_64, %mul3A_1084 : i32
          %add3A_1086 = arith.constant 32 : i32
          %add3A_1087 = arith.addi %mul3A_1085, %add3A_1086 : i32
          %mul3A_1088 = arith.constant 128 : i32
          %mul3A_1089 = arith.muli %add3A_1087, %mul3A_1088 : i32
          %add3A_1090 = arith.addi %mul3A_44, %mul3A_1089 : i32
          %mul3A_1091 = arith.constant 128 : i32
          %mul3A_1092 = arith.muli %add3A_1087, %mul3A_1091 : i32
          %dma_wait3A_1093 = arith.constant 0 : i32
          %dma_wait3A_1094 = tpu.memref_slice %arg7[%dma_wait3A_1093, %mul3A_1092] : memref<8x13824xf32, #tpu.memory_space<vmem>> -> memref<8x128xf32, #tpu.memory_space<vmem>>
          %dma_wait3A_1095 = tpu.memref_slice %arg2[%add3A_13, %add3A_1090] : memref<1024x100000xf32, #tpu.memory_space<hbm>> -> memref<8x128xf32, #tpu.memory_space<hbm>>
          %dma_wait3A_1096 = arith.constant 0 : i32
          %dma_wait3A_1097 = tpu.memref_slice %arg7[%dma_wait3A_1096, %mul3A_1092] : memref<8x13824xf32, #tpu.memory_space<vmem>> -> memref<8x128xf32, #tpu.memory_space<vmem>>
          %dma_wait3A_1098 = tpu.memref_slice %arg2[%add3A_13, %add3A_1090] : memref<1024x100000xf32, #tpu.memory_space<hbm>> -> memref<8x128xf32, #tpu.memory_space<hbm>>
          tpu.wait_dma2 semaphore(%arg10 : memref<!tpu.dma_semaphore, #tpu.memory_space<semaphore_mem>>) src(%dma_wait3A_1098 : memref<8x128xf32, #tpu.memory_space<hbm>>) dst(%dma_wait3A_1097 : memref<8x128xf32, #tpu.memory_space<vmem>>)
          %mul3A_1099 = arith.constant 36 : i32
          %mul3A_1100 = arith.muli %scan3A_64, %mul3A_1099 : i32
          %add3A_1101 = arith.constant 33 : i32
          %add3A_1102 = arith.addi %mul3A_1100, %add3A_1101 : i32
          %mul3A_1103 = arith.constant 128 : i32
          %mul3A_1104 = arith.muli %add3A_1102, %mul3A_1103 : i32
          %add3A_1105 = arith.addi %mul3A_44, %mul3A_1104 : i32
          %mul3A_1106 = arith.constant 128 : i32
          %mul3A_1107 = arith.muli %add3A_1102, %mul3A_1106 : i32
          %dma_wait3A_1108 = arith.constant 0 : i32
          %dma_wait3A_1109 = tpu.memref_slice %arg7[%dma_wait3A_1108, %mul3A_1107] : memref<8x13824xf32, #tpu.memory_space<vmem>> -> memref<8x128xf32, #tpu.memory_space<vmem>>
          %dma_wait3A_1110 = tpu.memref_slice %arg2[%add3A_13, %add3A_1105] : memref<1024x100000xf32, #tpu.memory_space<hbm>> -> memref<8x128xf32, #tpu.memory_space<hbm>>
          %dma_wait3A_1111 = arith.constant 0 : i32
          %dma_wait3A_1112 = tpu.memref_slice %arg7[%dma_wait3A_1111, %mul3A_1107] : memref<8x13824xf32, #tpu.memory_space<vmem>> -> memref<8x128xf32, #tpu.memory_space<vmem>>
          %dma_wait3A_1113 = tpu.memref_slice %arg2[%add3A_13, %add3A_1105] : memref<1024x100000xf32, #tpu.memory_space<hbm>> -> memref<8x128xf32, #tpu.memory_space<hbm>>
          tpu.wait_dma2 semaphore(%arg10 : memref<!tpu.dma_semaphore, #tpu.memory_space<semaphore_mem>>) src(%dma_wait3A_1113 : memref<8x128xf32, #tpu.memory_space<hbm>>) dst(%dma_wait3A_1112 : memref<8x128xf32, #tpu.memory_space<vmem>>)
          %mul3A_1114 = arith.constant 36 : i32
          %mul3A_1115 = arith.muli %scan3A_64, %mul3A_1114 : i32
          %add3A_1116 = arith.constant 34 : i32
          %add3A_1117 = arith.addi %mul3A_1115, %add3A_1116 : i32
          %mul3A_1118 = arith.constant 128 : i32
          %mul3A_1119 = arith.muli %add3A_1117, %mul3A_1118 : i32
          %add3A_1120 = arith.addi %mul3A_44, %mul3A_1119 : i32
          %mul3A_1121 = arith.constant 128 : i32
          %mul3A_1122 = arith.muli %add3A_1117, %mul3A_1121 : i32
          %dma_wait3A_1123 = arith.constant 0 : i32
          %dma_wait3A_1124 = tpu.memref_slice %arg7[%dma_wait3A_1123, %mul3A_1122] : memref<8x13824xf32, #tpu.memory_space<vmem>> -> memref<8x128xf32, #tpu.memory_space<vmem>>
          %dma_wait3A_1125 = tpu.memref_slice %arg2[%add3A_13, %add3A_1120] : memref<1024x100000xf32, #tpu.memory_space<hbm>> -> memref<8x128xf32, #tpu.memory_space<hbm>>
          %dma_wait3A_1126 = arith.constant 0 : i32
          %dma_wait3A_1127 = tpu.memref_slice %arg7[%dma_wait3A_1126, %mul3A_1122] : memref<8x13824xf32, #tpu.memory_space<vmem>> -> memref<8x128xf32, #tpu.memory_space<vmem>>
          %dma_wait3A_1128 = tpu.memref_slice %arg2[%add3A_13, %add3A_1120] : memref<1024x100000xf32, #tpu.memory_space<hbm>> -> memref<8x128xf32, #tpu.memory_space<hbm>>
          tpu.wait_dma2 semaphore(%arg10 : memref<!tpu.dma_semaphore, #tpu.memory_space<semaphore_mem>>) src(%dma_wait3A_1128 : memref<8x128xf32, #tpu.memory_space<hbm>>) dst(%dma_wait3A_1127 : memref<8x128xf32, #tpu.memory_space<vmem>>)
          %mul3A_1129 = arith.constant 36 : i32
          %mul3A_1130 = arith.muli %scan3A_64, %mul3A_1129 : i32
          %add3A_1131 = arith.constant 35 : i32
          %add3A_1132 = arith.addi %mul3A_1130, %add3A_1131 : i32
          %mul3A_1133 = arith.constant 128 : i32
          %mul3A_1134 = arith.muli %add3A_1132, %mul3A_1133 : i32
          %add3A_1135 = arith.addi %mul3A_44, %mul3A_1134 : i32
          %mul3A_1136 = arith.constant 128 : i32
          %mul3A_1137 = arith.muli %add3A_1132, %mul3A_1136 : i32
          %dma_wait3A_1138 = arith.constant 0 : i32
          %dma_wait3A_1139 = tpu.memref_slice %arg7[%dma_wait3A_1138, %mul3A_1137] : memref<8x13824xf32, #tpu.memory_space<vmem>> -> memref<8x128xf32, #tpu.memory_space<vmem>>
          %dma_wait3A_1140 = tpu.memref_slice %arg2[%add3A_13, %add3A_1135] : memref<1024x100000xf32, #tpu.memory_space<hbm>> -> memref<8x128xf32, #tpu.memory_space<hbm>>
          %dma_wait3A_1141 = arith.constant 0 : i32
          %dma_wait3A_1142 = tpu.memref_slice %arg7[%dma_wait3A_1141, %mul3A_1137] : memref<8x13824xf32, #tpu.memory_space<vmem>> -> memref<8x128xf32, #tpu.memory_space<vmem>>
          %dma_wait3A_1143 = tpu.memref_slice %arg2[%add3A_13, %add3A_1135] : memref<1024x100000xf32, #tpu.memory_space<hbm>> -> memref<8x128xf32, #tpu.memory_space<hbm>>
          tpu.wait_dma2 semaphore(%arg10 : memref<!tpu.dma_semaphore, #tpu.memory_space<semaphore_mem>>) src(%dma_wait3A_1143 : memref<8x128xf32, #tpu.memory_space<hbm>>) dst(%dma_wait3A_1142 : memref<8x128xf32, #tpu.memory_space<vmem>>)
          %scan3A_1144 = arith.constant 0 : i32
          scf.yield %scan3A_1144 : i32
        }
        %scan3A_51 = arith.constant 3 : i32
        %iota3A_52 = tpu.iota {dimensions = array<i32: 0>} : vector<16xi32>
        %broadcast_in_dim3A_53 = vector.broadcast %mul3A_44 : i32 to vector<16xi32>
        %broadcast_in_dim3A_54 = arith.constant 13824 : i32
        %broadcast_in_dim3A_55 = vector.broadcast %broadcast_in_dim3A_54 : i32 to vector<16xi32>
        %scan3A_56 = arith.constant 0 : i32
        %scan3A_57 = arith.constant 0 : i32
        %scan3A_58 = arith.constant 8 : i32
        %scan3A_59 = arith.addi %scan3A_57, %scan3A_58 : i32
        %scan3A_60 = arith.constant 1 : i32
        %scan3A_61 = scf.for %scan3A_64 = %scan3A_57 to %scan3A_59 step %scan3A_60 iter_args(%scan3A_65 = %scan3A_56) -> (i32)  : i32 {
          %add3A_66 = arith.addi %mul3A_15, %scan3A_64 : i32
          %broadcast_in_dim3A_67 = vector.broadcast %scan3A_64 : i32 to vector<16xi32>
          %broadcast_in_dim3A_68 = vector.broadcast %add3A_66 : i32 to vector<16xi32>
          %get3A = arith.index_cast %add3A_66 : i32 to index
          %get3A_69 = arith.constant 0 : index
          %get3A_70 = tpu.vector_load %arg6[%get3A, %get3A_69] {strides = array<i32>} : memref<32x200xi32, #tpu.memory_space<vmem>>, vector<16xi32>,
          %sub3A = arith.subi %get3A_70, %broadcast_in_dim3A_53 : vector<16xi32>
          %bitcast3A = vector.bitcast %sub3A : vector<16xi32> to vector<16xi32>
          %lt3A = arith.cmpi ult, %bitcast3A, %broadcast_in_dim3A_55 : vector<16xi32>
          %gather3A = tpu.vector_load_idx %arg7[%broadcast_in_dim3A_67, %sub3A] masked %lt3A : memref<8x13824xf32, #tpu.memory_space<vmem>>[vector<16xi32>, vector<16xi32>], vector<16xf32>, vector<16xi1>
          %broadcast_in_dim3A_71 = arith.constant 0 : i32
          %broadcast_in_dim3A_72 = vector.broadcast %broadcast_in_dim3A_71 : i32 to vector<16xi32>
          %add3A_73 = arith.addi %broadcast_in_dim3A_72, %iota3A_52 : vector<16xi32>
          tpu.vector_store_idx %arg9[%broadcast_in_dim3A_68, %add3A_73], %gather3A masked %lt3A : memref<32x200xf32, #tpu.memory_space<vmem>>[vector<16xi32>, vector<16xi32>], vector<16xf32>, vector<16xi1>
          %get3A_74 = arith.index_cast %add3A_66 : i32 to index
          %get3A_75 = arith.constant 16 : index
          %get3A_76 = tpu.vector_load %arg6[%get3A_74, %get3A_75] {strides = array<i32>} : memref<32x200xi32, #tpu.memory_space<vmem>>, vector<16xi32>,
          %sub3A_77 = arith.subi %get3A_76, %broadcast_in_dim3A_53 : vector<16xi32>
          %bitcast3A_78 = vector.bitcast %sub3A_77 : vector<16xi32> to vector<16xi32>
          %lt3A_79 = arith.cmpi ult, %bitcast3A_78, %broadcast_in_dim3A_55 : vector<16xi32>
          %gather3A_80 = tpu.vector_load_idx %arg7[%broadcast_in_dim3A_67, %sub3A_77] masked %lt3A_79 : memref<8x13824xf32, #tpu.memory_space<vmem>>[vector<16xi32>, vector<16xi32>], vector<16xf32>, vector<16xi1>
          %broadcast_in_dim3A_81 = arith.constant 16 : i32
          %broadcast_in_dim3A_82 = vector.broadcast %broadcast_in_dim3A_81 : i32 to vector<16xi32>
          %add3A_83 = arith.addi %broadcast_in_dim3A_82, %iota3A_52 : vector<16xi32>
          tpu.vector_store_idx %arg9[%broadcast_in_dim3A_68, %add3A_83], %gather3A_80 masked %lt3A_79 : memref<32x200xf32, #tpu.memory_space<vmem>>[vector<16xi32>, vector<16xi32>], vector<16xf32>, vector<16xi1>
          %get3A_84 = arith.index_cast %add3A_66 : i32 to index
          %get3A_85 = arith.constant 32 : index
          %get3A_86 = tpu.vector_load %arg6[%get3A_84, %get3A_85] {strides = array<i32>} : memref<32x200xi32, #tpu.memory_space<vmem>>, vector<16xi32>,
          %sub3A_87 = arith.subi %get3A_86, %broadcast_in_dim3A_53 : vector<16xi32>
          %bitcast3A_88 = vector.bitcast %sub3A_87 : vector<16xi32> to vector<16xi32>
          %lt3A_89 = arith.cmpi ult, %bitcast3A_88, %broadcast_in_dim3A_55 : vector<16xi32>
          %gather3A_90 = tpu.vector_load_idx %arg7[%broadcast_in_dim3A_67, %sub3A_87] masked %lt3A_89 : memref<8x13824xf32, #tpu.memory_space<vmem>>[vector<16xi32>, vector<16xi32>], vector<16xf32>, vector<16xi1>
          %broadcast_in_dim3A_91 = arith.constant 32 : i32
          %broadcast_in_dim3A_92 = vector.broadcast %broadcast_in_dim3A_91 : i32 to vector<16xi32>
          %add3A_93 = arith.addi %broadcast_in_dim3A_92, %iota3A_52 : vector<16xi32>
          tpu.vector_store_idx %arg9[%broadcast_in_dim3A_68, %add3A_93], %gather3A_90 masked %lt3A_89 : memref<32x200xf32, #tpu.memory_space<vmem>>[vector<16xi32>, vector<16xi32>], vector<16xf32>, vector<16xi1>
          %get3A_94 = arith.index_cast %add3A_66 : i32 to index
          %get3A_95 = arith.constant 48 : index
          %get3A_96 = tpu.vector_load %arg6[%get3A_94, %get3A_95] {strides = array<i32>} : memref<32x200xi32, #tpu.memory_space<vmem>>, vector<16xi32>,
          %sub3A_97 = arith.subi %get3A_96, %broadcast_in_dim3A_53 : vector<16xi32>
          %bitcast3A_98 = vector.bitcast %sub3A_97 : vector<16xi32> to vector<16xi32>
          %lt3A_99 = arith.cmpi ult, %bitcast3A_98, %broadcast_in_dim3A_55 : vector<16xi32>
          %gather3A_100 = tpu.vector_load_idx %arg7[%broadcast_in_dim3A_67, %sub3A_97] masked %lt3A_99 : memref<8x13824xf32, #tpu.memory_space<vmem>>[vector<16xi32>, vector<16xi32>], vector<16xf32>, vector<16xi1>
          %broadcast_in_dim3A_101 = arith.constant 48 : i32
          %broadcast_in_dim3A_102 = vector.broadcast %broadcast_in_dim3A_101 : i32 to vector<16xi32>
          %add3A_103 = arith.addi %broadcast_in_dim3A_102, %iota3A_52 : vector<16xi32>
          tpu.vector_store_idx %arg9[%broadcast_in_dim3A_68, %add3A_103], %gather3A_100 masked %lt3A_99 : memref<32x200xf32, #tpu.memory_space<vmem>>[vector<16xi32>, vector<16xi32>], vector<16xf32>, vector<16xi1>
          %get3A_104 = arith.index_cast %add3A_66 : i32 to index
          %get3A_105 = arith.constant 64 : index
          %get3A_106 = tpu.vector_load %arg6[%get3A_104, %get3A_105] {strides = array<i32>} : memref<32x200xi32, #tpu.memory_space<vmem>>, vector<16xi32>,
          %sub3A_107 = arith.subi %get3A_106, %broadcast_in_dim3A_53 : vector<16xi32>
          %bitcast3A_108 = vector.bitcast %sub3A_107 : vector<16xi32> to vector<16xi32>
          %lt3A_109 = arith.cmpi ult, %bitcast3A_108, %broadcast_in_dim3A_55 : vector<16xi32>
          %gather3A_110 = tpu.vector_load_idx %arg7[%broadcast_in_dim3A_67, %sub3A_107] masked %lt3A_109 : memref<8x13824xf32, #tpu.memory_space<vmem>>[vector<16xi32>, vector<16xi32>], vector<16xf32>, vector<16xi1>
          %broadcast_in_dim3A_111 = arith.constant 64 : i32
          %broadcast_in_dim3A_112 = vector.broadcast %broadcast_in_dim3A_111 : i32 to vector<16xi32>
          %add3A_113 = arith.addi %broadcast_in_dim3A_112, %iota3A_52 : vector<16xi32>
          tpu.vector_store_idx %arg9[%broadcast_in_dim3A_68, %add3A_113], %gather3A_110 masked %lt3A_109 : memref<32x200xf32, #tpu.memory_space<vmem>>[vector<16xi32>, vector<16xi32>], vector<16xf32>, vector<16xi1>
          %get3A_114 = arith.index_cast %add3A_66 : i32 to index
          %get3A_115 = arith.constant 80 : index
          %get3A_116 = tpu.vector_load %arg6[%get3A_114, %get3A_115] {strides = array<i32>} : memref<32x200xi32, #tpu.memory_space<vmem>>, vector<16xi32>,
          %sub3A_117 = arith.subi %get3A_116, %broadcast_in_dim3A_53 : vector<16xi32>
          %bitcast3A_118 = vector.bitcast %sub3A_117 : vector<16xi32> to vector<16xi32>
          %lt3A_119 = arith.cmpi ult, %bitcast3A_118, %broadcast_in_dim3A_55 : vector<16xi32>
          %gather3A_120 = tpu.vector_load_idx %arg7[%broadcast_in_dim3A_67, %sub3A_117] masked %lt3A_119 : memref<8x13824xf32, #tpu.memory_space<vmem>>[vector<16xi32>, vector<16xi32>], vector<16xf32>, vector<16xi1>
          %broadcast_in_dim3A_121 = arith.constant 80 : i32
          %broadcast_in_dim3A_122 = vector.broadcast %broadcast_in_dim3A_121 : i32 to vector<16xi32>
          %add3A_123 = arith.addi %broadcast_in_dim3A_122, %iota3A_52 : vector<16xi32>
          tpu.vector_store_idx %arg9[%broadcast_in_dim3A_68, %add3A_123], %gather3A_120 masked %lt3A_119 : memref<32x200xf32, #tpu.memory_space<vmem>>[vector<16xi32>, vector<16xi32>], vector<16xf32>, vector<16xi1>
          %get3A_124 = arith.index_cast %add3A_66 : i32 to index
          %get3A_125 = arith.constant 96 : index
          %get3A_126 = tpu.vector_load %arg6[%get3A_124, %get3A_125] {strides = array<i32>} : memref<32x200xi32, #tpu.memory_space<vmem>>, vector<16xi32>,
          %sub3A_127 = arith.subi %get3A_126, %broadcast_in_dim3A_53 : vector<16xi32>
          %bitcast3A_128 = vector.bitcast %sub3A_127 : vector<16xi32> to vector<16xi32>
          %lt3A_129 = arith.cmpi ult, %bitcast3A_128, %broadcast_in_dim3A_55 : vector<16xi32>
          %gather3A_130 = tpu.vector_load_idx %arg7[%broadcast_in_dim3A_67, %sub3A_127] masked %lt3A_129 : memref<8x13824xf32, #tpu.memory_space<vmem>>[vector<16xi32>, vector<16xi32>], vector<16xf32>, vector<16xi1>
          %broadcast_in_dim3A_131 = arith.constant 96 : i32
          %broadcast_in_dim3A_132 = vector.broadcast %broadcast_in_dim3A_131 : i32 to vector<16xi32>
          %add3A_133 = arith.addi %broadcast_in_dim3A_132, %iota3A_52 : vector<16xi32>
          tpu.vector_store_idx %arg9[%broadcast_in_dim3A_68, %add3A_133], %gather3A_130 masked %lt3A_129 : memref<32x200xf32, #tpu.memory_space<vmem>>[vector<16xi32>, vector<16xi32>], vector<16xf32>, vector<16xi1>
          %get3A_134 = arith.index_cast %add3A_66 : i32 to index
          %get3A_135 = arith.constant 112 : index
          %get3A_136 = tpu.vector_load %arg6[%get3A_134, %get3A_135] {strides = array<i32>} : memref<32x200xi32, #tpu.memory_space<vmem>>, vector<16xi32>,
          %sub3A_137 = arith.subi %get3A_136, %broadcast_in_dim3A_53 : vector<16xi32>
          %bitcast3A_138 = vector.bitcast %sub3A_137 : vector<16xi32> to vector<16xi32>
          %lt3A_139 = arith.cmpi ult, %bitcast3A_138, %broadcast_in_dim3A_55 : vector<16xi32>
          %gather3A_140 = tpu.vector_load_idx %arg7[%broadcast_in_dim3A_67, %sub3A_137] masked %lt3A_139 : memref<8x13824xf32, #tpu.memory_space<vmem>>[vector<16xi32>, vector<16xi32>], vector<16xf32>, vector<16xi1>
          %broadcast_in_dim3A_141 = arith.constant 112 : i32
          %broadcast_in_dim3A_142 = vector.broadcast %broadcast_in_dim3A_141 : i32 to vector<16xi32>
          %add3A_143 = arith.addi %broadcast_in_dim3A_142, %iota3A_52 : vector<16xi32>
          tpu.vector_store_idx %arg9[%broadcast_in_dim3A_68, %add3A_143], %gather3A_140 masked %lt3A_139 : memref<32x200xf32, #tpu.memory_space<vmem>>[vector<16xi32>, vector<16xi32>], vector<16xf32>, vector<16xi1>
          %get3A_144 = arith.index_cast %add3A_66 : i32 to index
          %get3A_145 = arith.constant 128 : index
          %get3A_146 = tpu.vector_load %arg6[%get3A_144, %get3A_145] {strides = array<i32>} : memref<32x200xi32, #tpu.memory_space<vmem>>, vector<16xi32>,
          %sub3A_147 = arith.subi %get3A_146, %broadcast_in_dim3A_53 : vector<16xi32>
          %bitcast3A_148 = vector.bitcast %sub3A_147 : vector<16xi32> to vector<16xi32>
          %lt3A_149 = arith.cmpi ult, %bitcast3A_148, %broadcast_in_dim3A_55 : vector<16xi32>
          %gather3A_150 = tpu.vector_load_idx %arg7[%broadcast_in_dim3A_67, %sub3A_147] masked %lt3A_149 : memref<8x13824xf32, #tpu.memory_space<vmem>>[vector<16xi32>, vector<16xi32>], vector<16xf32>, vector<16xi1>
          %broadcast_in_dim3A_151 = arith.constant 128 : i32
          %broadcast_in_dim3A_152 = vector.broadcast %broadcast_in_dim3A_151 : i32 to vector<16xi32>
          %add3A_153 = arith.addi %broadcast_in_dim3A_152, %iota3A_52 : vector<16xi32>
          tpu.vector_store_idx %arg9[%broadcast_in_dim3A_68, %add3A_153], %gather3A_150 masked %lt3A_149 : memref<32x200xf32, #tpu.memory_space<vmem>>[vector<16xi32>, vector<16xi32>], vector<16xf32>, vector<16xi1>
          %get3A_154 = arith.index_cast %add3A_66 : i32 to index
          %get3A_155 = arith.constant 144 : index
          %get3A_156 = tpu.vector_load %arg6[%get3A_154, %get3A_155] {strides = array<i32>} : memref<32x200xi32, #tpu.memory_space<vmem>>, vector<16xi32>,
          %sub3A_157 = arith.subi %get3A_156, %broadcast_in_dim3A_53 : vector<16xi32>
          %bitcast3A_158 = vector.bitcast %sub3A_157 : vector<16xi32> to vector<16xi32>
          %lt3A_159 = arith.cmpi ult, %bitcast3A_158, %broadcast_in_dim3A_55 : vector<16xi32>
          %gather3A_160 = tpu.vector_load_idx %arg7[%broadcast_in_dim3A_67, %sub3A_157] masked %lt3A_159 : memref<8x13824xf32, #tpu.memory_space<vmem>>[vector<16xi32>, vector<16xi32>], vector<16xf32>, vector<16xi1>
          %broadcast_in_dim3A_161 = arith.constant 144 : i32
          %broadcast_in_dim3A_162 = vector.broadcast %broadcast_in_dim3A_161 : i32 to vector<16xi32>
          %add3A_163 = arith.addi %broadcast_in_dim3A_162, %iota3A_52 : vector<16xi32>
          tpu.vector_store_idx %arg9[%broadcast_in_dim3A_68, %add3A_163], %gather3A_160 masked %lt3A_159 : memref<32x200xf32, #tpu.memory_space<vmem>>[vector<16xi32>, vector<16xi32>], vector<16xf32>, vector<16xi1>
          %get3A_164 = arith.index_cast %add3A_66 : i32 to index
          %get3A_165 = arith.constant 160 : index
          %get3A_166 = tpu.vector_load %arg6[%get3A_164, %get3A_165] {strides = array<i32>} : memref<32x200xi32, #tpu.memory_space<vmem>>, vector<16xi32>,
          %sub3A_167 = arith.subi %get3A_166, %broadcast_in_dim3A_53 : vector<16xi32>
          %bitcast3A_168 = vector.bitcast %sub3A_167 : vector<16xi32> to vector<16xi32>
          %lt3A_169 = arith.cmpi ult, %bitcast3A_168, %broadcast_in_dim3A_55 : vector<16xi32>
          %gather3A_170 = tpu.vector_load_idx %arg7[%broadcast_in_dim3A_67, %sub3A_167] masked %lt3A_169 : memref<8x13824xf32, #tpu.memory_space<vmem>>[vector<16xi32>, vector<16xi32>], vector<16xf32>, vector<16xi1>
          %broadcast_in_dim3A_171 = arith.constant 160 : i32
          %broadcast_in_dim3A_172 = vector.broadcast %broadcast_in_dim3A_171 : i32 to vector<16xi32>
          %add3A_173 = arith.addi %broadcast_in_dim3A_172, %iota3A_52 : vector<16xi32>
          tpu.vector_store_idx %arg9[%broadcast_in_dim3A_68, %add3A_173], %gather3A_170 masked %lt3A_169 : memref<32x200xf32, #tpu.memory_space<vmem>>[vector<16xi32>, vector<16xi32>], vector<16xf32>, vector<16xi1>
          %get3A_174 = arith.index_cast %add3A_66 : i32 to index
          %get3A_175 = arith.constant 176 : index
          %get3A_176 = tpu.vector_load %arg6[%get3A_174, %get3A_175] {strides = array<i32>} : memref<32x200xi32, #tpu.memory_space<vmem>>, vector<16xi32>,
          %sub3A_177 = arith.subi %get3A_176, %broadcast_in_dim3A_53 : vector<16xi32>
          %bitcast3A_178 = vector.bitcast %sub3A_177 : vector<16xi32> to vector<16xi32>
          %lt3A_179 = arith.cmpi ult, %bitcast3A_178, %broadcast_in_dim3A_55 : vector<16xi32>
          %gather3A_180 = tpu.vector_load_idx %arg7[%broadcast_in_dim3A_67, %sub3A_177] masked %lt3A_179 : memref<8x13824xf32, #tpu.memory_space<vmem>>[vector<16xi32>, vector<16xi32>], vector<16xf32>, vector<16xi1>
          %broadcast_in_dim3A_181 = arith.constant 176 : i32
          %broadcast_in_dim3A_182 = vector.broadcast %broadcast_in_dim3A_181 : i32 to vector<16xi32>
          %add3A_183 = arith.addi %broadcast_in_dim3A_182, %iota3A_52 : vector<16xi32>
          tpu.vector_store_idx %arg9[%broadcast_in_dim3A_68, %add3A_183], %gather3A_180 masked %lt3A_179 : memref<32x200xf32, #tpu.memory_space<vmem>>[vector<16xi32>, vector<16xi32>], vector<16xf32>, vector<16xi1>
          %get3A_184 = arith.index_cast %add3A_66 : i32 to index
          %get3A_185 = arith.constant 184 : index
          %get3A_186 = tpu.vector_load %arg6[%get3A_184, %get3A_185] {strides = array<i32>} : memref<32x200xi32, #tpu.memory_space<vmem>>, vector<16xi32>,
          %sub3A_187 = arith.subi %get3A_186, %broadcast_in_dim3A_53 : vector<16xi32>
          %bitcast3A_188 = vector.bitcast %sub3A_187 : vector<16xi32> to vector<16xi32>
          %lt3A_189 = arith.cmpi ult, %bitcast3A_188, %broadcast_in_dim3A_55 : vector<16xi32>
          %gather3A_190 = tpu.vector_load_idx %arg7[%broadcast_in_dim3A_67, %sub3A_187] masked %lt3A_189 : memref<8x13824xf32, #tpu.memory_space<vmem>>[vector<16xi32>, vector<16xi32>], vector<16xf32>, vector<16xi1>
          %broadcast_in_dim3A_191 = arith.constant 184 : i32
          %broadcast_in_dim3A_192 = vector.broadcast %broadcast_in_dim3A_191 : i32 to vector<16xi32>
          %add3A_193 = arith.addi %broadcast_in_dim3A_192, %iota3A_52 : vector<16xi32>
          tpu.vector_store_idx %arg9[%broadcast_in_dim3A_68, %add3A_193], %gather3A_190 masked %lt3A_189 : memref<32x200xf32, #tpu.memory_space<vmem>>[vector<16xi32>, vector<16xi32>], vector<16xf32>, vector<16xi1>
          %scan3A_194 = arith.constant 0 : i32
          scf.yield %scan3A_194 : i32
        }
        %scan3A_62 = arith.constant 8 : i32
        %scan3A_63 = arith.constant 0 : i32
        scf.yield %scan3A_63 : i32
      }
      %scan3A_22 = arith.constant 7 : i32
      "tpu.region"() ({
        %run_scoped3A = tpu.sem_alloc : memref<!tpu.dma_semaphore, #tpu.memory_space<semaphore_mem>>
        %dma_start3A = arith.constant 0 : i32
        %dma_start3A_41 = arith.constant 0 : i32
        %dma_start3A_42 = tpu.memref_slice %arg7[%dma_start3A, %dma_start3A_41] : memref<8x13824xf32, #tpu.memory_space<vmem>> -> memref<8x3200xf32, #tpu.memory_space<vmem>>
        %dma_start3A_43 = arith.constant 96768 : i32
        %dma_start3A_44 = tpu.memref_slice %arg2[%add3A_13, %dma_start3A_43] : memref<1024x100000xf32, #tpu.memory_space<hbm>> -> memref<8x3200xf32, #tpu.memory_space<hbm>>
        %dma_start3A_45 = arith.constant 0 : i32
        %dma_start3A_46 = arith.constant 0 : i32
        %dma_start3A_47 = tpu.memref_slice %arg7[%dma_start3A_45, %dma_start3A_46] : memref<8x13824xf32, #tpu.memory_space<vmem>> -> memref<8x3200xf32, #tpu.memory_space<vmem>>
        %dma_start3A_48 = arith.constant 96768 : i32
        %dma_start3A_49 = tpu.memref_slice %arg2[%add3A_13, %dma_start3A_48] : memref<1024x100000xf32, #tpu.memory_space<hbm>> -> memref<8x3200xf32, #tpu.memory_space<hbm>>
        tpu.enqueue_dma source(%dma_start3A_49 : memref<8x3200xf32, #tpu.memory_space<hbm>>) target(%dma_start3A_47 : memref<8x3200xf32, #tpu.memory_space<vmem>>) target_semaphore(%run_scoped3A : memref<!tpu.dma_semaphore, #tpu.memory_space<semaphore_mem>>)
        %dma_wait3A = arith.constant 0 : i32
        %dma_wait3A_50 = arith.constant 0 : i32
        %dma_wait3A_51 = tpu.memref_slice %arg7[%dma_wait3A, %dma_wait3A_50] : memref<8x13824xf32, #tpu.memory_space<vmem>> -> memref<8x3200xf32, #tpu.memory_space<vmem>>
        %dma_wait3A_52 = arith.constant 96768 : i32
        %dma_wait3A_53 = tpu.memref_slice %arg2[%add3A_13, %dma_wait3A_52] : memref<1024x100000xf32, #tpu.memory_space<hbm>> -> memref<8x3200xf32, #tpu.memory_space<hbm>>
        %dma_wait3A_54 = arith.constant 0 : i32
        %dma_wait3A_55 = arith.constant 0 : i32
        %dma_wait3A_56 = tpu.memref_slice %arg7[%dma_wait3A_54, %dma_wait3A_55] : memref<8x13824xf32, #tpu.memory_space<vmem>> -> memref<8x3200xf32, #tpu.memory_space<vmem>>
        %dma_wait3A_57 = arith.constant 96768 : i32
        %dma_wait3A_58 = tpu.memref_slice %arg2[%add3A_13, %dma_wait3A_57] : memref<1024x100000xf32, #tpu.memory_space<hbm>> -> memref<8x3200xf32, #tpu.memory_space<hbm>>
        tpu.wait_dma2 semaphore(%run_scoped3A : memref<!tpu.dma_semaphore, #tpu.memory_space<semaphore_mem>>) src(%dma_wait3A_58 : memref<8x3200xf32, #tpu.memory_space<hbm>>) dst(%dma_wait3A_56 : memref<8x3200xf32, #tpu.memory_space<vmem>>)
        tpu.yield
      }) : () -> ()
      %scan3A_23 = arith.constant 0 : i32
      %scan3A_24 = arith.constant 0 : i32
      %scan3A_25 = arith.constant 8 : i32
      %scan3A_26 = arith.addi %scan3A_24, %scan3A_25 : i32
      %scan3A_27 = arith.constant 1 : i32
      %scan3A_28 = scf.for %scan3A_41 = %scan3A_24 to %scan3A_26 step %scan3A_27 iter_args(%scan3A_42 = %scan3A_23) -> (i32)  : i32 {
        %add3A_43 = arith.addi %mul3A_15, %scan3A_41 : i32
        %get3A = arith.index_cast %add3A_43 : i32 to index
        %get3A_44 = arith.constant 0 : index
        %get3A_45 = tpu.vector_load %arg8[%get3A, %get3A_44] {strides = array<i32>} : memref<32x32xf32, #tpu.memory_space<vmem>>, vector<16xf32>,
        %swap3A = arith.index_cast %scan3A_41 : i32 to index
        %swap3A_46 = arith.constant 3200 : index
        %swap3A_47 = tpu.vector_load %arg7[%swap3A, %swap3A_46] {strides = array<i32>} : memref<8x13824xf32, #tpu.memory_space<vmem>>, vector<16xf32>,
        tpu.vector_store %arg7[%swap3A, %swap3A_46], %get3A_45 {strides = array<i32>} : memref<8x13824xf32, #tpu.memory_space<vmem>>, vector<16xf32>,
        %add3A_48 = arith.addi %mul3A_15, %scan3A_41 : i32
        %get3A_49 = arith.index_cast %add3A_48 : i32 to index
        %get3A_50 = arith.constant 16 : index
        %get3A_51 = tpu.vector_load %arg8[%get3A_49, %get3A_50] {strides = array<i32>} : memref<32x32xf32, #tpu.memory_space<vmem>>, vector<16xf32>,
        %swap3A_52 = arith.index_cast %scan3A_41 : i32 to index
        %swap3A_53 = arith.constant 3216 : index
        %swap3A_54 = tpu.vector_load %arg7[%swap3A_52, %swap3A_53] {strides = array<i32>} : memref<8x13824xf32, #tpu.memory_space<vmem>>, vector<16xf32>,
        tpu.vector_store %arg7[%swap3A_52, %swap3A_53], %get3A_51 {strides = array<i32>} : memref<8x13824xf32, #tpu.memory_space<vmem>>, vector<16xf32>,
        %scan3A_55 = arith.constant 0 : i32
        scf.yield %scan3A_55 : i32
      }
      %scan3A_29 = arith.constant 8 : i32
      %iota3A = tpu.iota {dimensions = array<i32: 0>} : vector<16xi32>
      %broadcast_in_dim3A = arith.constant 96768 : i32
      %broadcast_in_dim3A_30 = vector.broadcast %broadcast_in_dim3A : i32 to vector<16xi32>
      %broadcast_in_dim3A_31 = arith.constant 3232 : i32
      %broadcast_in_dim3A_32 = vector.broadcast %broadcast_in_dim3A_31 : i32 to vector<16xi32>
      %scan3A_33 = arith.constant 0 : i32
      %scan3A_34 = arith.constant 0 : i32
      %scan3A_35 = arith.constant 8 : i32
      %scan3A_36 = arith.addi %scan3A_34, %scan3A_35 : i32
      %scan3A_37 = arith.constant 1 : i32
      %scan3A_38 = scf.for %scan3A_41 = %scan3A_34 to %scan3A_36 step %scan3A_37 iter_args(%scan3A_42 = %scan3A_33) -> (i32)  : i32 {
        %add3A_43 = arith.addi %mul3A_15, %scan3A_41 : i32
        %broadcast_in_dim3A_44 = vector.broadcast %scan3A_41 : i32 to vector<16xi32>
        %broadcast_in_dim3A_45 = vector.broadcast %add3A_43 : i32 to vector<16xi32>
        %get3A = arith.index_cast %add3A_43 : i32 to index
        %get3A_46 = arith.constant 0 : index
        %get3A_47 = tpu.vector_load %arg6[%get3A, %get3A_46] {strides = array<i32>} : memref<32x200xi32, #tpu.memory_space<vmem>>, vector<16xi32>,
        %sub3A = arith.subi %get3A_47, %broadcast_in_dim3A_30 : vector<16xi32>
        %bitcast3A = vector.bitcast %sub3A : vector<16xi32> to vector<16xi32>
        %lt3A = arith.cmpi ult, %bitcast3A, %broadcast_in_dim3A_32 : vector<16xi32>
        %gather3A = tpu.vector_load_idx %arg7[%broadcast_in_dim3A_44, %sub3A] masked %lt3A : memref<8x13824xf32, #tpu.memory_space<vmem>>[vector<16xi32>, vector<16xi32>], vector<16xf32>, vector<16xi1>
        %broadcast_in_dim3A_48 = arith.constant 0 : i32
        %broadcast_in_dim3A_49 = vector.broadcast %broadcast_in_dim3A_48 : i32 to vector<16xi32>
        %add3A_50 = arith.addi %broadcast_in_dim3A_49, %iota3A : vector<16xi32>
        tpu.vector_store_idx %arg9[%broadcast_in_dim3A_45, %add3A_50], %gather3A masked %lt3A : memref<32x200xf32, #tpu.memory_space<vmem>>[vector<16xi32>, vector<16xi32>], vector<16xf32>, vector<16xi1>
        %get3A_51 = arith.index_cast %add3A_43 : i32 to index
        %get3A_52 = arith.constant 16 : index
        %get3A_53 = tpu.vector_load %arg6[%get3A_51, %get3A_52] {strides = array<i32>} : memref<32x200xi32, #tpu.memory_space<vmem>>, vector<16xi32>,
        %sub3A_54 = arith.subi %get3A_53, %broadcast_in_dim3A_30 : vector<16xi32>
        %bitcast3A_55 = vector.bitcast %sub3A_54 : vector<16xi32> to vector<16xi32>
        %lt3A_56 = arith.cmpi ult, %bitcast3A_55, %broadcast_in_dim3A_32 : vector<16xi32>
        %gather3A_57 = tpu.vector_load_idx %arg7[%broadcast_in_dim3A_44, %sub3A_54] masked %lt3A_56 : memref<8x13824xf32, #tpu.memory_space<vmem>>[vector<16xi32>, vector<16xi32>], vector<16xf32>, vector<16xi1>
        %broadcast_in_dim3A_58 = arith.constant 16 : i32
        %broadcast_in_dim3A_59 = vector.broadcast %broadcast_in_dim3A_58 : i32 to vector<16xi32>
        %add3A_60 = arith.addi %broadcast_in_dim3A_59, %iota3A : vector<16xi32>
        tpu.vector_store_idx %arg9[%broadcast_in_dim3A_45, %add3A_60], %gather3A_57 masked %lt3A_56 : memref<32x200xf32, #tpu.memory_space<vmem>>[vector<16xi32>, vector<16xi32>], vector<16xf32>, vector<16xi1>
        %get3A_61 = arith.index_cast %add3A_43 : i32 to index
        %get3A_62 = arith.constant 32 : index
        %get3A_63 = tpu.vector_load %arg6[%get3A_61, %get3A_62] {strides = array<i32>} : memref<32x200xi32, #tpu.memory_space<vmem>>, vector<16xi32>,
        %sub3A_64 = arith.subi %get3A_63, %broadcast_in_dim3A_30 : vector<16xi32>
        %bitcast3A_65 = vector.bitcast %sub3A_64 : vector<16xi32> to vector<16xi32>
        %lt3A_66 = arith.cmpi ult, %bitcast3A_65, %broadcast_in_dim3A_32 : vector<16xi32>
        %gather3A_67 = tpu.vector_load_idx %arg7[%broadcast_in_dim3A_44, %sub3A_64] masked %lt3A_66 : memref<8x13824xf32, #tpu.memory_space<vmem>>[vector<16xi32>, vector<16xi32>], vector<16xf32>, vector<16xi1>
        %broadcast_in_dim3A_68 = arith.constant 32 : i32
        %broadcast_in_dim3A_69 = vector.broadcast %broadcast_in_dim3A_68 : i32 to vector<16xi32>
        %add3A_70 = arith.addi %broadcast_in_dim3A_69, %iota3A : vector<16xi32>
        tpu.vector_store_idx %arg9[%broadcast_in_dim3A_45, %add3A_70], %gather3A_67 masked %lt3A_66 : memref<32x200xf32, #tpu.memory_space<vmem>>[vector<16xi32>, vector<16xi32>], vector<16xf32>, vector<16xi1>
        %get3A_71 = arith.index_cast %add3A_43 : i32 to index
        %get3A_72 = arith.constant 48 : index
        %get3A_73 = tpu.vector_load %arg6[%get3A_71, %get3A_72] {strides = array<i32>} : memref<32x200xi32, #tpu.memory_space<vmem>>, vector<16xi32>,
        %sub3A_74 = arith.subi %get3A_73, %broadcast_in_dim3A_30 : vector<16xi32>
        %bitcast3A_75 = vector.bitcast %sub3A_74 : vector<16xi32> to vector<16xi32>
        %lt3A_76 = arith.cmpi ult, %bitcast3A_75, %broadcast_in_dim3A_32 : vector<16xi32>
        %gather3A_77 = tpu.vector_load_idx %arg7[%broadcast_in_dim3A_44, %sub3A_74] masked %lt3A_76 : memref<8x13824xf32, #tpu.memory_space<vmem>>[vector<16xi32>, vector<16xi32>], vector<16xf32>, vector<16xi1>
        %broadcast_in_dim3A_78 = arith.constant 48 : i32
        %broadcast_in_dim3A_79 = vector.broadcast %broadcast_in_dim3A_78 : i32 to vector<16xi32>
        %add3A_80 = arith.addi %broadcast_in_dim3A_79, %iota3A : vector<16xi32>
        tpu.vector_store_idx %arg9[%broadcast_in_dim3A_45, %add3A_80], %gather3A_77 masked %lt3A_76 : memref<32x200xf32, #tpu.memory_space<vmem>>[vector<16xi32>, vector<16xi32>], vector<16xf32>, vector<16xi1>
        %get3A_81 = arith.index_cast %add3A_43 : i32 to index
        %get3A_82 = arith.constant 64 : index
        %get3A_83 = tpu.vector_load %arg6[%get3A_81, %get3A_82] {strides = array<i32>} : memref<32x200xi32, #tpu.memory_space<vmem>>, vector<16xi32>,
        %sub3A_84 = arith.subi %get3A_83, %broadcast_in_dim3A_30 : vector<16xi32>
        %bitcast3A_85 = vector.bitcast %sub3A_84 : vector<16xi32> to vector<16xi32>
        %lt3A_86 = arith.cmpi ult, %bitcast3A_85, %broadcast_in_dim3A_32 : vector<16xi32>
        %gather3A_87 = tpu.vector_load_idx %arg7[%broadcast_in_dim3A_44, %sub3A_84] masked %lt3A_86 : memref<8x13824xf32, #tpu.memory_space<vmem>>[vector<16xi32>, vector<16xi32>], vector<16xf32>, vector<16xi1>
        %broadcast_in_dim3A_88 = arith.constant 64 : i32
        %broadcast_in_dim3A_89 = vector.broadcast %broadcast_in_dim3A_88 : i32 to vector<16xi32>
        %add3A_90 = arith.addi %broadcast_in_dim3A_89, %iota3A : vector<16xi32>
        tpu.vector_store_idx %arg9[%broadcast_in_dim3A_45, %add3A_90], %gather3A_87 masked %lt3A_86 : memref<32x200xf32, #tpu.memory_space<vmem>>[vector<16xi32>, vector<16xi32>], vector<16xf32>, vector<16xi1>
        %get3A_91 = arith.index_cast %add3A_43 : i32 to index
        %get3A_92 = arith.constant 80 : index
        %get3A_93 = tpu.vector_load %arg6[%get3A_91, %get3A_92] {strides = array<i32>} : memref<32x200xi32, #tpu.memory_space<vmem>>, vector<16xi32>,
        %sub3A_94 = arith.subi %get3A_93, %broadcast_in_dim3A_30 : vector<16xi32>
        %bitcast3A_95 = vector.bitcast %sub3A_94 : vector<16xi32> to vector<16xi32>
        %lt3A_96 = arith.cmpi ult, %bitcast3A_95, %broadcast_in_dim3A_32 : vector<16xi32>
        %gather3A_97 = tpu.vector_load_idx %arg7[%broadcast_in_dim3A_44, %sub3A_94] masked %lt3A_96 : memref<8x13824xf32, #tpu.memory_space<vmem>>[vector<16xi32>, vector<16xi32>], vector<16xf32>, vector<16xi1>
        %broadcast_in_dim3A_98 = arith.constant 80 : i32
        %broadcast_in_dim3A_99 = vector.broadcast %broadcast_in_dim3A_98 : i32 to vector<16xi32>
        %add3A_100 = arith.addi %broadcast_in_dim3A_99, %iota3A : vector<16xi32>
        tpu.vector_store_idx %arg9[%broadcast_in_dim3A_45, %add3A_100], %gather3A_97 masked %lt3A_96 : memref<32x200xf32, #tpu.memory_space<vmem>>[vector<16xi32>, vector<16xi32>], vector<16xf32>, vector<16xi1>
        %get3A_101 = arith.index_cast %add3A_43 : i32 to index
        %get3A_102 = arith.constant 96 : index
        %get3A_103 = tpu.vector_load %arg6[%get3A_101, %get3A_102] {strides = array<i32>} : memref<32x200xi32, #tpu.memory_space<vmem>>, vector<16xi32>,
        %sub3A_104 = arith.subi %get3A_103, %broadcast_in_dim3A_30 : vector<16xi32>
        %bitcast3A_105 = vector.bitcast %sub3A_104 : vector<16xi32> to vector<16xi32>
        %lt3A_106 = arith.cmpi ult, %bitcast3A_105, %broadcast_in_dim3A_32 : vector<16xi32>
        %gather3A_107 = tpu.vector_load_idx %arg7[%broadcast_in_dim3A_44, %sub3A_104] masked %lt3A_106 : memref<8x13824xf32, #tpu.memory_space<vmem>>[vector<16xi32>, vector<16xi32>], vector<16xf32>, vector<16xi1>
        %broadcast_in_dim3A_108 = arith.constant 96 : i32
        %broadcast_in_dim3A_109 = vector.broadcast %broadcast_in_dim3A_108 : i32 to vector<16xi32>
        %add3A_110 = arith.addi %broadcast_in_dim3A_109, %iota3A : vector<16xi32>
        tpu.vector_store_idx %arg9[%broadcast_in_dim3A_45, %add3A_110], %gather3A_107 masked %lt3A_106 : memref<32x200xf32, #tpu.memory_space<vmem>>[vector<16xi32>, vector<16xi32>], vector<16xf32>, vector<16xi1>
        %get3A_111 = arith.index_cast %add3A_43 : i32 to index
        %get3A_112 = arith.constant 112 : index
        %get3A_113 = tpu.vector_load %arg6[%get3A_111, %get3A_112] {strides = array<i32>} : memref<32x200xi32, #tpu.memory_space<vmem>>, vector<16xi32>,
        %sub3A_114 = arith.subi %get3A_113, %broadcast_in_dim3A_30 : vector<16xi32>
        %bitcast3A_115 = vector.bitcast %sub3A_114 : vector<16xi32> to vector<16xi32>
        %lt3A_116 = arith.cmpi ult, %bitcast3A_115, %broadcast_in_dim3A_32 : vector<16xi32>
        %gather3A_117 = tpu.vector_load_idx %arg7[%broadcast_in_dim3A_44, %sub3A_114] masked %lt3A_116 : memref<8x13824xf32, #tpu.memory_space<vmem>>[vector<16xi32>, vector<16xi32>], vector<16xf32>, vector<16xi1>
        %broadcast_in_dim3A_118 = arith.constant 112 : i32
        %broadcast_in_dim3A_119 = vector.broadcast %broadcast_in_dim3A_118 : i32 to vector<16xi32>
        %add3A_120 = arith.addi %broadcast_in_dim3A_119, %iota3A : vector<16xi32>
        tpu.vector_store_idx %arg9[%broadcast_in_dim3A_45, %add3A_120], %gather3A_117 masked %lt3A_116 : memref<32x200xf32, #tpu.memory_space<vmem>>[vector<16xi32>, vector<16xi32>], vector<16xf32>, vector<16xi1>
        %get3A_121 = arith.index_cast %add3A_43 : i32 to index
        %get3A_122 = arith.constant 128 : index
        %get3A_123 = tpu.vector_load %arg6[%get3A_121, %get3A_122] {strides = array<i32>} : memref<32x200xi32, #tpu.memory_space<vmem>>, vector<16xi32>,
        %sub3A_124 = arith.subi %get3A_123, %broadcast_in_dim3A_30 : vector<16xi32>
        %bitcast3A_125 = vector.bitcast %sub3A_124 : vector<16xi32> to vector<16xi32>
        %lt3A_126 = arith.cmpi ult, %bitcast3A_125, %broadcast_in_dim3A_32 : vector<16xi32>
        %gather3A_127 = tpu.vector_load_idx %arg7[%broadcast_in_dim3A_44, %sub3A_124] masked %lt3A_126 : memref<8x13824xf32, #tpu.memory_space<vmem>>[vector<16xi32>, vector<16xi32>], vector<16xf32>, vector<16xi1>
        %broadcast_in_dim3A_128 = arith.constant 128 : i32
        %broadcast_in_dim3A_129 = vector.broadcast %broadcast_in_dim3A_128 : i32 to vector<16xi32>
        %add3A_130 = arith.addi %broadcast_in_dim3A_129, %iota3A : vector<16xi32>
        tpu.vector_store_idx %arg9[%broadcast_in_dim3A_45, %add3A_130], %gather3A_127 masked %lt3A_126 : memref<32x200xf32, #tpu.memory_space<vmem>>[vector<16xi32>, vector<16xi32>], vector<16xf32>, vector<16xi1>
        %get3A_131 = arith.index_cast %add3A_43 : i32 to index
        %get3A_132 = arith.constant 144 : index
        %get3A_133 = tpu.vector_load %arg6[%get3A_131, %get3A_132] {strides = array<i32>} : memref<32x200xi32, #tpu.memory_space<vmem>>, vector<16xi32>,
        %sub3A_134 = arith.subi %get3A_133, %broadcast_in_dim3A_30 : vector<16xi32>
        %bitcast3A_135 = vector.bitcast %sub3A_134 : vector<16xi32> to vector<16xi32>
        %lt3A_136 = arith.cmpi ult, %bitcast3A_135, %broadcast_in_dim3A_32 : vector<16xi32>
        %gather3A_137 = tpu.vector_load_idx %arg7[%broadcast_in_dim3A_44, %sub3A_134] masked %lt3A_136 : memref<8x13824xf32, #tpu.memory_space<vmem>>[vector<16xi32>, vector<16xi32>], vector<16xf32>, vector<16xi1>
        %broadcast_in_dim3A_138 = arith.constant 144 : i32
        %broadcast_in_dim3A_139 = vector.broadcast %broadcast_in_dim3A_138 : i32 to vector<16xi32>
        %add3A_140 = arith.addi %broadcast_in_dim3A_139, %iota3A : vector<16xi32>
        tpu.vector_store_idx %arg9[%broadcast_in_dim3A_45, %add3A_140], %gather3A_137 masked %lt3A_136 : memref<32x200xf32, #tpu.memory_space<vmem>>[vector<16xi32>, vector<16xi32>], vector<16xf32>, vector<16xi1>
        %get3A_141 = arith.index_cast %add3A_43 : i32 to index
        %get3A_142 = arith.constant 160 : index
        %get3A_143 = tpu.vector_load %arg6[%get3A_141, %get3A_142] {strides = array<i32>} : memref<32x200xi32, #tpu.memory_space<vmem>>, vector<16xi32>,
        %sub3A_144 = arith.subi %get3A_143, %broadcast_in_dim3A_30 : vector<16xi32>
        %bitcast3A_145 = vector.bitcast %sub3A_144 : vector<16xi32> to vector<16xi32>
        %lt3A_146 = arith.cmpi ult, %bitcast3A_145, %broadcast_in_dim3A_32 : vector<16xi32>
        %gather3A_147 = tpu.vector_load_idx %arg7[%broadcast_in_dim3A_44, %sub3A_144] masked %lt3A_146 : memref<8x13824xf32, #tpu.memory_space<vmem>>[vector<16xi32>, vector<16xi32>], vector<16xf32>, vector<16xi1>
        %broadcast_in_dim3A_148 = arith.constant 160 : i32
        %broadcast_in_dim3A_149 = vector.broadcast %broadcast_in_dim3A_148 : i32 to vector<16xi32>
        %add3A_150 = arith.addi %broadcast_in_dim3A_149, %iota3A : vector<16xi32>
        tpu.vector_store_idx %arg9[%broadcast_in_dim3A_45, %add3A_150], %gather3A_147 masked %lt3A_146 : memref<32x200xf32, #tpu.memory_space<vmem>>[vector<16xi32>, vector<16xi32>], vector<16xf32>, vector<16xi1>
        %get3A_151 = arith.index_cast %add3A_43 : i32 to index
        %get3A_152 = arith.constant 176 : index
        %get3A_153 = tpu.vector_load %arg6[%get3A_151, %get3A_152] {strides = array<i32>} : memref<32x200xi32, #tpu.memory_space<vmem>>, vector<16xi32>,
        %sub3A_154 = arith.subi %get3A_153, %broadcast_in_dim3A_30 : vector<16xi32>
        %bitcast3A_155 = vector.bitcast %sub3A_154 : vector<16xi32> to vector<16xi32>
        %lt3A_156 = arith.cmpi ult, %bitcast3A_155, %broadcast_in_dim3A_32 : vector<16xi32>
        %gather3A_157 = tpu.vector_load_idx %arg7[%broadcast_in_dim3A_44, %sub3A_154] masked %lt3A_156 : memref<8x13824xf32, #tpu.memory_space<vmem>>[vector<16xi32>, vector<16xi32>], vector<16xf32>, vector<16xi1>
        %broadcast_in_dim3A_158 = arith.constant 176 : i32
        %broadcast_in_dim3A_159 = vector.broadcast %broadcast_in_dim3A_158 : i32 to vector<16xi32>
        %add3A_160 = arith.addi %broadcast_in_dim3A_159, %iota3A : vector<16xi32>
        tpu.vector_store_idx %arg9[%broadcast_in_dim3A_45, %add3A_160], %gather3A_157 masked %lt3A_156 : memref<32x200xf32, #tpu.memory_space<vmem>>[vector<16xi32>, vector<16xi32>], vector<16xf32>, vector<16xi1>
        %get3A_161 = arith.index_cast %add3A_43 : i32 to index
        %get3A_162 = arith.constant 184 : index
        %get3A_163 = tpu.vector_load %arg6[%get3A_161, %get3A_162] {strides = array<i32>} : memref<32x200xi32, #tpu.memory_space<vmem>>, vector<16xi32>,
        %sub3A_164 = arith.subi %get3A_163, %broadcast_in_dim3A_30 : vector<16xi32>
        %bitcast3A_165 = vector.bitcast %sub3A_164 : vector<16xi32> to vector<16xi32>
        %lt3A_166 = arith.cmpi ult, %bitcast3A_165, %broadcast_in_dim3A_32 : vector<16xi32>
        %gather3A_167 = tpu.vector_load_idx %arg7[%broadcast_in_dim3A_44, %sub3A_164] masked %lt3A_166 : memref<8x13824xf32, #tpu.memory_space<vmem>>[vector<16xi32>, vector<16xi32>], vector<16xf32>, vector<16xi1>
        %broadcast_in_dim3A_168 = arith.constant 184 : i32
        %broadcast_in_dim3A_169 = vector.broadcast %broadcast_in_dim3A_168 : i32 to vector<16xi32>
        %add3A_170 = arith.addi %broadcast_in_dim3A_169, %iota3A : vector<16xi32>
        tpu.vector_store_idx %arg9[%broadcast_in_dim3A_45, %add3A_170], %gather3A_167 masked %lt3A_166 : memref<32x200xf32, #tpu.memory_space<vmem>>[vector<16xi32>, vector<16xi32>], vector<16xf32>, vector<16xi1>
        %scan3A_171 = arith.constant 0 : i32
        scf.yield %scan3A_171 : i32
      }
      %scan3A_39 = arith.constant 8 : i32
      %scan3A_40 = arith.constant 0 : i32
      scf.yield %scan3A_40 : i32
    }
    %scan3A_8 = arith.constant 4 : i32
    "tpu.region"() ({
      %run_scoped3A = tpu.sem_alloc : memref<!tpu.dma_semaphore, #tpu.memory_space<semaphore_mem>>
      %dma_start3A = arith.constant 0 : i32
      %dma_start3A_9 = tpu.memref_slice %arg5[%mul3A_2, %dma_start3A] : memref<1024x200xf32, #tpu.memory_space<hbm>> -> memref<32x200xf32, #tpu.memory_space<hbm>>
      %dma_start3A_10 = arith.constant 0 : i32
      %dma_start3A_11 = tpu.memref_slice %arg5[%mul3A_2, %dma_start3A_10] : memref<1024x200xf32, #tpu.memory_space<hbm>> -> memref<32x200xf32, #tpu.memory_space<hbm>>
      tpu.enqueue_dma source(%arg9 : memref<32x200xf32, #tpu.memory_space<vmem>>) target(%dma_start3A_11 : memref<32x200xf32, #tpu.memory_space<hbm>>) target_semaphore(%run_scoped3A : memref<!tpu.dma_semaphore, #tpu.memory_space<semaphore_mem>>)
      %dma_wait3A = arith.constant 0 : i32
      %dma_wait3A_12 = tpu.memref_slice %arg5[%mul3A_2, %dma_wait3A] : memref<1024x200xf32, #tpu.memory_space<hbm>> -> memref<32x200xf32, #tpu.memory_space<hbm>>
      %dma_wait3A_13 = arith.constant 0 : i32
      %dma_wait3A_14 = tpu.memref_slice %arg5[%mul3A_2, %dma_wait3A_13] : memref<1024x200xf32, #tpu.memory_space<hbm>> -> memref<32x200xf32, #tpu.memory_space<hbm>>
      tpu.wait_dma2 semaphore(%run_scoped3A : memref<!tpu.dma_semaphore, #tpu.memory_space<semaphore_mem>>) src(%arg9 : memref<32x200xf32, #tpu.memory_space<vmem>>) dst(%dma_wait3A_14 : memref<32x200xf32, #tpu.memory_space<hbm>>)
      tpu.yield
    }) : () -> ()
    return
  }
}

</mosaic_0001>

<sc_bundles>
// kernel: _gather.3.cloned.1.call-start
scs
__scs_entry_jumppad:
0x0: {  	(pc) =	sbr.rel $0x88, $3  }
0x1: {  	(tag) =	ssettag $0x0;
	lr =	simm.s32 $0x1  }
0x2: {  	[smem:$0x3F9E] =	sst lr;
	_ =	strace $0xD0000000  }
0x3: {  	_ = 	snop  }
0x4: {  	_ = 	snop  }
0x5: {  	_ = 	snop  }
0x6: {  	_ = 	snop  }
0x7: {  	_ = 	snop  }
__scs_overlays_trampoline_lowered:
0x8: {  	[smem:$0x3FAD] =	sst s0  }
0x9: {  	[smem:$0x3FAE] =	sst s1  }
0xa: {  	[smem:$0x3FAF] =	sst s2  }
0xb: {  	[smem:$0x3FB0] =	sst s3  }
0xc: {  	[smem:$0x3FB1] =	sst s4  }
0xd: {  	[smem:$0x3FB2] =	sst s5  }
0xe: {  	[smem:$0x3FB3] =	sst s6  }
0xf: {  	[smem:$0x3FB4] =	sst s7  }
0x10: {  	[smem:$0x3FB5] =	sst s8  }
0x11: {  	[smem:$0x3FB6] =	sst s9;
	s0 =	simm.s32 @!p0 $0x0  }
0x12: {  	s1 =	sld [smem:$0x3F9C];
	s0 =	simm.s32 @p0 $0x1  }
0x13: {  	[smem:$0x3FB7] =	sst s0;
	s0 =	simm.s32 @!p1 $0x0  }
0x14: {  	s2 =	sld [smem:$0x3F9B];
	s0 =	simm.s32 @p1 $0x1  }
0x15: {  	[smem:$0x3FB8] =	sst s0;
	s0 =	simm.s32 @!p2 $0x0  }
0x16: {  	s3 =	sld [smem:$0x3FDB];
	s0 =	simm.s32 @p2 $0x1  }
0x17: {  	s4 =	simm.s32 $0x1BF5;
	[smem:$0x3FBA] =	sst s0  }
0x18: {  	s0 =	sld [smem:$0x3F9D];
	_ =	swait.ge [sflag:s4], $0x0  }
0x19: {  	s7 =	sld [smem:$0x3F9E]  }
0x1a: {  	s8 =	sadd.s32 $0xFFFFE003, lr  }
0x1b: {  	s9 =	sadd.s32 $0xFFFFFEF7, lr;
	s5 =	simm.s32 $0xFFFFFFFF;
	p2 =	slt.u32 s8, $0xFFFFF086  }
0x1c: {  	p1 =	slt.u32 s9, $0xF7A;
	s5 =	simm.s32 @!p2 $0x0  }
0x1d: {  	s5 =	simm.s32 @p1 $0x1;
	p0 =	seq.s32 s7, s2  }
0x1e: {  	s7 =	smul.u32 @!p0 $0xF7A, s2;
	p2 =	seq.s32 @!p0 s5, $0x0  }
0x1f: {  	s9 =	smul.u32 $0xF7A, s1;
	s8 =	simm.s32 @!p0 $0x1BF5;
	p2 =	por !p2, p0  }
0x20: {  	[sflag:s8] =	ssyncset.s32 @!p0 $0xFFFFF086;
	s6 =	sadd.s32 @!p0 s3, s7;
	s7 =	simm.s32 @!p0 $0x108  }
0x21: {  	s3 =	sadd.s32 s3, s9;
	s6 =	sadd.s32 @!p0 $0x88, s6;
	s7 =	simm.s32 @p2 $0x1082  }
0x22: {  	[simem:s7], [sflag:s8] =	dma.local @!p0 [hbm:s6], $0xF7A  }
0x23: {  	s9 =	sor.u32 $0xD0000000, s2;
	s6 =	simm.s32 $0x108;
	_ =	swait.ge @!p0 [sflag:s8], $0x0  }
0x24: {  	s3 =	sadd.s32 $0x88, s3;
	s6 =	simm.s32 @!p1 $0x1082;
	[sflag:s4] =	ssyncset.s32 $0xFFFFF086  }
0x25: {  	[simem:s6], [sflag:s4] =	dma.local [hbm:s3], $0xF7A  }
0x26: {  	[smem:$0x3F9E] =	sst s1;
	(tag) =	ssettag s2;
	_ =	strace s9  }
0x27: {  	s1 =	sld [smem:$0x3FAE]  }
0x28: {  	s2 =	sld [smem:$0x3FAF]  }
0x29: {  	s4 =	sld [smem:$0x3FB1]  }
0x2a: {  	p0 =	seq.s32 s5, $0x0;
	s5 =	sld [smem:$0x3FB2]  }
0x2b: {  	s6 =	sld [smem:$0x3FB3]  }
0x2c: {  	s7 =	sld [smem:$0x3FB4]  }
0x2d: {  	s3 =	simm.s32 $0x108;
	s8 =	sld [smem:$0x3FB5]  }
0x2e: {  	s3 =	simm.s32 @!p0 $0x1082;
	s9 =	sld [smem:$0x3FB6]  }
0x2f: {  	lr =	sadd.s32 s0, s3;
	s0 =	sld [smem:$0x3FAD]  }
0x30: {  	s3 =	sld [smem:$0x3FB0]  }
0x31: {  	[smem:$0x3FB9] =	sst s10  }
0x32: {  	s10 =	sld [smem:$0x3FB7];
	_ =	sdelay $0x3  }
0x33: {  	p0 =	seq.s32 s10, $0x1;
	s10 =	sld [smem:$0x3FB9];
	_ =	sdelay $0x3  }
0x34: {  	[smem:$0x3FB9] =	sst s10  }
0x35: {  	s10 =	sld [smem:$0x3FB8];
	_ =	sdelay $0x3  }
0x36: {  	p1 =	seq.s32 s10, $0x1;
	s10 =	sld [smem:$0x3FB9];
	_ =	sdelay $0x3  }
0x37: {  	[smem:$0x3FB9] =	sst s10  }
0x38: {  	s10 =	sld [smem:$0x3FBA]  }
0x39: {  	_ = 	snop;
	(pc) =	sbr.ind lr, $3  }
0x3a: {  	_ = 	snop  }
0x3b: {  	_ = 	snop  }
0x3c: {  	p2 =	seq.s32 s10, $0x1;
	s10 =	sld [smem:$0x3FB9]  }
0x3d: {  	_ =	shalt  }
0x3e: {  	_ =	shalt  }
0x3f: {  	_ =	shalt  }
0x40: {  	_ =	shalt  }
0x41: {  	_ =	shalt  }
0x42: {  	_ =	shalt  }
0x43: {  	_ =	shalt  }
0x44: {  	_ =	shalt  }
0x45: {  	_ =	shalt  }
0x46: {  	_ =	shalt  }
0x47: {  	_ =	shalt  }
0x48: {  	_ =	shalt  }
0x49: {  	_ =	shalt  }
0x4a: {  	_ =	shalt  }
0x4b: {  	_ =	shalt  }
0x4c: {  	_ =	shalt  }
0x4d: {  	_ =	shalt  }
0x4e: {  	_ =	shalt  }
0x4f: {  	_ =	shalt  }
0x50: {  	_ =	shalt  }
0x51: {  	_ =	shalt  }
0x52: {  	_ =	shalt  }
0x53: {  	_ =	shalt  }
0x54: {  	_ =	shalt  }
0x55: {  	_ =	shalt  }
0x56: {  	_ =	shalt  }
0x57: {  	_ =	shalt  }
0x58: {  	_ =	shalt  }
0x59: {  	_ =	shalt  }
0x5a: {  	_ =	shalt  }
0x5b: {  	_ =	shalt  }
0x5c: {  	_ =	shalt  }
0x5d: {  	_ =	shalt  }
0x5e: {  	_ =	shalt  }
0x5f: {  	_ =	shalt  }
0x60: {  	_ =	shalt  }
0x61: {  	_ =	shalt  }
0x62: {  	_ =	shalt  }
0x63: {  	_ =	shalt  }
0x64: {  	_ =	shalt  }
0x65: {  	_ =	shalt  }
0x66: {  	_ =	shalt  }
0x67: {  	_ =	shalt  }
0x68: {  	_ =	shalt  }
0x69: {  	_ =	shalt  }
0x6a: {  	_ =	shalt  }
0x6b: {  	_ =	shalt  }
0x6c: {  	_ =	shalt  }
0x6d: {  	_ =	shalt  }
0x6e: {  	_ =	shalt  }
0x6f: {  	_ =	shalt  }
0x70: {  	_ =	shalt  }
0x71: {  	_ =	shalt  }
0x72: {  	_ =	shalt  }
0x73: {  	_ =	shalt  }
0x74: {  	_ =	shalt  }
0x75: {  	_ =	shalt  }
0x76: {  	_ =	shalt  }
0x77: {  	_ =	shalt  }
0x78: {  	_ =	shalt  }
0x79: {  	_ =	shalt  }
0x7a: {  	_ =	shalt  }
0x7b: {  	_ =	shalt  }
0x7c: {  	_ =	shalt  }
0x7d: {  	_ =	shalt  }
0x7e: {  	_ =	shalt  }
0x7f: {  	_ =	shalt  }
0x80: {  	_ =	shalt  }
0x81: {  	_ =	shalt  }
0x82: {  	_ =	shalt  }
0x83: {  	_ =	shalt  }
0x84: {  	_ =	shalt  }
0x85: {  	_ =	shalt  }
0x86: {  	_ =	shalt  }
0x87: {  	_ =	shalt  }
.Lfunc_end0:
.L_simem_size_0:
called_computation_lowered:
.L_overlay_start_0:
0x88: {  	s2 =	sld [smem:$0x3FD9]  }
0x89: {  	s3 =	sld [smem:$0x3FFE];
	_ =	sdelay $0x1  }
0x8a: {  	s1 =	srdreg.scid  }
0x8b: {  	s0 =	sand.u32 $0x1, s1  }
0x8c: {  	s17 =	sshll.u32 s0, $0xA;
	s2 =	sadd.s32 s3, s2  }
0x8d: {  	s2 =	sadd.s32 s2, s17  }
0x8e: {  	[smem:$0x3FC5] =	sst s2  }
0x8f: {  	_ = 	snop  }
0x90: {  	s2 =	sld [smem:$0x3FD0];
	(tm) =	ssettm $0x1  }
0x91: {  	s18 =	sld [smem:$0x3FFB];
	_ =	sdelay $0x3  }
0x92: {  	_ =	strace s18  }
0x93: {  	s3 =	sld [smem:$0x3FFC];
	_ =	sdelay $0x3  }
0x94: {  	_ =	strace s3  }
0x95: {  	s3 =	sld [smem:$0x3FFD];
	_ =	sdelay $0x3  }
0x96: {  	_ =	strace s3  }
0x97: {  	_ =	strace $0x8FFFFFFF  }
0x98: {  	s19 =	sld [smem:$0x3FDB];
	_ =	sdelay $0x1  }
0x99: {  	s4 =	simm.s32 $_scs_section_size  }
0x9a: {  	s5 =	simm.s32 $_size__tile_overlayer_lowered;
	s6 =	simm.s32 $_tile_overlayer_lowered  }
0x9b: {  	s22 =	simm.s32 $0x1BFF;
	s21 =	sshll.u32 s6, $0x1;
	s3 =	sadd.s32 s4, s19  }
0x9c: {  	s7 =	simm.s32 $0x0;
	s20 =	sshll.u32 s5, $0x1;
	s5 =	sadd.s32 s21, s3  }
0x9d: {  	[timem:s7], [sflag:s22] =	dma.local [hbm:s5], s20  }
0x9e: {  	_ =	swait.ge [sflag:s22], s20  }
0x9f: {  	s4 =	ssub.s32 $0x0, s20;
	[sflag:s22] =	ssyncset.done $0x0  }
0xa0: {  	[sflag:s22] =	ssyncadd.s32 s4;
	_ =	sdelay $0x1  }
0xa1: {  	s23 =	simm.s32 $0x1B8B  }
0xa2: {  	_ =	swait.ge [sflag:s23], $0x1  }
0xa3: {  	[sflag:s23] =	ssyncset.done $0x0  }
0xa4: {  	s25 =	simm.s32 $0x1B8E;
	s24 =	sld [smem:$0x3FFE];
	[sflag:s23] =	ssyncadd.s32 $0xFFFFFFFF  }
0xa5: {  	s26 =	simm.s32 $execute0_lowered;
	[smem:$0x3FD2] =	sst s25  }
0xa6: {  	s5 =	sshll.u32 s26, $0x1;
	_ =	strace $0x80000046;
	[dreg:$0x1] =	wrdreg $0xFFFFFFFF  }
0xa7: {  	s28 =	simm.s32 $_size_execute0_lowered;
	s3 =	sadd.s32 s3, s5;
	[dreg:$0x0] =	wrdreg $0x0  }
0xa8: {  	s5 =	sshll.u32 s28, $0x1;
	[dreg:$0x2] =	wrdreg s3  }
0xa9: {  	[dreg:$0x3] =	wrdreg s5  }
0xaa: {  	[dreg:$0x4] =	wrdreg $0xC0  }
0xab: {  	_ =	task [dreg:s7], $0x5FFFF  }
0xac: {  	[dreg:$0x1] =	wrdreg $0xFFFFFFFF  }
0xad: {  	[dreg:$0x0] =	wrdreg $0x60  }
0xae: {  	[dreg:$0x2] =	wrdreg s24  }
0xaf: {  	[dreg:$0x3] =	wrdreg s2  }
0xb0: {  	[dreg:$0x4] =	wrdreg $0x9  }
0xb1: {  	_ =	task.clear_ibuf [dreg:s7], $0x5FFFF;
	_ =	strace $0x90000046  }
0xb2: {  	s29 =	simm.s32 $0x9;
	_ =	strace $0x80000048  }
0xb3: {  	_ =	swait.ge [sflag:s29], $0x1  }
0xb4: {  	[sflag:s29] =	ssyncadd.s32 $0xFFFFFFFF  }
0xb5: {  	_ =	strace $0x90000048  }
0xb6: {  	_ =	sfence  }
0xb7: {  	s30 =	sld [smem:$0x0];
	_ =	sdelay $0x2  }
0xb8: {  	s31 =	sshll.u32 s1, $0xD;
	s1 =	sshrl.u32 s1, $0x2  }
0xb9: {  	s3 =	sand.u32 $0x4000, s31;
	s1 =	sadd.s32 s1, s30  }
0xba: {  	s0 =	sor.u32 s3, s0;
	s1 =	sshll.u32 s1, $0x11  }
0xbb: {  	s0 =	sor.u32 s1, s0  }
0xbc: {  	s0 =	sadd.s32 $0x8F2B, s0  }
0xbd: {  	[sflag:s0] =	ssyncadd.remote.s32 $0x1  }
0xbe: {  	_ =	sfence.sel $0xFFFF  }
0xbf: {  	[dreg:$0x0] =	wrdreg $0xFFFFFFFF;
	(pc) =	sbr.abs _section_cstart, $3  }
0xc0: {  	[dreg:$0x1] =	wrdreg $0xFFFFFFFF  }
0xc1: {  	_ =	task.clear_ibuf [dreg:s7], $0x2FFFF;
	_ =	strace $0x9FFFFFFF  }
0xc2: {  	(tm) =	ssettm $0x7FFFFFFF  }
0xc3: {  	_ =	shalt  }
tec
execute0_lowered:
.L_overlay_start_1:
0x0: {  	(tag) =	ssettag $0x1  }
0x1: {  	s4 =	rddreg [dreg:$0x0]  }
0x2: {  	s6 =	rddreg [dreg:$0x1];
	s2 =	srdreg.scid  }
0x3: {  	s0 =	rddreg [dreg:$0x2];
	s1 =	stileid.u32  }
0x4: {  	s11 =	simm.s32 $0x1D000;
	s12 =	simm.s32 $0x1;
	s13 =	simm.s32 $0x2000  }
0x5: {  	s14 =	simm.s32 $0x1E000;
	s15 =	simm.s32 $0x0;
	s5 =	sand.u32 $0x1, s2  }
0x6: {  	s2 =	simm.s32 $0x0;
	s3 =	sshll.u32 s1, $0x6;
	s7 =	sshll.u32 s5, $0x5  }
0x7: {  	[smem:$0x7FF] =	sst s2;
	s5 =	ssub.s32 $0x2, s5;
	s7 =	sor.u32 s7, s3  }
0x8: {  	v0 =	vlaneseq.u32;
	_ =	strace $0x80000047;
	s3 =	sadd.s32 $0x8400, s4;
	s8 =	sshll.u32 s7, $0x5  }
0x9: {  	v1 =	vor.u32 $0x10, v0;
	v2 =	vor.u32 $0x20, v0;
	v3 =	vor.u32 $0x30, v0;
	s9 =	sshrl.u32 s5, $0x1;
	s8 =	sadd.s32 s8, s4;
	s4 =	sshrl.u32 s7, $0x3  }
0xa: {  	v4 =	vor.u32 $0x40, v0;
	v5 =	vor.u32 $0x50, v0;
	v6 =	vor.u32 $0x60, v0;
	s9 =	ssub.s32 s5, s9;
	s7 =	sshll.u32 s7, $0x4;
	s10 =	smul.u32 $0x18700, s4  }
0xb: {  	v7 =	vor.u32 $0x70, v0;
	v8 =	vor.u32 $0x400, v0;
	v9 =	vor.u32 $0x410, v0;
	s5 =	sadd.s32 $0x400, s8;
	s6 =	sadd.s32 s6, s7;
	s7 =	sadd.s32 $0xC40400, s8  }
0xc: {  	v10 =	vor.u32 $0x420, v0;
	v11 =	vor.u32 $0x430, v0;
	v12 =	vadd.s32 $0x438, v0;
	s8 =	smax.u32 s9, $0x1;
	s9 =	sadd.s32 s10, s3;
	s10 =	simm.s32 $0x2  }
.LBB2_1:
0xd: {  	[tilespmem:s2], [sflag:$0x2] =	stream.linear.gather [hbm4b:s5+s2], $0x2000, $0x38;
	v63 =	vld [tilespmem:$0x0]  }
0xe: {  	_ =	swait.ge [sflag:s10], $0x2000  }
0xf: {  	[sflag:s10] =	ssyncset.done $0x0  }
0x10: {  	[sflag:s10] =	ssyncadd.s32 $0xFFFFE000  }
0x11: {  	[tilespmem:s11], [sflag:$0x2] =	stream.linear.gather [hbm4b:s6+s2], $0x1000, $0x38;
	v63 =	vld [tilespmem:$0x0]  }
0x12: {  	_ =	swait.ge [sflag:s10], $0x1000  }
0x13: {  	s16 =	simm.s32 $0x0;
	s17 =	simm.s32 $0x0;
	[sflag:s10] =	ssyncset.done $0x0  }
0x14: {  	s18 =	smov.u32 s9;
	s19 =	simm.s32 $0x0;
	[sflag:s10] =	ssyncadd.s32 $0xFFFFF000  }
.LBB2_2:
0x15: {  	s20 =	sor.u32 s19, s4;
	s21 =	simm.s32 $0x0;
	s22 =	smov.u32 s18  }
.LBB2_3:
0x16: {  	s23 =	simm.s32 $0x2000  }
0x17: {  	[tilespmem:s23], [sflag:$0x1] =	stream.linear.gather [hbm4b:s22+s2], $0x400, $0x38;
	v63 =	vld [tilespmem:$0x0]  }
0x18: {  	s29 =	sadd.s32 $0x80, s22;
	s24 =	simm.s32 $0x2400  }
0x19: {  	[tilespmem:s24], [sflag:$0x1] =	stream.linear.gather [hbm4b:s29+s2], $0x400, $0x38;
	v63 =	vld [tilespmem:$0x0]  }
0x1a: {  	s30 =	sadd.s32 $0x100, s22;
	s31 =	simm.s32 $0x2800  }
0x1b: {  	[tilespmem:s31], [sflag:$0x1] =	stream.linear.gather [hbm4b:s30+s2], $0x400, $0x38;
	v63 =	vld [tilespmem:$0x0]  }
0x1c: {  	s25 =	sadd.s32 $0x180, s22;
	s26 =	simm.s32 $0x2C00  }
0x1d: {  	[tilespmem:s26], [sflag:$0x1] =	stream.linear.gather [hbm4b:s25+s2], $0x400, $0x38;
	v63 =	vld [tilespmem:$0x0]  }
0x1e: {  	s28 =	sadd.s32 $0x200, s22;
	s29 =	simm.s32 $0x3000  }
0x1f: {  	[tilespmem:s29], [sflag:$0x1] =	stream.linear.gather [hbm4b:s28+s2], $0x400, $0x38;
	v63 =	vld [tilespmem:$0x0]  }
0x20: {  	s30 =	sadd.s32 $0x280, s22;
	s31 =	simm.s32 $0x3400  }
0x21: {  	[tilespmem:s31], [sflag:$0x1] =	stream.linear.gather [hbm4b:s30+s2], $0x400, $0x38;
	v63 =	vld [tilespmem:$0x0]  }
0x22: {  	s25 =	sadd.s32 $0x300, s22;
	s26 =	simm.s32 $0x3800  }
0x23: {  	[tilespmem:s26], [sflag:$0x1] =	stream.linear.gather [hbm4b:s25+s2], $0x400, $0x38;
	v63 =	vld [tilespmem:$0x0]  }
0x24: {  	s28 =	sadd.s32 $0x380, s22;
	s29 =	simm.s32 $0x3C00  }
0x25: {  	[tilespmem:s29], [sflag:$0x1] =	stream.linear.gather [hbm4b:s28+s2], $0x400, $0x38;
	v63 =	vld [tilespmem:$0x0]  }
0x26: {  	s30 =	sadd.s32 $0x400, s22;
	s31 =	simm.s32 $0x4000  }
0x27: {  	[tilespmem:s31], [sflag:$0x1] =	stream.linear.gather [hbm4b:s30+s2], $0x400, $0x38;
	v63 =	vld [tilespmem:$0x0]  }
0x28: {  	s25 =	sadd.s32 $0x480, s22;
	s26 =	simm.s32 $0x4400  }
0x29: {  	[tilespmem:s26], [sflag:$0x1] =	stream.linear.gather [hbm4b:s25+s2], $0x400, $0x38;
	v63 =	vld [tilespmem:$0x0]  }
0x2a: {  	s28 =	sadd.s32 $0x500, s22;
	s29 =	simm.s32 $0x4800  }
0x2b: {  	[tilespmem:s29], [sflag:$0x1] =	stream.linear.gather [hbm4b:s28+s2], $0x400, $0x38;
	v63 =	vld [tilespmem:$0x0]  }
0x2c: {  	s30 =	sadd.s32 $0x580, s22;
	s31 =	simm.s32 $0x4C00  }
0x2d: {  	[tilespmem:s31], [sflag:$0x1] =	stream.linear.gather [hbm4b:s30+s2], $0x400, $0x38;
	v63 =	vld [tilespmem:$0x0]  }
0x2e: {  	s25 =	sadd.s32 $0x600, s22;
	s26 =	simm.s32 $0x5000  }
0x2f: {  	[tilespmem:s26], [sflag:$0x1] =	stream.linear.gather [hbm4b:s25+s2], $0x400, $0x38;
	v63 =	vld [tilespmem:$0x0]  }
0x30: {  	s28 =	sadd.s32 $0x680, s22;
	s29 =	simm.s32 $0x5400  }
0x31: {  	[tilespmem:s29], [sflag:$0x1] =	stream.linear.gather [hbm4b:s28+s2], $0x400, $0x38;
	v63 =	vld [tilespmem:$0x0]  }
0x32: {  	s30 =	sadd.s32 $0x700, s22;
	s31 =	simm.s32 $0x5800  }
0x33: {  	[tilespmem:s31], [sflag:$0x1] =	stream.linear.gather [hbm4b:s30+s2], $0x400, $0x38;
	v63 =	vld [tilespmem:$0x0]  }
0x34: {  	s25 =	sadd.s32 $0x780, s22;
	s26 =	simm.s32 $0x5C00  }
0x35: {  	[tilespmem:s26], [sflag:$0x1] =	stream.linear.gather [hbm4b:s25+s2], $0x400, $0x38;
	v63 =	vld [tilespmem:$0x0]  }
0x36: {  	s28 =	sadd.s32 $0x800, s22;
	s29 =	simm.s32 $0x6000  }
0x37: {  	[tilespmem:s29], [sflag:$0x1] =	stream.linear.gather [hbm4b:s28+s2], $0x400, $0x38;
	v63 =	vld [tilespmem:$0x0]  }
0x38: {  	s30 =	sadd.s32 $0x880, s22;
	s31 =	simm.s32 $0x6400  }
0x39: {  	[tilespmem:s31], [sflag:$0x1] =	stream.linear.gather [hbm4b:s30+s2], $0x400, $0x38;
	v63 =	vld [tilespmem:$0x0]  }
0x3a: {  	s25 =	sadd.s32 $0x900, s22;
	s26 =	simm.s32 $0x6800  }
0x3b: {  	[tilespmem:s26], [sflag:$0x1] =	stream.linear.gather [hbm4b:s25+s2], $0x400, $0x38;
	v63 =	vld [tilespmem:$0x0]  }
0x3c: {  	s28 =	sadd.s32 $0x980, s22;
	s29 =	simm.s32 $0x6C00  }
0x3d: {  	[tilespmem:s29], [sflag:$0x1] =	stream.linear.gather [hbm4b:s28+s2], $0x400, $0x38;
	v63 =	vld [tilespmem:$0x0]  }
0x3e: {  	s30 =	sadd.s32 $0xA00, s22;
	s31 =	simm.s32 $0x7000  }
0x3f: {  	[tilespmem:s31], [sflag:$0x1] =	stream.linear.gather [hbm4b:s30+s2], $0x400, $0x38;
	v63 =	vld [tilespmem:$0x0]  }
0x40: {  	s25 =	sadd.s32 $0xA80, s22;
	s26 =	simm.s32 $0x7400  }
0x41: {  	[tilespmem:s26], [sflag:$0x1] =	stream.linear.gather [hbm4b:s25+s2], $0x400, $0x38;
	v63 =	vld [tilespmem:$0x0]  }
0x42: {  	s28 =	sadd.s32 $0xB00, s22;
	s29 =	simm.s32 $0x7800  }
0x43: {  	[tilespmem:s29], [sflag:$0x1] =	stream.linear.gather [hbm4b:s28+s2], $0x400, $0x38;
	v63 =	vld [tilespmem:$0x0]  }
0x44: {  	s30 =	sadd.s32 $0xB80, s22;
	s31 =	simm.s32 $0x7C00  }
0x45: {  	[tilespmem:s31], [sflag:$0x1] =	stream.linear.gather [hbm4b:s30+s2], $0x400, $0x38;
	v63 =	vld [tilespmem:$0x0]  }
0x46: {  	s25 =	sadd.s32 $0xC00, s22;
	s26 =	simm.s32 $0x8000  }
0x47: {  	[tilespmem:s26], [sflag:$0x1] =	stream.linear.gather [hbm4b:s25+s2], $0x400, $0x38;
	v63 =	vld [tilespmem:$0x0]  }
0x48: {  	s28 =	sadd.s32 $0xC80, s22;
	s29 =	simm.s32 $0x8400  }
0x49: {  	[tilespmem:s29], [sflag:$0x1] =	stream.linear.gather [hbm4b:s28+s2], $0x400, $0x38;
	v63 =	vld [tilespmem:$0x0]  }
0x4a: {  	s30 =	sadd.s32 $0xD00, s22;
	s31 =	simm.s32 $0x8800  }
0x4b: {  	[tilespmem:s31], [sflag:$0x1] =	stream.linear.gather [hbm4b:s30+s2], $0x400, $0x38;
	v63 =	vld [tilespmem:$0x0]  }
0x4c: {  	s25 =	sadd.s32 $0xD80, s22;
	s26 =	simm.s32 $0x8C00  }
0x4d: {  	[tilespmem:s26], [sflag:$0x1] =	stream.linear.gather [hbm4b:s25+s2], $0x400, $0x38;
	v63 =	vld [tilespmem:$0x0]  }
0x4e: {  	s28 =	sadd.s32 $0xE00, s22;
	s29 =	simm.s32 $0x9000  }
0x4f: {  	[tilespmem:s29], [sflag:$0x1] =	stream.linear.gather [hbm4b:s28+s2], $0x400, $0x38;
	v63 =	vld [tilespmem:$0x0]  }
0x50: {  	s30 =	sadd.s32 $0xE80, s22;
	s31 =	simm.s32 $0x9400  }
0x51: {  	[tilespmem:s31], [sflag:$0x1] =	stream.linear.gather [hbm4b:s30+s2], $0x400, $0x38;
	v63 =	vld [tilespmem:$0x0]  }
0x52: {  	s25 =	sadd.s32 $0xF00, s22;
	s26 =	simm.s32 $0x9800  }
0x53: {  	[tilespmem:s26], [sflag:$0x1] =	stream.linear.gather [hbm4b:s25+s2], $0x400, $0x38;
	v63 =	vld [tilespmem:$0x0]  }
0x54: {  	s28 =	sadd.s32 $0xF80, s22;
	s29 =	simm.s32 $0x9C00  }
0x55: {  	[tilespmem:s29], [sflag:$0x1] =	stream.linear.gather [hbm4b:s28+s2], $0x400, $0x38;
	v63 =	vld [tilespmem:$0x0]  }
0x56: {  	s30 =	sadd.s32 $0x1000, s22;
	s31 =	simm.s32 $0xA000  }
0x57: {  	[tilespmem:s31], [sflag:$0x1] =	stream.linear.gather [hbm4b:s30+s2], $0x400, $0x38;
	v63 =	vld [tilespmem:$0x0]  }
0x58: {  	s25 =	sadd.s32 $0x1080, s22;
	s26 =	simm.s32 $0xA400  }
0x59: {  	[tilespmem:s26], [sflag:$0x1] =	stream.linear.gather [hbm4b:s25+s2], $0x400, $0x38;
	v63 =	vld [tilespmem:$0x0]  }
0x5a: {  	s28 =	sadd.s32 $0x1100, s22;
	s29 =	simm.s32 $0xA800  }
0x5b: {  	[tilespmem:s29], [sflag:$0x1] =	stream.linear.gather [hbm4b:s28+s2], $0x400, $0x38;
	v63 =	vld [tilespmem:$0x0]  }
0x5c: {  	s30 =	sadd.s32 $0x1180, s22;
	s31 =	simm.s32 $0xAC00  }
0x5d: {  	[tilespmem:s31], [sflag:$0x1] =	stream.linear.gather [hbm4b:s30+s2], $0x400, $0x38;
	v63 =	vld [tilespmem:$0x0]  }
0x5e: {  	_ =	swait.ge [sflag:s12], $0x400  }
0x5f: {  	[sflag:s12] =	ssyncset.done $0x0  }
0x60: {  	[sflag:s12] =	ssyncadd.s32 $0xFFFFFC00  }
0x61: {  	_ =	swait.ge [sflag:s12], $0x400  }
0x62: {  	[sflag:s12] =	ssyncset.done $0x0  }
0x63: {  	[sflag:s12] =	ssyncadd.s32 $0xFFFFFC00  }
0x64: {  	_ =	swait.ge [sflag:s12], $0x400  }
0x65: {  	[sflag:s12] =	ssyncset.done $0x0  }
0x66: {  	[sflag:s12] =	ssyncadd.s32 $0xFFFFFC00  }
0x67: {  	_ =	swait.ge [sflag:s12], $0x400  }
0x68: {  	[sflag:s12] =	ssyncset.done $0x0  }
0x69: {  	[sflag:s12] =	ssyncadd.s32 $0xFFFFFC00  }
0x6a: {  	_ =	swait.ge [sflag:s12], $0x400  }
0x6b: {  	[sflag:s12] =	ssyncset.done $0x0  }
0x6c: {  	[sflag:s12] =	ssyncadd.s32 $0xFFFFFC00  }
0x6d: {  	_ =	swait.ge [sflag:s12], $0x400  }
0x6e: {  	[sflag:s12] =	ssyncset.done $0x0  }
0x6f: {  	[sflag:s12] =	ssyncadd.s32 $0xFFFFFC00  }
0x70: {  	_ =	swait.ge [sflag:s12], $0x400  }
0x71: {  	[sflag:s12] =	ssyncset.done $0x0  }
0x72: {  	[sflag:s12] =	ssyncadd.s32 $0xFFFFFC00  }
0x73: {  	_ =	swait.ge [sflag:s12], $0x400  }
0x74: {  	[sflag:s12] =	ssyncset.done $0x0  }
0x75: {  	[sflag:s12] =	ssyncadd.s32 $0xFFFFFC00  }
0x76: {  	_ =	swait.ge [sflag:s12], $0x400  }
0x77: {  	[sflag:s12] =	ssyncset.done $0x0  }
0x78: {  	[sflag:s12] =	ssyncadd.s32 $0xFFFFFC00  }
0x79: {  	_ =	swait.ge [sflag:s12], $0x400  }
0x7a: {  	[sflag:s12] =	ssyncset.done $0x0  }
0x7b: {  	[sflag:s12] =	ssyncadd.s32 $0xFFFFFC00  }
0x7c: {  	_ =	swait.ge [sflag:s12], $0x400  }
0x7d: {  	[sflag:s12] =	ssyncset.done $0x0  }
0x7e: {  	[sflag:s12] =	ssyncadd.s32 $0xFFFFFC00  }
0x7f: {  	_ =	swait.ge [sflag:s12], $0x400  }
0x80: {  	[sflag:s12] =	ssyncset.done $0x0  }
0x81: {  	[sflag:s12] =	ssyncadd.s32 $0xFFFFFC00  }
0x82: {  	_ =	swait.ge [sflag:s12], $0x400  }
0x83: {  	[sflag:s12] =	ssyncset.done $0x0  }
0x84: {  	[sflag:s12] =	ssyncadd.s32 $0xFFFFFC00  }
0x85: {  	_ =	swait.ge [sflag:s12], $0x400  }
0x86: {  	[sflag:s12] =	ssyncset.done $0x0  }
0x87: {  	[sflag:s12] =	ssyncadd.s32 $0xFFFFFC00  }
0x88: {  	_ =	swait.ge [sflag:s12], $0x400  }
0x89: {  	[sflag:s12] =	ssyncset.done $0x0  }
0x8a: {  	[sflag:s12] =	ssyncadd.s32 $0xFFFFFC00  }
0x8b: {  	_ =	swait.ge [sflag:s12], $0x400  }
0x8c: {  	[sflag:s12] =	ssyncset.done $0x0  }
0x8d: {  	[sflag:s12] =	ssyncadd.s32 $0xFFFFFC00  }
0x8e: {  	_ =	swait.ge [sflag:s12], $0x400  }
0x8f: {  	[sflag:s12] =	ssyncset.done $0x0  }
0x90: {  	[sflag:s12] =	ssyncadd.s32 $0xFFFFFC00  }
0x91: {  	_ =	swait.ge [sflag:s12], $0x400  }
0x92: {  	[sflag:s12] =	ssyncset.done $0x0  }
0x93: {  	[sflag:s12] =	ssyncadd.s32 $0xFFFFFC00  }
0x94: {  	_ =	swait.ge [sflag:s12], $0x400  }
0x95: {  	[sflag:s12] =	ssyncset.done $0x0  }
0x96: {  	[sflag:s12] =	ssyncadd.s32 $0xFFFFFC00  }
0x97: {  	_ =	swait.ge [sflag:s12], $0x400  }
0x98: {  	[sflag:s12] =	ssyncset.done $0x0  }
0x99: {  	[sflag:s12] =	ssyncadd.s32 $0xFFFFFC00  }
0x9a: {  	_ =	swait.ge [sflag:s12], $0x400  }
0x9b: {  	[sflag:s12] =	ssyncset.done $0x0  }
0x9c: {  	[sflag:s12] =	ssyncadd.s32 $0xFFFFFC00  }
0x9d: {  	_ =	swait.ge [sflag:s12], $0x400  }
0x9e: {  	[sflag:s12] =	ssyncset.done $0x0  }
0x9f: {  	[sflag:s12] =	ssyncadd.s32 $0xFFFFFC00  }
0xa0: {  	_ =	swait.ge [sflag:s12], $0x400  }
0xa1: {  	[sflag:s12] =	ssyncset.done $0x0  }
0xa2: {  	[sflag:s12] =	ssyncadd.s32 $0xFFFFFC00  }
0xa3: {  	_ =	swait.ge [sflag:s12], $0x400  }
0xa4: {  	[sflag:s12] =	ssyncset.done $0x0  }
0xa5: {  	[sflag:s12] =	ssyncadd.s32 $0xFFFFFC00  }
0xa6: {  	_ =	swait.ge [sflag:s12], $0x400  }
0xa7: {  	[sflag:s12] =	ssyncset.done $0x0  }
0xa8: {  	[sflag:s12] =	ssyncadd.s32 $0xFFFFFC00  }
0xa9: {  	_ =	swait.ge [sflag:s12], $0x400  }
0xaa: {  	[sflag:s12] =	ssyncset.done $0x0  }
0xab: {  	[sflag:s12] =	ssyncadd.s32 $0xFFFFFC00  }
0xac: {  	_ =	swait.ge [sflag:s12], $0x400  }
0xad: {  	[sflag:s12] =	ssyncset.done $0x0  }
0xae: {  	[sflag:s12] =	ssyncadd.s32 $0xFFFFFC00  }
0xaf: {  	_ =	swait.ge [sflag:s12], $0x400  }
0xb0: {  	[sflag:s12] =	ssyncset.done $0x0  }
0xb1: {  	[sflag:s12] =	ssyncadd.s32 $0xFFFFFC00  }
0xb2: {  	_ =	swait.ge [sflag:s12], $0x400  }
0xb3: {  	[sflag:s12] =	ssyncset.done $0x0  }
0xb4: {  	[sflag:s12] =	ssyncadd.s32 $0xFFFFFC00  }
0xb5: {  	_ =	swait.ge [sflag:s12], $0x400  }
0xb6: {  	[sflag:s12] =	ssyncset.done $0x0  }
0xb7: {  	[sflag:s12] =	ssyncadd.s32 $0xFFFFFC00  }
0xb8: {  	_ =	swait.ge [sflag:s12], $0x400  }
0xb9: {  	[sflag:s12] =	ssyncset.done $0x0  }
0xba: {  	[sflag:s12] =	ssyncadd.s32 $0xFFFFFC00  }
0xbb: {  	_ =	swait.ge [sflag:s12], $0x400  }
0xbc: {  	[sflag:s12] =	ssyncset.done $0x0  }
0xbd: {  	[sflag:s12] =	ssyncadd.s32 $0xFFFFFC00  }
0xbe: {  	_ =	swait.ge [sflag:s12], $0x400  }
0xbf: {  	[sflag:s12] =	ssyncset.done $0x0  }
0xc0: {  	[sflag:s12] =	ssyncadd.s32 $0xFFFFFC00  }
0xc1: {  	_ =	swait.ge [sflag:s12], $0x400  }
0xc2: {  	[sflag:s12] =	ssyncset.done $0x0  }
0xc3: {  	[sflag:s12] =	ssyncadd.s32 $0xFFFFFC00  }
0xc4: {  	_ =	swait.ge [sflag:s12], $0x400  }
0xc5: {  	[sflag:s12] =	ssyncset.done $0x0  }
0xc6: {  	[sflag:s12] =	ssyncadd.s32 $0xFFFFFC00  }
0xc7: {  	s23 =	smul.u32 $0x3600, s21;
	_ =	swait.ge [sflag:s12], $0x400  }
0xc8: {  	s24 =	simm.s32 $0x24000;
	s25 =	smov.u32 s22;
	[sflag:s12] =	ssyncset.done $0x0  }
.LBB2_4:
0xc9: {  	p0 =	sne.s32 s24, $0x48000;
	[sflag:s12] =	ssyncadd.s32 $0xFFFFFC00;
	s25 =	sadd.s32 $0x1200, s25  }
0xca: {  	s26 =	sshra.s32 s24, $0x2;
	s24 =	sadd.s32 $0x24000, s24  }
0xcb: {  	s28 =	sadd.s32 $0x2000, s26  }
0xcc: {  	[tilespmem:s28], [sflag:$0x1] =	stream.linear.gather [hbm4b:s25+s2], $0x400, $0x38;
	v63 =	vld [tilespmem:$0x0]  }
0xcd: {  	s29 =	sadd.s32 $0x2400, s26;
	s28 =	sadd.s32 $0x80, s25  }
0xce: {  	[tilespmem:s29], [sflag:$0x1] =	stream.linear.gather [hbm4b:s28+s2], $0x400, $0x38;
	v63 =	vld [tilespmem:$0x0]  }
0xcf: {  	s28 =	sadd.s32 $0x100, s25;
	s29 =	sadd.s32 $0x2800, s26  }
0xd0: {  	[tilespmem:s29], [sflag:$0x1] =	stream.linear.gather [hbm4b:s28+s2], $0x400, $0x38;
	v63 =	vld [tilespmem:$0x0]  }
0xd1: {  	s28 =	sadd.s32 $0x180, s25;
	s29 =	sadd.s32 $0x2C00, s26  }
0xd2: {  	[tilespmem:s29], [sflag:$0x1] =	stream.linear.gather [hbm4b:s28+s2], $0x400, $0x38;
	v63 =	vld [tilespmem:$0x0]  }
0xd3: {  	s28 =	sadd.s32 $0x200, s25;
	s29 =	sadd.s32 $0x3000, s26  }
0xd4: {  	[tilespmem:s29], [sflag:$0x1] =	stream.linear.gather [hbm4b:s28+s2], $0x400, $0x38;
	v63 =	vld [tilespmem:$0x0]  }
0xd5: {  	s28 =	sadd.s32 $0x280, s25;
	s29 =	sadd.s32 $0x3400, s26  }
0xd6: {  	[tilespmem:s29], [sflag:$0x1] =	stream.linear.gather [hbm4b:s28+s2], $0x400, $0x38;
	v63 =	vld [tilespmem:$0x0]  }
0xd7: {  	s28 =	sadd.s32 $0x300, s25;
	s29 =	sadd.s32 $0x3800, s26  }
0xd8: {  	[tilespmem:s29], [sflag:$0x1] =	stream.linear.gather [hbm4b:s28+s2], $0x400, $0x38;
	v63 =	vld [tilespmem:$0x0]  }
0xd9: {  	s28 =	sadd.s32 $0x380, s25;
	s29 =	sadd.s32 $0x3C00, s26  }
0xda: {  	[tilespmem:s29], [sflag:$0x1] =	stream.linear.gather [hbm4b:s28+s2], $0x400, $0x38;
	v63 =	vld [tilespmem:$0x0]  }
0xdb: {  	s28 =	sadd.s32 $0x400, s25;
	s29 =	sadd.s32 $0x4000, s26  }
0xdc: {  	[tilespmem:s29], [sflag:$0x1] =	stream.linear.gather [hbm4b:s28+s2], $0x400, $0x38;
	v63 =	vld [tilespmem:$0x0]  }
0xdd: {  	s28 =	sadd.s32 $0x480, s25;
	s29 =	sadd.s32 $0x4400, s26  }
0xde: {  	[tilespmem:s29], [sflag:$0x1] =	stream.linear.gather [hbm4b:s28+s2], $0x400, $0x38;
	v63 =	vld [tilespmem:$0x0]  }
0xdf: {  	s28 =	sadd.s32 $0x500, s25;
	s29 =	sadd.s32 $0x4800, s26  }
0xe0: {  	[tilespmem:s29], [sflag:$0x1] =	stream.linear.gather [hbm4b:s28+s2], $0x400, $0x38;
	v63 =	vld [tilespmem:$0x0]  }
0xe1: {  	s28 =	sadd.s32 $0x580, s25;
	s29 =	sadd.s32 $0x4C00, s26  }
0xe2: {  	[tilespmem:s29], [sflag:$0x1] =	stream.linear.gather [hbm4b:s28+s2], $0x400, $0x38;
	v63 =	vld [tilespmem:$0x0]  }
0xe3: {  	s28 =	sadd.s32 $0x600, s25;
	s29 =	sadd.s32 $0x5000, s26  }
0xe4: {  	[tilespmem:s29], [sflag:$0x1] =	stream.linear.gather [hbm4b:s28+s2], $0x400, $0x38;
	v63 =	vld [tilespmem:$0x0]  }
0xe5: {  	s28 =	sadd.s32 $0x680, s25;
	s29 =	sadd.s32 $0x5400, s26  }
0xe6: {  	[tilespmem:s29], [sflag:$0x1] =	stream.linear.gather [hbm4b:s28+s2], $0x400, $0x38;
	v63 =	vld [tilespmem:$0x0]  }
0xe7: {  	s28 =	sadd.s32 $0x700, s25;
	s29 =	sadd.s32 $0x5800, s26  }
0xe8: {  	[tilespmem:s29], [sflag:$0x1] =	stream.linear.gather [hbm4b:s28+s2], $0x400, $0x38;
	v63 =	vld [tilespmem:$0x0]  }
0xe9: {  	s28 =	sadd.s32 $0x780, s25;
	s29 =	sadd.s32 $0x5C00, s26  }
0xea: {  	[tilespmem:s29], [sflag:$0x1] =	stream.linear.gather [hbm4b:s28+s2], $0x400, $0x38;
	v63 =	vld [tilespmem:$0x0]  }
0xeb: {  	s28 =	sadd.s32 $0x800, s25;
	s29 =	sadd.s32 $0x6000, s26  }
0xec: {  	[tilespmem:s29], [sflag:$0x1] =	stream.linear.gather [hbm4b:s28+s2], $0x400, $0x38;
	v63 =	vld [tilespmem:$0x0]  }
0xed: {  	s28 =	sadd.s32 $0x880, s25;
	s29 =	sadd.s32 $0x6400, s26  }
0xee: {  	[tilespmem:s29], [sflag:$0x1] =	stream.linear.gather [hbm4b:s28+s2], $0x400, $0x38;
	v63 =	vld [tilespmem:$0x0]  }
0xef: {  	s28 =	sadd.s32 $0x900, s25;
	s29 =	sadd.s32 $0x6800, s26  }
0xf0: {  	[tilespmem:s29], [sflag:$0x1] =	stream.linear.gather [hbm4b:s28+s2], $0x400, $0x38;
	v63 =	vld [tilespmem:$0x0]  }
0xf1: {  	s28 =	sadd.s32 $0x980, s25;
	s29 =	sadd.s32 $0x6C00, s26  }
0xf2: {  	[tilespmem:s29], [sflag:$0x1] =	stream.linear.gather [hbm4b:s28+s2], $0x400, $0x38;
	v63 =	vld [tilespmem:$0x0]  }
0xf3: {  	s28 =	sadd.s32 $0xA00, s25;
	s29 =	sadd.s32 $0x7000, s26  }
0xf4: {  	[tilespmem:s29], [sflag:$0x1] =	stream.linear.gather [hbm4b:s28+s2], $0x400, $0x38;
	v63 =	vld [tilespmem:$0x0]  }
0xf5: {  	s28 =	sadd.s32 $0xA80, s25;
	s29 =	sadd.s32 $0x7400, s26  }
0xf6: {  	[tilespmem:s29], [sflag:$0x1] =	stream.linear.gather [hbm4b:s28+s2], $0x400, $0x38;
	v63 =	vld [tilespmem:$0x0]  }
0xf7: {  	s28 =	sadd.s32 $0xB00, s25;
	s29 =	sadd.s32 $0x7800, s26  }
0xf8: {  	[tilespmem:s29], [sflag:$0x1] =	stream.linear.gather [hbm4b:s28+s2], $0x400, $0x38;
	v63 =	vld [tilespmem:$0x0]  }
0xf9: {  	s28 =	sadd.s32 $0xB80, s25;
	s29 =	sadd.s32 $0x7C00, s26  }
0xfa: {  	[tilespmem:s29], [sflag:$0x1] =	stream.linear.gather [hbm4b:s28+s2], $0x400, $0x38;
	v63 =	vld [tilespmem:$0x0]  }
0xfb: {  	s28 =	sadd.s32 $0xC00, s25;
	s29 =	sadd.s32 $0x8000, s26  }
0xfc: {  	[tilespmem:s29], [sflag:$0x1] =	stream.linear.gather [hbm4b:s28+s2], $0x400, $0x38;
	v63 =	vld [tilespmem:$0x0]  }
0xfd: {  	s28 =	sadd.s32 $0xC80, s25;
	s29 =	sadd.s32 $0x8400, s26  }
0xfe: {  	[tilespmem:s29], [sflag:$0x1] =	stream.linear.gather [hbm4b:s28+s2], $0x400, $0x38;
	v63 =	vld [tilespmem:$0x0]  }
0xff: {  	s28 =	sadd.s32 $0xD00, s25;
	s29 =	sadd.s32 $0x8800, s26  }
0x100: {  	[tilespmem:s29], [sflag:$0x1] =	stream.linear.gather [hbm4b:s28+s2], $0x400, $0x38;
	v63 =	vld [tilespmem:$0x0]  }
0x101: {  	s28 =	sadd.s32 $0xD80, s25;
	s29 =	sadd.s32 $0x8C00, s26  }
0x102: {  	[tilespmem:s29], [sflag:$0x1] =	stream.linear.gather [hbm4b:s28+s2], $0x400, $0x38;
	v63 =	vld [tilespmem:$0x0]  }
0x103: {  	s28 =	sadd.s32 $0xE00, s25;
	s29 =	sadd.s32 $0x9000, s26  }
0x104: {  	[tilespmem:s29], [sflag:$0x1] =	stream.linear.gather [hbm4b:s28+s2], $0x400, $0x38;
	v63 =	vld [tilespmem:$0x0]  }
0x105: {  	s28 =	sadd.s32 $0xE80, s25;
	s29 =	sadd.s32 $0x9400, s26  }
0x106: {  	[tilespmem:s29], [sflag:$0x1] =	stream.linear.gather [hbm4b:s28+s2], $0x400, $0x38;
	v63 =	vld [tilespmem:$0x0]  }
0x107: {  	s28 =	sadd.s32 $0xF00, s25;
	s29 =	sadd.s32 $0x9800, s26  }
0x108: {  	[tilespmem:s29], [sflag:$0x1] =	stream.linear.gather [hbm4b:s28+s2], $0x400, $0x38;
	v63 =	vld [tilespmem:$0x0]  }
0x109: {  	s28 =	sadd.s32 $0xF80, s25;
	s29 =	sadd.s32 $0x9C00, s26  }
0x10a: {  	[tilespmem:s29], [sflag:$0x1] =	stream.linear.gather [hbm4b:s28+s2], $0x400, $0x38;
	v63 =	vld [tilespmem:$0x0]  }
0x10b: {  	s28 =	sadd.s32 $0x1000, s25;
	s29 =	sadd.s32 $0xA000, s26  }
0x10c: {  	[tilespmem:s29], [sflag:$0x1] =	stream.linear.gather [hbm4b:s28+s2], $0x400, $0x38;
	v63 =	vld [tilespmem:$0x0]  }
0x10d: {  	s28 =	sadd.s32 $0x1080, s25;
	s29 =	sadd.s32 $0xA400, s26  }
0x10e: {  	[tilespmem:s29], [sflag:$0x1] =	stream.linear.gather [hbm4b:s28+s2], $0x400, $0x38;
	v63 =	vld [tilespmem:$0x0]  }
0x10f: {  	s28 =	sadd.s32 $0x1100, s25;
	s29 =	sadd.s32 $0xA800, s26  }
0x110: {  	[tilespmem:s29], [sflag:$0x1] =	stream.linear.gather [hbm4b:s28+s2], $0x400, $0x38;
	v63 =	vld [tilespmem:$0x0]  }
0x111: {  	s26 =	sadd.s32 $0xAC00, s26;
	s28 =	sadd.s32 $0x1180, s25  }
0x112: {  	[tilespmem:s26], [sflag:$0x1] =	stream.linear.gather [hbm4b:s28+s2], $0x400, $0x38;
	v63 =	vld [tilespmem:$0x0]  }
0x113: {  	_ =	swait.ge [sflag:s12], $0x400  }
0x114: {  	[sflag:s12] =	ssyncset.done $0x0  }
0x115: {  	[sflag:s12] =	ssyncadd.s32 $0xFFFFFC00  }
0x116: {  	_ =	swait.ge [sflag:s12], $0x400  }
0x117: {  	[sflag:s12] =	ssyncset.done $0x0  }
0x118: {  	[sflag:s12] =	ssyncadd.s32 $0xFFFFFC00  }
0x119: {  	_ =	swait.ge [sflag:s12], $0x400  }
0x11a: {  	[sflag:s12] =	ssyncset.done $0x0  }
0x11b: {  	[sflag:s12] =	ssyncadd.s32 $0xFFFFFC00  }
0x11c: {  	_ =	swait.ge [sflag:s12], $0x400  }
0x11d: {  	[sflag:s12] =	ssyncset.done $0x0  }
0x11e: {  	[sflag:s12] =	ssyncadd.s32 $0xFFFFFC00  }
0x11f: {  	_ =	swait.ge [sflag:s12], $0x400  }
0x120: {  	[sflag:s12] =	ssyncset.done $0x0  }
0x121: {  	[sflag:s12] =	ssyncadd.s32 $0xFFFFFC00  }
0x122: {  	_ =	swait.ge [sflag:s12], $0x400  }
0x123: {  	[sflag:s12] =	ssyncset.done $0x0  }
0x124: {  	[sflag:s12] =	ssyncadd.s32 $0xFFFFFC00  }
0x125: {  	_ =	swait.ge [sflag:s12], $0x400  }
0x126: {  	[sflag:s12] =	ssyncset.done $0x0  }
0x127: {  	[sflag:s12] =	ssyncadd.s32 $0xFFFFFC00  }
0x128: {  	_ =	swait.ge [sflag:s12], $0x400  }
0x129: {  	[sflag:s12] =	ssyncset.done $0x0  }
0x12a: {  	[sflag:s12] =	ssyncadd.s32 $0xFFFFFC00  }
0x12b: {  	_ =	swait.ge [sflag:s12], $0x400  }
0x12c: {  	[sflag:s12] =	ssyncset.done $0x0  }
0x12d: {  	[sflag:s12] =	ssyncadd.s32 $0xFFFFFC00  }
0x12e: {  	_ =	swait.ge [sflag:s12], $0x400  }
0x12f: {  	[sflag:s12] =	ssyncset.done $0x0  }
0x130: {  	[sflag:s12] =	ssyncadd.s32 $0xFFFFFC00  }
0x131: {  	_ =	swait.ge [sflag:s12], $0x400  }
0x132: {  	[sflag:s12] =	ssyncset.done $0x0  }
0x133: {  	[sflag:s12] =	ssyncadd.s32 $0xFFFFFC00  }
0x134: {  	_ =	swait.ge [sflag:s12], $0x400  }
0x135: {  	[sflag:s12] =	ssyncset.done $0x0  }
0x136: {  	[sflag:s12] =	ssyncadd.s32 $0xFFFFFC00  }
0x137: {  	_ =	swait.ge [sflag:s12], $0x400  }
0x138: {  	[sflag:s12] =	ssyncset.done $0x0  }
0x139: {  	[sflag:s12] =	ssyncadd.s32 $0xFFFFFC00  }
0x13a: {  	_ =	swait.ge [sflag:s12], $0x400  }
0x13b: {  	[sflag:s12] =	ssyncset.done $0x0  }
0x13c: {  	[sflag:s12] =	ssyncadd.s32 $0xFFFFFC00  }
0x13d: {  	_ =	swait.ge [sflag:s12], $0x400  }
0x13e: {  	[sflag:s12] =	ssyncset.done $0x0  }
0x13f: {  	[sflag:s12] =	ssyncadd.s32 $0xFFFFFC00  }
0x140: {  	_ =	swait.ge [sflag:s12], $0x400  }
0x141: {  	[sflag:s12] =	ssyncset.done $0x0  }
0x142: {  	[sflag:s12] =	ssyncadd.s32 $0xFFFFFC00  }
0x143: {  	_ =	swait.ge [sflag:s12], $0x400  }
0x144: {  	[sflag:s12] =	ssyncset.done $0x0  }
0x145: {  	[sflag:s12] =	ssyncadd.s32 $0xFFFFFC00  }
0x146: {  	_ =	swait.ge [sflag:s12], $0x400  }
0x147: {  	[sflag:s12] =	ssyncset.done $0x0  }
0x148: {  	[sflag:s12] =	ssyncadd.s32 $0xFFFFFC00  }
0x149: {  	_ =	swait.ge [sflag:s12], $0x400  }
0x14a: {  	[sflag:s12] =	ssyncset.done $0x0  }
0x14b: {  	[sflag:s12] =	ssyncadd.s32 $0xFFFFFC00  }
0x14c: {  	_ =	swait.ge [sflag:s12], $0x400  }
0x14d: {  	[sflag:s12] =	ssyncset.done $0x0  }
0x14e: {  	[sflag:s12] =	ssyncadd.s32 $0xFFFFFC00  }
0x14f: {  	_ =	swait.ge [sflag:s12], $0x400  }
0x150: {  	[sflag:s12] =	ssyncset.done $0x0  }
0x151: {  	[sflag:s12] =	ssyncadd.s32 $0xFFFFFC00  }
0x152: {  	_ =	swait.ge [sflag:s12], $0x400  }
0x153: {  	[sflag:s12] =	ssyncset.done $0x0  }
0x154: {  	[sflag:s12] =	ssyncadd.s32 $0xFFFFFC00  }
0x155: {  	_ =	swait.ge [sflag:s12], $0x400  }
0x156: {  	[sflag:s12] =	ssyncset.done $0x0  }
0x157: {  	[sflag:s12] =	ssyncadd.s32 $0xFFFFFC00  }
0x158: {  	_ =	swait.ge [sflag:s12], $0x400  }
0x159: {  	[sflag:s12] =	ssyncset.done $0x0  }
0x15a: {  	[sflag:s12] =	ssyncadd.s32 $0xFFFFFC00  }
0x15b: {  	_ =	swait.ge [sflag:s12], $0x400  }
0x15c: {  	[sflag:s12] =	ssyncset.done $0x0  }
0x15d: {  	[sflag:s12] =	ssyncadd.s32 $0xFFFFFC00  }
0x15e: {  	_ =	swait.ge [sflag:s12], $0x400  }
0x15f: {  	[sflag:s12] =	ssyncset.done $0x0  }
0x160: {  	[sflag:s12] =	ssyncadd.s32 $0xFFFFFC00  }
0x161: {  	_ =	swait.ge [sflag:s12], $0x400  }
0x162: {  	[sflag:s12] =	ssyncset.done $0x0  }
0x163: {  	[sflag:s12] =	ssyncadd.s32 $0xFFFFFC00  }
0x164: {  	_ =	swait.ge [sflag:s12], $0x400  }
0x165: {  	[sflag:s12] =	ssyncset.done $0x0  }
0x166: {  	[sflag:s12] =	ssyncadd.s32 $0xFFFFFC00  }
0x167: {  	_ =	swait.ge [sflag:s12], $0x400  }
0x168: {  	[sflag:s12] =	ssyncset.done $0x0  }
0x169: {  	[sflag:s12] =	ssyncadd.s32 $0xFFFFFC00  }
0x16a: {  	_ =	swait.ge [sflag:s12], $0x400  }
0x16b: {  	[sflag:s12] =	ssyncset.done $0x0  }
0x16c: {  	[sflag:s12] =	ssyncadd.s32 $0xFFFFFC00  }
0x16d: {  	_ =	swait.ge [sflag:s12], $0x400  }
0x16e: {  	[sflag:s12] =	ssyncset.done $0x0  }
0x16f: {  	[sflag:s12] =	ssyncadd.s32 $0xFFFFFC00  }
0x170: {  	_ =	swait.ge [sflag:s12], $0x400  }
0x171: {  	[sflag:s12] =	ssyncset.done $0x0  }
0x172: {  	[sflag:s12] =	ssyncadd.s32 $0xFFFFFC00  }
0x173: {  	_ =	swait.ge [sflag:s12], $0x400  }
0x174: {  	[sflag:s12] =	ssyncset.done $0x0  }
0x175: {  	[sflag:s12] =	ssyncadd.s32 $0xFFFFFC00  }
0x176: {  	_ =	swait.ge [sflag:s12], $0x400  }
0x177: {  	[sflag:s12] =	ssyncset.done $0x0  }
0x178: {  	[sflag:s12] =	ssyncadd.s32 $0xFFFFFC00  }
.Ltmp0:
0x179: {  	_ =	swait.ge [sflag:s12], $0x400;
	(pc) =	sbr.rel @p0 .LBB2_4-.Ltmp0, $4  }
0x17a: {  	[sflag:s12] =	ssyncset.done $0x0  }
0x17b: {  	[sflag:s12] =	ssyncadd.s32 $0xFFFFFC00  }
0x17c: {  	_ =	swait.ge [sflag:s12], $0x400  }
0x17d: {  	[sflag:s12] =	ssyncset.done $0x0  }
0x17e: {  	[sflag:s12] =	ssyncadd.s32 $0xFFFFFC00;
	v13 =	vmov s23;
	s23 =	simm.s32 $0x0;
	s24 =	smov.u32 s16  }
.LBB2_6:
0x17f: {  	v14 =	vld [tilespmem:s24+$0x0];
	_ =	sdelay $0x3  }
0x180: {  	v15 =	vmov s23  }
0x181: {  	v15 =	vshll.u32 v15, $0x7;
	v16 =	vsub.s32 v14, v13  }
0x182: {  	v15 =	vand.u32 $0x380, v15;
	v17 =	vshll.u32 v16, $0x3  }
0x183: {  	v18 =	vand.u32 $0x7F, v14;
	v14 =	vbroadcast v15, $0x0;
	v17 =	vand.u32 $0xFFFFFC00, v17  }
0x184: {  	vm0 =	vlt.u32 v16, $0x3600;
	v15 =	vor.u32 v17, v18  }
0x185: {  	s25 =	sadd.s32 s23, s17;
	v26 =	vor.u32 v14, v15  }
0x186: {  	v15 =	vmov s25  }
0x187: {  	v27 =	vshll.u32 v15, $0x8;
	v15 =	vshll.u32 v15, $0x7  }
0x188: {  	v17 =	vand.u32 $0x1800, v27;
	v15 =	vand.u32 $0x380, v15  }
0x189: {  	v15 =	vor.u32 v15, v17  }
0x18a: {  	v17 =	vor.u32 v0, v15;
	v16 =	vld.idx.msk [tilespmem:v26+s13+$0x0], vm0;
	_ =	sdelay $0x4  }
0x18b: {  	[tilespmem:v17+s14+$0x0] =	vst.idx.msk vm0, v16  }
0x18c: {  	v16 =	vld [tilespmem:s24+$0x10];
	_ =	sdelay $0x4  }
0x18d: {  	v28 =	vsub.s32 v16, v13  }
0x18e: {  	v29 =	vshll.u32 v28, $0x3  }
0x18f: {  	v16 =	vand.u32 $0x7F, v16;
	v18 =	vand.u32 $0xFFFFFC00, v29  }
0x190: {  	vm4 =	vlt.u32 v28, $0x3600;
	v16 =	vor.u32 v18, v16  }
0x191: {  	v16 =	vor.u32 v14, v16;
	_ =	sdelay $0x4  }
0x192: {  	v30 =	vor.u32 v1, v15;
	v16 =	vld.idx.msk [tilespmem:v16+s13+$0x0], vm4;
	_ =	sdelay $0x4  }
0x193: {  	[tilespmem:v30+s14+$0x0] =	vst.idx.msk vm4, v16  }
0x194: {  	v16 =	vld [tilespmem:s24+$0x20];
	_ =	sdelay $0x4  }
0x195: {  	v31 =	vsub.s32 v16, v13  }
0x196: {  	v32 =	vshll.u32 v31, $0x3  }
0x197: {  	v16 =	vand.u32 $0x7F, v16;
	v18 =	vand.u32 $0xFFFFFC00, v32  }
0x198: {  	vm5 =	vlt.u32 v31, $0x3600;
	v16 =	vor.u32 v18, v16  }
0x199: {  	v16 =	vor.u32 v14, v16;
	_ =	sdelay $0x4  }
0x19a: {  	v33 =	vor.u32 v2, v15;
	v16 =	vld.idx.msk [tilespmem:v16+s13+$0x0], vm5;
	_ =	sdelay $0x4  }
0x19b: {  	[tilespmem:v33+s14+$0x0] =	vst.idx.msk vm5, v16  }
0x19c: {  	v16 =	vld [tilespmem:s24+$0x30];
	_ =	sdelay $0x4  }
0x19d: {  	v34 =	vsub.s32 v16, v13  }
0x19e: {  	v35 =	vshll.u32 v34, $0x3  }
0x19f: {  	v16 =	vand.u32 $0x7F, v16;
	v18 =	vand.u32 $0xFFFFFC00, v35  }
0x1a0: {  	vm6 =	vlt.u32 v34, $0x3600;
	v16 =	vor.u32 v18, v16  }
0x1a1: {  	v16 =	vor.u32 v14, v16;
	_ =	sdelay $0x4  }
0x1a2: {  	v36 =	vor.u32 v3, v15;
	v16 =	vld.idx.msk [tilespmem:v16+s13+$0x0], vm6;
	_ =	sdelay $0x4  }
0x1a3: {  	[tilespmem:v36+s14+$0x0] =	vst.idx.msk vm6, v16  }
0x1a4: {  	v16 =	vld [tilespmem:s24+$0x40];
	_ =	sdelay $0x4  }
0x1a5: {  	v37 =	vsub.s32 v16, v13  }
0x1a6: {  	v38 =	vshll.u32 v37, $0x3  }
0x1a7: {  	v16 =	vand.u32 $0x7F, v16;
	v18 =	vand.u32 $0xFFFFFC00, v38  }
0x1a8: {  	vm7 =	vlt.u32 v37, $0x3600;
	v16 =	vor.u32 v18, v16  }
0x1a9: {  	v16 =	vor.u32 v14, v16;
	_ =	sdelay $0x4  }
0x1aa: {  	v39 =	vor.u32 v4, v15;
	v16 =	vld.idx.msk [tilespmem:v16+s13+$0x0], vm7;
	_ =	sdelay $0x4  }
0x1ab: {  	[tilespmem:v39+s14+$0x0] =	vst.idx.msk vm7, v16  }
0x1ac: {  	v16 =	vld [tilespmem:s24+$0x50];
	_ =	sdelay $0x4  }
0x1ad: {  	v40 =	vsub.s32 v16, v13  }
0x1ae: {  	v41 =	vshll.u32 v40, $0x3  }
0x1af: {  	v16 =	vand.u32 $0x7F, v16;
	v18 =	vand.u32 $0xFFFFFC00, v41  }
0x1b0: {  	vm8 =	vlt.u32 v40, $0x3600;
	v16 =	vor.u32 v18, v16  }
0x1b1: {  	v16 =	vor.u32 v14, v16;
	_ =	sdelay $0x4  }
0x1b2: {  	v42 =	vor.u32 v5, v15;
	v16 =	vld.idx.msk [tilespmem:v16+s13+$0x0], vm8;
	_ =	sdelay $0x4  }
0x1b3: {  	[tilespmem:v42+s14+$0x0] =	vst.idx.msk vm8, v16  }
0x1b4: {  	v16 =	vld [tilespmem:s24+$0x60];
	_ =	sdelay $0x4  }
0x1b5: {  	v43 =	vsub.s32 v16, v13  }
0x1b6: {  	v44 =	vshll.u32 v43, $0x3  }
0x1b7: {  	v16 =	vand.u32 $0x7F, v16;
	v18 =	vand.u32 $0xFFFFFC00, v44  }
0x1b8: {  	vm9 =	vlt.u32 v43, $0x3600;
	v16 =	vor.u32 v18, v16  }
0x1b9: {  	v16 =	vor.u32 v14, v16;
	_ =	sdelay $0x4  }
0x1ba: {  	v45 =	vor.u32 v6, v15;
	v16 =	vld.idx.msk [tilespmem:v16+s13+$0x0], vm9;
	_ =	sdelay $0x4  }
0x1bb: {  	[tilespmem:v45+s14+$0x0] =	vst.idx.msk vm9, v16  }
0x1bc: {  	v16 =	vld [tilespmem:s24+$0x70];
	_ =	sdelay $0x4  }
0x1bd: {  	v46 =	vsub.s32 v16, v13  }
0x1be: {  	v47 =	vshll.u32 v46, $0x3  }
0x1bf: {  	v16 =	vand.u32 $0x7F, v16;
	v18 =	vand.u32 $0xFFFFFC00, v47  }
0x1c0: {  	vm10 =	vlt.u32 v46, $0x3600;
	v16 =	vor.u32 v18, v16  }
0x1c1: {  	v16 =	vor.u32 v14, v16;
	_ =	sdelay $0x4  }
0x1c2: {  	v48 =	vor.u32 v7, v15;
	v16 =	vld.idx.msk [tilespmem:v16+s13+$0x0], vm10;
	_ =	sdelay $0x4  }
0x1c3: {  	[tilespmem:v48+s14+$0x0] =	vst.idx.msk vm10, v16  }
0x1c4: {  	v16 =	vld [tilespmem:s24+$0x400];
	_ =	sdelay $0x4  }
0x1c5: {  	v49 =	vsub.s32 v16, v13  }
0x1c6: {  	v50 =	vshll.u32 v49, $0x3  }
0x1c7: {  	v16 =	vand.u32 $0x7F, v16;
	v18 =	vand.u32 $0xFFFFFC00, v50  }
0x1c8: {  	vm11 =	vlt.u32 v49, $0x3600;
	v16 =	vor.u32 v18, v16  }
0x1c9: {  	v16 =	vor.u32 v14, v16;
	_ =	sdelay $0x4  }
0x1ca: {  	v51 =	vor.u32 v8, v15;
	v16 =	vld.idx.msk [tilespmem:v16+s13+$0x0], vm11;
	_ =	sdelay $0x4  }
0x1cb: {  	[tilespmem:v51+s14+$0x0] =	vst.idx.msk vm11, v16  }
0x1cc: {  	v16 =	vld [tilespmem:s24+$0x410];
	_ =	sdelay $0x4  }
0x1cd: {  	v52 =	vsub.s32 v16, v13  }
0x1ce: {  	v53 =	vshll.u32 v52, $0x3  }
0x1cf: {  	v16 =	vand.u32 $0x7F, v16;
	v18 =	vand.u32 $0xFFFFFC00, v53  }
0x1d0: {  	vm12 =	vlt.u32 v52, $0x3600;
	v16 =	vor.u32 v18, v16  }
0x1d1: {  	v16 =	vor.u32 v14, v16;
	_ =	sdelay $0x4  }
0x1d2: {  	v54 =	vor.u32 v9, v15;
	v16 =	vld.idx.msk [tilespmem:v16+s13+$0x0], vm12;
	_ =	sdelay $0x4  }
0x1d3: {  	[tilespmem:v54+s14+$0x0] =	vst.idx.msk vm12, v16  }
0x1d4: {  	v16 =	vld [tilespmem:s24+$0x420];
	_ =	sdelay $0x4  }
0x1d5: {  	v55 =	vsub.s32 v16, v13  }
0x1d6: {  	v56 =	vshll.u32 v55, $0x3  }
0x1d7: {  	v16 =	vand.u32 $0x7F, v16;
	v18 =	vand.u32 $0xFFFFFC00, v56  }
0x1d8: {  	vm13 =	vlt.u32 v55, $0x3600;
	v16 =	vor.u32 v18, v16  }
0x1d9: {  	v16 =	vor.u32 v14, v16;
	_ =	sdelay $0x4  }
0x1da: {  	v57 =	vor.u32 v10, v15;
	v16 =	vld.idx.msk [tilespmem:v16+s13+$0x0], vm13;
	_ =	sdelay $0x4  }
0x1db: {  	[tilespmem:v57+s14+$0x0] =	vst.idx.msk vm13, v16  }
0x1dc: {  	v16 =	vld [tilespmem:s24+$0x430];
	_ =	sdelay $0x4  }
0x1dd: {  	v58 =	vsub.s32 v16, v13  }
0x1de: {  	v59 =	vshll.u32 v58, $0x3  }
0x1df: {  	v16 =	vand.u32 $0x7F, v16;
	v18 =	vand.u32 $0xFFFFFC00, v59  }
0x1e0: {  	vm14 =	vlt.u32 v58, $0x3600;
	v16 =	vor.u32 v18, v16  }
0x1e1: {  	v16 =	vor.u32 v14, v16;
	_ =	sdelay $0x4  }
0x1e2: {  	v60 =	vor.u32 v11, v15;
	v16 =	vld.idx.msk [tilespmem:v16+s13+$0x0], vm14;
	_ =	sdelay $0x4  }
0x1e3: {  	[tilespmem:v60+s14+$0x0] =	vst.idx.msk vm14, v16  }
0x1e4: {  	v16 =	vld [tilespmem:s24+$0x438];
	_ =	sdelay $0x4  }
0x1e5: {  	v61 =	vsub.s32 v16, v13  }
0x1e6: {  	v62 =	vshll.u32 v61, $0x3  }
0x1e7: {  	v16 =	vand.u32 $0x7F, v16;
	v18 =	vand.u32 $0xFFFFFC00, v62  }
0x1e8: {  	vm15 =	vlt.u32 v61, $0x3600;
	v16 =	vor.u32 v18, v16  }
0x1e9: {  	v14 =	vor.u32 v14, v16;
	_ =	sdelay $0x4  }
0x1ea: {  	p0 =	sne.s32 s23, $0x7;
	v15 =	vor.u32 v12, v15;
	v14 =	vld.idx.msk [tilespmem:v14+s13+$0x0], vm15  }
.Ltmp1:
0x1eb: {  	_ = 	snop;
	(pc) =	sbr.rel @p0 .LBB2_6-.Ltmp1, $2  }
0x1ec: {  	_ =	sdelay $0x2  }
0x1ed: {  	s23 =	sadd.s32 $0x1, s23;
	s24 =	sadd.s32 $0x80, s24;
	[tilespmem:v15+s14+$0x0] =	vst.idx.msk vm15, v14  }
0x1ee: {  	s21 =	sadd.s32 $0x1, s21  }
0x1ef: {  	p0 =	sne.s32 s21, $0x7  }
.Ltmp2:
0x1f0: {  	_ = 	snop;
	(pc) =	sbr.rel @p0 .LBB2_3-.Ltmp2, $2  }
0x1f1: {  	_ =	sdelay $0x2  }
0x1f2: {  	s22 =	sadd.s32 $0x3600, s22  }
0x1f3: {  	s20 =	smul.u32 $0xC3800, s20;
	_ =	sdelay $0x1  }
0x1f4: {  	s20 =	sshrl.u32 s20, $0x3  }
0x1f5: {  	s20 =	sadd.s32 s3, s20  }
0x1f6: {  	s21 =	sadd.s32 $0x17A00, s20;
	s20 =	simm.s32 $0x0  }
0x1f7: {  	[tilespmem:s13], [sflag:$0x2] =	stream.linear.gather [hbm4b:s21+s20], $0x6400, $0x38;
	v63 =	vld [tilespmem:$0x0]  }
0x1f8: {  	_ =	swait.ge [sflag:s10], $0x6400  }
0x1f9: {  	s31 =	sshll.u32 s19, $0xA;
	[sflag:s10] =	ssyncset.done $0x0  }
0x1fa: {  	s21 =	sand.u32 $0x3FFFFC00, s31;
	[sflag:s10] =	ssyncadd.s32 $0xFFFF9C00  }
0x1fb: {  	v13 =	vld [tilespmem:s21+$0x1D000];
	_ =	sdelay $0x4  }
0x1fc: {  	[tilespmem:$0x8400] =	vst v13  }
0x1fd: {  	v13 =	vld [tilespmem:s21+$0x1D010];
	_ =	sdelay $0x4  }
0x1fe: {  	[tilespmem:$0x8410] =	vst v13  }
0x1ff: {  	v13 =	vld [tilespmem:s21+$0x1D080];
	_ =	sdelay $0x4  }
0x200: {  	[tilespmem:$0x8480] =	vst v13  }
0x201: {  	v13 =	vld [tilespmem:s21+$0x1D090];
	_ =	sdelay $0x4  }
0x202: {  	[tilespmem:$0x8490] =	vst v13  }
0x203: {  	v13 =	vld [tilespmem:s21+$0x1D100];
	_ =	sdelay $0x4  }
0x204: {  	[tilespmem:$0x8500] =	vst v13  }
0x205: {  	v13 =	vld [tilespmem:s21+$0x1D110];
	_ =	sdelay $0x4  }
0x206: {  	[tilespmem:$0x8510] =	vst v13  }
0x207: {  	v13 =	vld [tilespmem:s21+$0x1D180];
	_ =	sdelay $0x4  }
0x208: {  	[tilespmem:$0x8580] =	vst v13  }
0x209: {  	v13 =	vld [tilespmem:s21+$0x1D190];
	_ =	sdelay $0x4  }
0x20a: {  	[tilespmem:$0x8590] =	vst v13  }
0x20b: {  	v13 =	vld [tilespmem:s21+$0x1D200];
	_ =	sdelay $0x4  }
0x20c: {  	[tilespmem:$0x8600] =	vst v13  }
0x20d: {  	v13 =	vld [tilespmem:s21+$0x1D210];
	_ =	sdelay $0x4  }
0x20e: {  	[tilespmem:$0x8610] =	vst v13  }
0x20f: {  	v13 =	vld [tilespmem:s21+$0x1D280];
	_ =	sdelay $0x4  }
0x210: {  	[tilespmem:$0x8680] =	vst v13  }
0x211: {  	v13 =	vld [tilespmem:s21+$0x1D290];
	_ =	sdelay $0x4  }
0x212: {  	[tilespmem:$0x8690] =	vst v13  }
0x213: {  	v13 =	vld [tilespmem:s21+$0x1D300];
	_ =	sdelay $0x4  }
0x214: {  	[tilespmem:$0x8700] =	vst v13  }
0x215: {  	v13 =	vld [tilespmem:s21+$0x1D310];
	_ =	sdelay $0x4  }
0x216: {  	[tilespmem:$0x8710] =	vst v13  }
0x217: {  	v13 =	vld [tilespmem:s21+$0x1D380];
	_ =	sdelay $0x4  }
0x218: {  	[tilespmem:$0x8780] =	vst v13  }
0x219: {  	v13 =	vld [tilespmem:s21+$0x1D390];
	_ =	sdelay $0x4  }
0x21a: {  	s21 =	smov.u32 s16;
	[tilespmem:$0x8790] =	vst v13  }
.LBB2_9:
0x21b: {  	v13 =	vld [tilespmem:s21+$0x0];
	_ =	sdelay $0x3  }
0x21c: {  	v14 =	vmov s20  }
0x21d: {  	v14 =	vshll.u32 v14, $0x7;
	v15 =	vadd.s32 $0xFFFE8600, v13  }
0x21e: {  	v14 =	vand.u32 $0x380, v14;
	v16 =	vshll.u32 v15, $0x3  }
0x21f: {  	v17 =	vand.u32 $0x7F, v13;
	v13 =	vbroadcast v14, $0x0;
	v16 =	vand.u32 $0xFFFFFC00, v16  }
0x220: {  	vm0 =	vlt.u32 v15, $0xCA0;
	v14 =	vor.u32 v16, v17  }
0x221: {  	s22 =	sadd.s32 s20, s17;
	v15 =	vor.u32 v13, v14  }
0x222: {  	v14 =	vmov s22  }
0x223: {  	v27 =	vshll.u32 v14, $0x8;
	v14 =	vshll.u32 v14, $0x7  }
0x224: {  	v16 =	vand.u32 $0x1800, v27;
	v14 =	vand.u32 $0x380, v14  }
0x225: {  	v14 =	vor.u32 v14, v16  }
0x226: {  	v16 =	vor.u32 v0, v14;
	v15 =	vld.idx.msk [tilespmem:v15+s13+$0x0], vm0;
	_ =	sdelay $0x4  }
0x227: {  	[tilespmem:v16+s14+$0x0] =	vst.idx.msk vm0, v15  }
0x228: {  	v15 =	vld [tilespmem:s21+$0x10];
	_ =	sdelay $0x4  }
0x229: {  	v28 =	vadd.s32 $0xFFFE8600, v15  }
0x22a: {  	v29 =	vshll.u32 v28, $0x3  }
0x22b: {  	v15 =	vand.u32 $0x7F, v15;
	v17 =	vand.u32 $0xFFFFFC00, v29  }
0x22c: {  	vm4 =	vlt.u32 v28, $0xCA0;
	v15 =	vor.u32 v17, v15  }
0x22d: {  	v15 =	vor.u32 v13, v15;
	_ =	sdelay $0x4  }
0x22e: {  	v30 =	vor.u32 v1, v14;
	v15 =	vld.idx.msk [tilespmem:v15+s13+$0x0], vm4;
	_ =	sdelay $0x4  }
0x22f: {  	[tilespmem:v30+s14+$0x0] =	vst.idx.msk vm4, v15  }
0x230: {  	v15 =	vld [tilespmem:s21+$0x20];
	_ =	sdelay $0x4  }
0x231: {  	v31 =	vadd.s32 $0xFFFE8600, v15  }
0x232: {  	v32 =	vshll.u32 v31, $0x3  }
0x233: {  	v15 =	vand.u32 $0x7F, v15;
	v17 =	vand.u32 $0xFFFFFC00, v32  }
0x234: {  	vm5 =	vlt.u32 v31, $0xCA0;
	v15 =	vor.u32 v17, v15  }
0x235: {  	v15 =	vor.u32 v13, v15;
	_ =	sdelay $0x4  }
0x236: {  	v33 =	vor.u32 v2, v14;
	v15 =	vld.idx.msk [tilespmem:v15+s13+$0x0], vm5;
	_ =	sdelay $0x4  }
0x237: {  	[tilespmem:v33+s14+$0x0] =	vst.idx.msk vm5, v15  }
0x238: {  	v15 =	vld [tilespmem:s21+$0x30];
	_ =	sdelay $0x4  }
0x239: {  	v34 =	vadd.s32 $0xFFFE8600, v15  }
0x23a: {  	v35 =	vshll.u32 v34, $0x3  }
0x23b: {  	v15 =	vand.u32 $0x7F, v15;
	v17 =	vand.u32 $0xFFFFFC00, v35  }
0x23c: {  	vm6 =	vlt.u32 v34, $0xCA0;
	v15 =	vor.u32 v17, v15  }
0x23d: {  	v15 =	vor.u32 v13, v15;
	_ =	sdelay $0x4  }
0x23e: {  	v36 =	vor.u32 v3, v14;
	v15 =	vld.idx.msk [tilespmem:v15+s13+$0x0], vm6;
	_ =	sdelay $0x4  }
0x23f: {  	[tilespmem:v36+s14+$0x0] =	vst.idx.msk vm6, v15  }
0x240: {  	v15 =	vld [tilespmem:s21+$0x40];
	_ =	sdelay $0x4  }
0x241: {  	v37 =	vadd.s32 $0xFFFE8600, v15  }
0x242: {  	v38 =	vshll.u32 v37, $0x3  }
0x243: {  	v15 =	vand.u32 $0x7F, v15;
	v17 =	vand.u32 $0xFFFFFC00, v38  }
0x244: {  	vm7 =	vlt.u32 v37, $0xCA0;
	v15 =	vor.u32 v17, v15  }
0x245: {  	v15 =	vor.u32 v13, v15;
	_ =	sdelay $0x4  }
0x246: {  	v39 =	vor.u32 v4, v14;
	v15 =	vld.idx.msk [tilespmem:v15+s13+$0x0], vm7;
	_ =	sdelay $0x4  }
0x247: {  	[tilespmem:v39+s14+$0x0] =	vst.idx.msk vm7, v15  }
0x248: {  	v15 =	vld [tilespmem:s21+$0x50];
	_ =	sdelay $0x4  }
0x249: {  	v40 =	vadd.s32 $0xFFFE8600, v15  }
0x24a: {  	v41 =	vshll.u32 v40, $0x3  }
0x24b: {  	v15 =	vand.u32 $0x7F, v15;
	v17 =	vand.u32 $0xFFFFFC00, v41  }
0x24c: {  	vm8 =	vlt.u32 v40, $0xCA0;
	v15 =	vor.u32 v17, v15  }
0x24d: {  	v15 =	vor.u32 v13, v15;
	_ =	sdelay $0x4  }
0x24e: {  	v42 =	vor.u32 v5, v14;
	v15 =	vld.idx.msk [tilespmem:v15+s13+$0x0], vm8;
	_ =	sdelay $0x4  }
0x24f: {  	[tilespmem:v42+s14+$0x0] =	vst.idx.msk vm8, v15  }
0x250: {  	v15 =	vld [tilespmem:s21+$0x60];
	_ =	sdelay $0x4  }
0x251: {  	v43 =	vadd.s32 $0xFFFE8600, v15  }
0x252: {  	v44 =	vshll.u32 v43, $0x3  }
0x253: {  	v15 =	vand.u32 $0x7F, v15;
	v17 =	vand.u32 $0xFFFFFC00, v44  }
0x254: {  	vm9 =	vlt.u32 v43, $0xCA0;
	v15 =	vor.u32 v17, v15  }
0x255: {  	v15 =	vor.u32 v13, v15;
	_ =	sdelay $0x4  }
0x256: {  	v45 =	vor.u32 v6, v14;
	v15 =	vld.idx.msk [tilespmem:v15+s13+$0x0], vm9;
	_ =	sdelay $0x4  }
0x257: {  	[tilespmem:v45+s14+$0x0] =	vst.idx.msk vm9, v15  }
0x258: {  	v15 =	vld [tilespmem:s21+$0x70];
	_ =	sdelay $0x4  }
0x259: {  	v46 =	vadd.s32 $0xFFFE8600, v15  }
0x25a: {  	v47 =	vshll.u32 v46, $0x3  }
0x25b: {  	v15 =	vand.u32 $0x7F, v15;
	v17 =	vand.u32 $0xFFFFFC00, v47  }
0x25c: {  	vm10 =	vlt.u32 v46, $0xCA0;
	v15 =	vor.u32 v17, v15  }
0x25d: {  	v15 =	vor.u32 v13, v15;
	_ =	sdelay $0x4  }
0x25e: {  	v48 =	vor.u32 v7, v14;
	v15 =	vld.idx.msk [tilespmem:v15+s13+$0x0], vm10;
	_ =	sdelay $0x4  }
0x25f: {  	[tilespmem:v48+s14+$0x0] =	vst.idx.msk vm10, v15  }
0x260: {  	v15 =	vld [tilespmem:s21+$0x400];
	_ =	sdelay $0x4  }
0x261: {  	v49 =	vadd.s32 $0xFFFE8600, v15  }
0x262: {  	v50 =	vshll.u32 v49, $0x3  }
0x263: {  	v15 =	vand.u32 $0x7F, v15;
	v17 =	vand.u32 $0xFFFFFC00, v50  }
0x264: {  	vm11 =	vlt.u32 v49, $0xCA0;
	v15 =	vor.u32 v17, v15  }
0x265: {  	v15 =	vor.u32 v13, v15;
	_ =	sdelay $0x4  }
0x266: {  	v51 =	vor.u32 v8, v14;
	v15 =	vld.idx.msk [tilespmem:v15+s13+$0x0], vm11;
	_ =	sdelay $0x4  }
0x267: {  	[tilespmem:v51+s14+$0x0] =	vst.idx.msk vm11, v15  }
0x268: {  	v15 =	vld [tilespmem:s21+$0x410];
	_ =	sdelay $0x4  }
0x269: {  	v52 =	vadd.s32 $0xFFFE8600, v15  }
0x26a: {  	v53 =	vshll.u32 v52, $0x3  }
0x26b: {  	v15 =	vand.u32 $0x7F, v15;
	v17 =	vand.u32 $0xFFFFFC00, v53  }
0x26c: {  	vm12 =	vlt.u32 v52, $0xCA0;
	v15 =	vor.u32 v17, v15  }
0x26d: {  	v15 =	vor.u32 v13, v15;
	_ =	sdelay $0x4  }
0x26e: {  	v54 =	vor.u32 v9, v14;
	v15 =	vld.idx.msk [tilespmem:v15+s13+$0x0], vm12;
	_ =	sdelay $0x4  }
0x26f: {  	[tilespmem:v54+s14+$0x0] =	vst.idx.msk vm12, v15  }
0x270: {  	v15 =	vld [tilespmem:s21+$0x420];
	_ =	sdelay $0x4  }
0x271: {  	v55 =	vadd.s32 $0xFFFE8600, v15  }
0x272: {  	v56 =	vshll.u32 v55, $0x3  }
0x273: {  	v15 =	vand.u32 $0x7F, v15;
	v17 =	vand.u32 $0xFFFFFC00, v56  }
0x274: {  	vm13 =	vlt.u32 v55, $0xCA0;
	v15 =	vor.u32 v17, v15  }
0x275: {  	v15 =	vor.u32 v13, v15;
	_ =	sdelay $0x4  }
0x276: {  	v57 =	vor.u32 v10, v14;
	v15 =	vld.idx.msk [tilespmem:v15+s13+$0x0], vm13;
	_ =	sdelay $0x4  }
0x277: {  	[tilespmem:v57+s14+$0x0] =	vst.idx.msk vm13, v15  }
0x278: {  	v15 =	vld [tilespmem:s21+$0x430];
	_ =	sdelay $0x4  }
0x279: {  	v58 =	vadd.s32 $0xFFFE8600, v15  }
0x27a: {  	v59 =	vshll.u32 v58, $0x3  }
0x27b: {  	v15 =	vand.u32 $0x7F, v15;
	v17 =	vand.u32 $0xFFFFFC00, v59  }
0x27c: {  	vm14 =	vlt.u32 v58, $0xCA0;
	v15 =	vor.u32 v17, v15  }
0x27d: {  	v15 =	vor.u32 v13, v15;
	_ =	sdelay $0x4  }
0x27e: {  	v60 =	vor.u32 v11, v14;
	v15 =	vld.idx.msk [tilespmem:v15+s13+$0x0], vm14;
	_ =	sdelay $0x4  }
0x27f: {  	[tilespmem:v60+s14+$0x0] =	vst.idx.msk vm14, v15  }
0x280: {  	v15 =	vld [tilespmem:s21+$0x438];
	_ =	sdelay $0x4  }
0x281: {  	v61 =	vadd.s32 $0xFFFE8600, v15  }
0x282: {  	v62 =	vshll.u32 v61, $0x3  }
0x283: {  	v15 =	vand.u32 $0x7F, v15;
	v17 =	vand.u32 $0xFFFFFC00, v62  }
0x284: {  	vm15 =	vlt.u32 v61, $0xCA0;
	v15 =	vor.u32 v17, v15  }
0x285: {  	v13 =	vor.u32 v13, v15;
	_ =	sdelay $0x4  }
0x286: {  	p0 =	sne.s32 s20, $0x7;
	v14 =	vor.u32 v12, v14;
	v13 =	vld.idx.msk [tilespmem:v13+s13+$0x0], vm15  }
.Ltmp3:
0x287: {  	_ = 	snop;
	(pc) =	sbr.rel @p0 .LBB2_9-.Ltmp3, $2  }
0x288: {  	_ =	sdelay $0x2  }
0x289: {  	s20 =	sadd.s32 $0x1, s20;
	s21 =	sadd.s32 $0x80, s21;
	[tilespmem:v14+s14+$0x0] =	vst.idx.msk vm15, v13  }
0x28a: {  	s19 =	sadd.s32 $0x1, s19  }
0x28b: {  	p0 =	sne.s32 s19, $0x4  }
.Ltmp4:
0x28c: {  	_ = 	snop;
	(pc) =	sbr.rel @p0 .LBB2_2-.Ltmp4, $2  }
0x28d: {  	_ =	sdelay $0x2  }
0x28e: {  	s18 =	sadd.s32 $0x18700, s18;
	s17 =	sadd.s32 $0x8, s17;
	s16 =	sadd.s32 $0x800, s16  }
0x28f: {  	s15 =	sadd.s32 $0x1, s15  }
0x290: {  	p0 =	sne.s32 s15, s8  }
.Ltmp5:
0x291: {  	_ = 	snop;
	(pc) =	sbr.rel @p0 .LBB2_1-.Ltmp5, $4  }
0x292: {  	[hbm4b:s7+s2] =	stream.linear.scatter [tilespmem:s14], [sflag:$0x2], $0x2000, $0x38;
	v63 =	vld [tilespmem:$0x0]  }
0x293: {  	_ =	swait.ge [sflag:s10], $0x2000  }
0x294: {  	[sflag:s10] =	ssyncset.done $0x0  }
0x295: {  	[sflag:s10] =	ssyncadd.s32 $0xFFFFE000  }
0x296: {  	_ =	sfence.sel $0x180000  }
0x297: {  	[bflag:$0x0] =	sbarrier.arrive $0xFFFF  }
0x298: {  	p0 =	sne.s32 s1, $0x0;
	_ =	strace $0x90000047  }
0x299: {  	s0 =	sadd.s32 @!p0 $0x100000, s0;
	[bflag:$0x2] =	sbarrier.arrive $0xFFFF  }
0x29a: {  	[sflag:s0] =	ssyncadd.tile.s32 @!p0 $0x1;
	_ =	shalt  }
.Lfunc_end2:
_tile_overlayer_lowered:
.L_overlay_start_2:
0x29b: {  	(tag) =	ssettag $0x2  }
0x29c: {  	s0 =	rddreg [dreg:$0x0];
	s2 =	stileid.u32  }
0x29d: {  	s1 =	rddreg [dreg:$0x1];
	p0 =	sne.s32 s2, $0x0  }
0x29e: {  	s3 =	rddreg [dreg:$0x2];
	[bflag:$0x3] =	sbarrier.arrive $0xFFFF;
	s2 =	simm.s32 @!p0 $0x1C02  }
0x29f: {  	[timem:s3], [sflag:s2] =	dma.local @!p0 [hbm:s0], s1  }
0x2a0: {  	s0 =	simm.s32 @!p0 $0x2  }
0x2a1: {  	_ =	swait.ge @!p0 [sflag:s0], s1  }
0x2a2: {  	s1 =	ssub.s32 @!p0 $0x0, s1;
	[sflag:s0] =	ssyncset.done @!p0 $0x0  }
0x2a3: {  	[sflag:s0] =	ssyncadd.s32 @!p0 s1  }
0x2a4: {  	[bflag:$0x3] =	sbarrier.arrive $0xFFFF  }
0x2a5: {  	_ =	shalt  }

</sc_bundles>
